<compile_context>
chip_gen: v7x
topology: tpu7x:2x2x1
jax: 0.10.2.dev20260603
libtpu: 0.0.44.dev20260713+nightly
codegen_flags: <defaults>
</compile_context>

<pallas_src>
import functools
import math

import jax
import jax.numpy as jnp
from jax import lax
from jax.experimental import pallas as pl
from jax.experimental.pallas import tpu as pltpu
from jax.experimental.pallas import tpu_sc as plsc

_D = 128
_LANES = 16
_SCALE = math.sqrt(float(_D))
_NC = 2
_NS = 16
_NW = _NC * _NS
_NBUF = 6
_SKEW = 3


@jax.jit
def _embed(xt, table):
    seq, nb = xt.shape
    bpw = nb // _NW
    mesh = plsc.VectorSubcoreMesh(
        core_axis_name="c", subcore_axis_name="s",
        num_cores=_NC, num_subcores=_NS)

    @functools.partial(
        pl.kernel,
        mesh=mesh,
        out_type=jax.ShapeDtypeStruct((seq, nb, _D), jnp.float32),
        scratch_types=(
            [pltpu.VMEM((seq, bpw), jnp.int32),
             pltpu.VMEM((_NBUF, bpw, _D), jnp.float32)]
            + [pltpu.SemaphoreType.DMA] * (2 * _NBUF)
        ),
    )
    def body(xt_hbm, tab_hbm, out_hbm, idx_v, bufs, *sems):
        gsems = sems[:_NBUF]
        osems = sems[_NBUF:]
        wid = lax.axis_index("s") * _NC + lax.axis_index("c")
        col0 = wid * bpw

        def start_gather(j, b):
            pltpu.async_copy(tab_hbm.at[idx_v.at[j]], bufs.at[b], gsems[b])

        def wait_gather(b):
            pltpu.make_async_copy(
                tab_hbm.at[idx_v.at[0]], bufs.at[b], gsems[b]).wait()

        def start_out(j, b):
            pltpu.async_copy(
                bufs.at[b], out_hbm.at[j, pl.ds(col0, bpw)], osems[b])

        def wait_out(b):
            pltpu.make_async_copy(
                bufs.at[b], out_hbm.at[0, pl.ds(col0, bpw)], osems[b]).wait()

        def scale(b):
            buf = bufs.at[b]

            def row(i, c):
                for k in range(_D // _LANES):
                    sl = pl.ds(k * _LANES, _LANES)
                    buf[i, sl] = buf[i, sl] * _SCALE
                return c

            lax.fori_loop(0, bpw, row, 0)

        pltpu.sync_copy(xt_hbm.at[:, pl.ds(col0, bpw)], idx_v)
        for j in range(min(_SKEW, seq)):
            start_gather(j, j)

        def visit(j, b, static):
            b2 = (b + _SKEW) % _NBUF
            if static:
                if j >= _SKEW:
                    wait_out(b2)
                if j + _SKEW < seq:
                    start_gather(j + _SKEW, b2)
            else:
                @pl.when(j >= _SKEW)
                def _():
                    wait_out(b2)

                @pl.when(j + _SKEW < seq)
                def _():
                    start_gather(j + _SKEW, b2)

            wait_gather(b)
            scale(b)
            start_out(j, b)

        n_groups = seq // _NBUF

        def group(p, carry):
            for b in range(_NBUF):
                visit(p * _NBUF + b, b, False)
            return carry

        lax.fori_loop(0, n_groups, group, 0)

        for j in range(n_groups * _NBUF, seq):
            visit(j, j % _NBUF, True)

        for t in range(min(_SKEW, seq)):
            wait_out((seq - min(_SKEW, seq) + t) % _NBUF)

    return body(xt, table)


def kernel(x, table):
    b, s = x.shape
    x = x.astype(jnp.int32)
    padded = -(-b // _NW) * _NW
    if padded != b:
        x = jnp.concatenate([x, jnp.zeros((padded - b, s), jnp.int32)])
    out_t = _embed(jnp.swapaxes(x, 0, 1), table)
    out = jnp.swapaxes(out_t, 0, 1)
    return out[:b] if padded != b else out

# --- scband reference (transcript-rebuilt; emitter-appended) ---
"""Pipeline reference for scband-input-embedding-7713761264178 (READ-ONLY COPY).

The authoritative reference and input builder live on the scoring server;
editing this copy changes nothing except your own understanding.
"""

import jax, jax.numpy as jnp
import numpy as np
import math

D_MODEL = 128
VOCAB_SIZE = 100000
BATCH = 4096
SEQ = 50

def setup_inputs(seed: int = 0) -> dict:
    key = jax.random.key(seed)
    k1, k2 = jax.random.split(key)
    x = jax.random.randint(k1, (BATCH, SEQ), 0, VOCAB_SIZE, dtype=jnp.int64 if jax.config.read('jax_enable_x64') else jnp.int32)
    table = jax.random.normal(k2, (VOCAB_SIZE, D_MODEL), dtype=jnp.float32)
    return {"x": x, "table": table}

def reference(x, table):
    emb = jnp.take(table, x, axis=0)
    return emb * math.sqrt(D_MODEL)

if __name__ == "__main__":
    import jax
    _d = setup_inputs()
    print(jax.jit(kernel)(*tuple(_d.values())))

</pallas_src>

<mosaic_0001>
#map = affine_map<(d0, d1) -> (0, 0)>
#map1 = affine_map<(d0, d1) -> (0, 0, 0)>
module attributes {stable_mosaic.version = 14 : i64} {
  func.func @body(%arg0: i32, %arg1: i32, %arg2: memref<50x4096xi32, #tpu.memory_space<hbm>>, %arg3: memref<100000x128xf32, #tpu.memory_space<hbm>>, %arg4: memref<50x4096x128xf32, #tpu.memory_space<hbm>>, %arg5: memref<50x128xi32, #tpu.memory_space<vmem>>, %arg6: memref<6x128x128xf32, #tpu.memory_space<vmem>>, %arg7: memref<!tpu.dma_semaphore, #tpu.memory_space<semaphore_mem>>, %arg8: memref<!tpu.dma_semaphore, #tpu.memory_space<semaphore_mem>>, %arg9: memref<!tpu.dma_semaphore, #tpu.memory_space<semaphore_mem>>, %arg10: memref<!tpu.dma_semaphore, #tpu.memory_space<semaphore_mem>>, %arg11: memref<!tpu.dma_semaphore, #tpu.memory_space<semaphore_mem>>, %arg12: memref<!tpu.dma_semaphore, #tpu.memory_space<semaphore_mem>>, %arg13: memref<!tpu.dma_semaphore, #tpu.memory_space<semaphore_mem>>, %arg14: memref<!tpu.dma_semaphore, #tpu.memory_space<semaphore_mem>>, %arg15: memref<!tpu.dma_semaphore, #tpu.memory_space<semaphore_mem>>, %arg16: memref<!tpu.dma_semaphore, #tpu.memory_space<semaphore_mem>>, %arg17: memref<!tpu.dma_semaphore, #tpu.memory_space<semaphore_mem>>, %arg18: memref<!tpu.dma_semaphore, #tpu.memory_space<semaphore_mem>>) attributes {dimension_semantics = [#tpu.dimension_semantics<core_parallel>, #tpu.dimension_semantics<subcore_parallel>], iteration_bounds = array<i64: 2, 16>, scalar_prefetch = 0 : i64, scratch_operands = 14 : i64, tpu.core_type = #tpu.core_type<sc_vector_subcore>, window_params = [{transform_indices = #map}, {transform_indices = #map}, {transform_indices = #map1}]} {
    %mul3A = arith.constant 2 : i32
    %mul3A_0 = arith.muli %arg1, %mul3A : i32
    %add3A = arith.addi %mul3A_0, %arg0 : i32
    %mul3A_1 = arith.constant 128 : i32
    %mul3A_2 = arith.muli %add3A, %mul3A_1 : i32
    "tpu.region"() ({
      %run_scoped3A = tpu.sem_alloc : memref<!tpu.dma_semaphore, #tpu.memory_space<semaphore_mem>>
      %dma_start3A_192 = arith.constant 0 : i32
      %dma_start3A_193 = tpu.memref_slice %arg2[%dma_start3A_192, %mul3A_2] : memref<50x4096xi32, #tpu.memory_space<hbm>> -> memref<50x128xi32, #tpu.memory_space<hbm>>
      %dma_start3A_194 = arith.constant 0 : i32
      %dma_start3A_195 = tpu.memref_slice %arg2[%dma_start3A_194, %mul3A_2] : memref<50x4096xi32, #tpu.memory_space<hbm>> -> memref<50x128xi32, #tpu.memory_space<hbm>>
      tpu.enqueue_dma source(%dma_start3A_195 : memref<50x128xi32, #tpu.memory_space<hbm>>) target(%arg5 : memref<50x128xi32, #tpu.memory_space<vmem>>) target_semaphore(%run_scoped3A : memref<!tpu.dma_semaphore, #tpu.memory_space<semaphore_mem>>)
      %dma_wait3A_196 = arith.constant 0 : i32
      %dma_wait3A_197 = tpu.memref_slice %arg2[%dma_wait3A_196, %mul3A_2] : memref<50x4096xi32, #tpu.memory_space<hbm>> -> memref<50x128xi32, #tpu.memory_space<hbm>>
      %dma_wait3A_198 = arith.constant 0 : i32
      %dma_wait3A_199 = tpu.memref_slice %arg2[%dma_wait3A_198, %mul3A_2] : memref<50x4096xi32, #tpu.memory_space<hbm>> -> memref<50x128xi32, #tpu.memory_space<hbm>>
      tpu.wait_dma2 semaphore(%run_scoped3A : memref<!tpu.dma_semaphore, #tpu.memory_space<semaphore_mem>>) src(%dma_wait3A_199 : memref<50x128xi32, #tpu.memory_space<hbm>>) dst(%arg5 : memref<50x128xi32, #tpu.memory_space<vmem>>)
      tpu.yield
    }) : () -> ()
    %dma_start3A = arith.constant 0 : i32
    %dma_start3A_3 = arith.constant 0 : i32
    %dma_start3A_4 = arith.constant 0 : i32
    %dma_start3A_5 = arith.constant 0 : i32
    %dma_start3A_6 = tpu.memref_slice %arg6[%dma_start3A_3, %dma_start3A_4, %dma_start3A_5] : memref<6x128x128xf32, #tpu.memory_space<vmem>> -> memref<1x128x128xf32, #tpu.memory_space<vmem>>
    %dma_start3A_7 = tpu.memref_squeeze %dma_start3A_6 : memref<1x128x128xf32, #tpu.memory_space<vmem>> -> memref<128x128xf32, #tpu.memory_space<vmem>>
    %dma_start3A_8 = arith.constant 0 : i32
    %dma_start3A_9 = tpu.memref_slice %arg5[%dma_start3A, %dma_start3A_8] : memref<50x128xi32, #tpu.memory_space<vmem>> -> memref<1x128xi32, #tpu.memory_space<vmem>>
    %dma_start3A_10 = tpu.memref_squeeze %dma_start3A_9 : memref<1x128xi32, #tpu.memory_space<vmem>> -> memref<128xi32, #tpu.memory_space<vmem>>
    %dma_start3A_11 = arith.constant 0 : i32
    %dma_start3A_12 = arith.constant 0 : i32
    %dma_start3A_13 = tpu.memref_slice %arg3[%dma_start3A_11, %dma_start3A_12] : memref<100000x128xf32, #tpu.memory_space<hbm>> -> memref<100000x128xf32, #tpu.memory_space<hbm>>
    tpu.enqueue_indirect_dma source(%dma_start3A_13 : memref<100000x128xf32, #tpu.memory_space<hbm>>) target(%dma_start3A_7 : memref<128x128xf32, #tpu.memory_space<vmem>>) offsets(%dma_start3A_10 : memref<128xi32, #tpu.memory_space<vmem>>) semaphore(%arg7 : memref<!tpu.dma_semaphore, #tpu.memory_space<semaphore_mem>>)
    %dma_start3A_14 = arith.constant 1 : i32
    %dma_start3A_15 = arith.constant 1 : i32
    %dma_start3A_16 = arith.constant 0 : i32
    %dma_start3A_17 = arith.constant 0 : i32
    %dma_start3A_18 = tpu.memref_slice %arg6[%dma_start3A_15, %dma_start3A_16, %dma_start3A_17] : memref<6x128x128xf32, #tpu.memory_space<vmem>> -> memref<1x128x128xf32, #tpu.memory_space<vmem>>
    %dma_start3A_19 = tpu.memref_squeeze %dma_start3A_18 : memref<1x128x128xf32, #tpu.memory_space<vmem>> -> memref<128x128xf32, #tpu.memory_space<vmem>>
    %dma_start3A_20 = arith.constant 0 : i32
    %dma_start3A_21 = tpu.memref_slice %arg5[%dma_start3A_14, %dma_start3A_20] : memref<50x128xi32, #tpu.memory_space<vmem>> -> memref<1x128xi32, #tpu.memory_space<vmem>>
    %dma_start3A_22 = tpu.memref_squeeze %dma_start3A_21 : memref<1x128xi32, #tpu.memory_space<vmem>> -> memref<128xi32, #tpu.memory_space<vmem>>
    %dma_start3A_23 = arith.constant 0 : i32
    %dma_start3A_24 = arith.constant 0 : i32
    %dma_start3A_25 = tpu.memref_slice %arg3[%dma_start3A_23, %dma_start3A_24] : memref<100000x128xf32, #tpu.memory_space<hbm>> -> memref<100000x128xf32, #tpu.memory_space<hbm>>
    tpu.enqueue_indirect_dma source(%dma_start3A_25 : memref<100000x128xf32, #tpu.memory_space<hbm>>) target(%dma_start3A_19 : memref<128x128xf32, #tpu.memory_space<vmem>>) offsets(%dma_start3A_22 : memref<128xi32, #tpu.memory_space<vmem>>) semaphore(%arg8 : memref<!tpu.dma_semaphore, #tpu.memory_space<semaphore_mem>>)
    %dma_start3A_26 = arith.constant 2 : i32
    %dma_start3A_27 = arith.constant 2 : i32
    %dma_start3A_28 = arith.constant 0 : i32
    %dma_start3A_29 = arith.constant 0 : i32
    %dma_start3A_30 = tpu.memref_slice %arg6[%dma_start3A_27, %dma_start3A_28, %dma_start3A_29] : memref<6x128x128xf32, #tpu.memory_space<vmem>> -> memref<1x128x128xf32, #tpu.memory_space<vmem>>
    %dma_start3A_31 = tpu.memref_squeeze %dma_start3A_30 : memref<1x128x128xf32, #tpu.memory_space<vmem>> -> memref<128x128xf32, #tpu.memory_space<vmem>>
    %dma_start3A_32 = arith.constant 0 : i32
    %dma_start3A_33 = tpu.memref_slice %arg5[%dma_start3A_26, %dma_start3A_32] : memref<50x128xi32, #tpu.memory_space<vmem>> -> memref<1x128xi32, #tpu.memory_space<vmem>>
    %dma_start3A_34 = tpu.memref_squeeze %dma_start3A_33 : memref<1x128xi32, #tpu.memory_space<vmem>> -> memref<128xi32, #tpu.memory_space<vmem>>
    %dma_start3A_35 = arith.constant 0 : i32
    %dma_start3A_36 = arith.constant 0 : i32
    %dma_start3A_37 = tpu.memref_slice %arg3[%dma_start3A_35, %dma_start3A_36] : memref<100000x128xf32, #tpu.memory_space<hbm>> -> memref<100000x128xf32, #tpu.memory_space<hbm>>
    tpu.enqueue_indirect_dma source(%dma_start3A_37 : memref<100000x128xf32, #tpu.memory_space<hbm>>) target(%dma_start3A_31 : memref<128x128xf32, #tpu.memory_space<vmem>>) offsets(%dma_start3A_34 : memref<128xi32, #tpu.memory_space<vmem>>) semaphore(%arg9 : memref<!tpu.dma_semaphore, #tpu.memory_space<semaphore_mem>>)
    %scan3A = arith.constant 0 : i32
    %scan3A_38 = arith.constant 0 : i32
    %scan3A_39 = arith.constant 8 : i32
    %scan3A_40 = arith.addi %scan3A_38, %scan3A_39 : i32
    %scan3A_41 = arith.constant 1 : i32
    scf.for %scan3A_192 = %scan3A_38 to %scan3A_40 step %scan3A_41  : i32 {
      %mul3A_193 = arith.constant 6 : i32
      %mul3A_194 = arith.muli %scan3A_192, %mul3A_193 : i32
      %add3A_195 = arith.constant 0 : i32
      %add3A_196 = arith.addi %mul3A_194, %add3A_195 : i32
      %ge3A = arith.constant 3 : i32
      %ge3A_197 = arith.cmpi sge, %add3A_196, %ge3A : i32
      %convert_element_type3A = arith.extui %ge3A_197 : i1 to i32
      %cond3A = arith.constant 0 : i32
      %cond3A_198 = arith.cmpi ne, %convert_element_type3A, %cond3A : i32
      scf.if %cond3A_198 {
        %dma_wait3A_489 = arith.constant 3 : i32
        %dma_wait3A_490 = arith.constant 0 : i32
        %dma_wait3A_491 = arith.constant 0 : i32
        %dma_wait3A_492 = arith.constant 0 : i32
        %dma_wait3A_493 = tpu.memref_slice %arg6[%dma_wait3A_489, %dma_wait3A_491, %dma_wait3A_492] : memref<6x128x128xf32, #tpu.memory_space<vmem>> -> memref<1x128x128xf32, #tpu.memory_space<vmem>>
        %dma_wait3A_494 = tpu.memref_squeeze %dma_wait3A_493 : memref<1x128x128xf32, #tpu.memory_space<vmem>> -> memref<128x128xf32, #tpu.memory_space<vmem>>
        %dma_wait3A_495 = arith.constant 0 : i32
        %dma_wait3A_496 = tpu.memref_slice %arg4[%dma_wait3A_490, %mul3A_2, %dma_wait3A_495] : memref<50x4096x128xf32, #tpu.memory_space<hbm>> -> memref<1x128x128xf32, #tpu.memory_space<hbm>>
        %dma_wait3A_497 = tpu.memref_squeeze %dma_wait3A_496 : memref<1x128x128xf32, #tpu.memory_space<hbm>> -> memref<128x128xf32, #tpu.memory_space<hbm>>
        %dma_wait3A_498 = arith.constant 0 : i32
        %dma_wait3A_499 = tpu.memref_slice %arg4[%dma_wait3A_490, %mul3A_2, %dma_wait3A_498] : memref<50x4096x128xf32, #tpu.memory_space<hbm>> -> memref<1x128x128xf32, #tpu.memory_space<hbm>>
        %dma_wait3A_500 = tpu.memref_squeeze %dma_wait3A_499 : memref<1x128x128xf32, #tpu.memory_space<hbm>> -> memref<128x128xf32, #tpu.memory_space<hbm>>
        %dma_wait3A_501 = arith.constant 0 : i32
        %dma_wait3A_502 = arith.constant 0 : i32
        %dma_wait3A_503 = tpu.memref_slice %arg6[%dma_wait3A_489, %dma_wait3A_501, %dma_wait3A_502] : memref<6x128x128xf32, #tpu.memory_space<vmem>> -> memref<1x128x128xf32, #tpu.memory_space<vmem>>
        %dma_wait3A_504 = tpu.memref_squeeze %dma_wait3A_503 : memref<1x128x128xf32, #tpu.memory_space<vmem>> -> memref<128x128xf32, #tpu.memory_space<vmem>>
        tpu.wait_dma2 semaphore(%arg16 : memref<!tpu.dma_semaphore, #tpu.memory_space<semaphore_mem>>) src(%dma_wait3A_504 : memref<128x128xf32, #tpu.memory_space<vmem>>) dst(%dma_wait3A_500 : memref<128x128xf32, #tpu.memory_space<hbm>>)
      } else {
      }
      %add3A_199 = arith.constant 3 : i32
      %add3A_200 = arith.addi %add3A_196, %add3A_199 : i32
      %lt3A = arith.constant 50 : i32
      %lt3A_201 = arith.cmpi slt, %add3A_200, %lt3A : i32
      %convert_element_type3A_202 = arith.extui %lt3A_201 : i1 to i32
      %cond3A_203 = arith.constant 0 : i32
      %cond3A_204 = arith.cmpi ne, %convert_element_type3A_202, %cond3A_203 : i32
      scf.if %cond3A_204 {
        %add3A_489 = arith.constant 3 : i32
        %add3A_490 = arith.addi %add3A_196, %add3A_489 : i32
        %dma_start3A_491 = arith.constant 3 : i32
        %dma_start3A_492 = arith.constant 0 : i32
        %dma_start3A_493 = arith.constant 0 : i32
        %dma_start3A_494 = tpu.memref_slice %arg6[%dma_start3A_491, %dma_start3A_492, %dma_start3A_493] : memref<6x128x128xf32, #tpu.memory_space<vmem>> -> memref<1x128x128xf32, #tpu.memory_space<vmem>>
        %dma_start3A_495 = tpu.memref_squeeze %dma_start3A_494 : memref<1x128x128xf32, #tpu.memory_space<vmem>> -> memref<128x128xf32, #tpu.memory_space<vmem>>
        %dma_start3A_496 = arith.constant 0 : i32
        %dma_start3A_497 = tpu.memref_slice %arg5[%add3A_490, %dma_start3A_496] : memref<50x128xi32, #tpu.memory_space<vmem>> -> memref<1x128xi32, #tpu.memory_space<vmem>>
        %dma_start3A_498 = tpu.memref_squeeze %dma_start3A_497 : memref<1x128xi32, #tpu.memory_space<vmem>> -> memref<128xi32, #tpu.memory_space<vmem>>
        %dma_start3A_499 = arith.constant 0 : i32
        %dma_start3A_500 = arith.constant 0 : i32
        %dma_start3A_501 = tpu.memref_slice %arg3[%dma_start3A_499, %dma_start3A_500] : memref<100000x128xf32, #tpu.memory_space<hbm>> -> memref<100000x128xf32, #tpu.memory_space<hbm>>
        tpu.enqueue_indirect_dma source(%dma_start3A_501 : memref<100000x128xf32, #tpu.memory_space<hbm>>) target(%dma_start3A_495 : memref<128x128xf32, #tpu.memory_space<vmem>>) offsets(%dma_start3A_498 : memref<128xi32, #tpu.memory_space<vmem>>) semaphore(%arg10 : memref<!tpu.dma_semaphore, #tpu.memory_space<semaphore_mem>>)
      } else {
      }
      %dma_wait3A_205 = arith.constant 0 : i32
      %dma_wait3A_206 = arith.constant 0 : i32
      %dma_wait3A_207 = arith.constant 0 : i32
      %dma_wait3A_208 = arith.constant 0 : i32
      %dma_wait3A_209 = tpu.memref_slice %arg6[%dma_wait3A_206, %dma_wait3A_207, %dma_wait3A_208] : memref<6x128x128xf32, #tpu.memory_space<vmem>> -> memref<1x128x128xf32, #tpu.memory_space<vmem>>
      %dma_wait3A_210 = tpu.memref_squeeze %dma_wait3A_209 : memref<1x128x128xf32, #tpu.memory_space<vmem>> -> memref<128x128xf32, #tpu.memory_space<vmem>>
      %dma_wait3A_211 = arith.constant 0 : i32
      %dma_wait3A_212 = tpu.memref_slice %arg5[%dma_wait3A_205, %dma_wait3A_211] : memref<50x128xi32, #tpu.memory_space<vmem>> -> memref<1x128xi32, #tpu.memory_space<vmem>>
      %dma_wait3A_213 = tpu.memref_squeeze %dma_wait3A_212 : memref<1x128xi32, #tpu.memory_space<vmem>> -> memref<128xi32, #tpu.memory_space<vmem>>
      %dma_wait3A_214 = arith.constant 0 : i32
      %dma_wait3A_215 = arith.constant 0 : i32
      %dma_wait3A_216 = tpu.memref_slice %arg3[%dma_wait3A_214, %dma_wait3A_215] : memref<100000x128xf32, #tpu.memory_space<hbm>> -> memref<100000x128xf32, #tpu.memory_space<hbm>>
      tpu.wait_indirect_dma semaphore(%arg7 : memref<!tpu.dma_semaphore, #tpu.memory_space<semaphore_mem>>) src(%dma_wait3A_216 : memref<100000x128xf32, #tpu.memory_space<hbm>>) dst(%dma_wait3A_210 : memref<128x128xf32, #tpu.memory_space<vmem>>)
      %scan3A_217 = arith.constant 0 : i32
      %scan3A_218 = arith.constant 0 : i32
      %scan3A_219 = arith.constant 0 : i32
      %scan3A_220 = arith.constant 128 : i32
      %scan3A_221 = arith.addi %scan3A_219, %scan3A_220 : i32
      %scan3A_222 = arith.constant 1 : i32
      scf.for %scan3A_489 = %scan3A_219 to %scan3A_221 step %scan3A_222  : i32 {
        %get3A = arith.constant 0 : i32
        %get3A_490 = arith.constant 0 : i32
        %get3A_491 = tpu.memref_slice %arg6[%scan3A_218, %get3A, %get3A_490] : memref<6x128x128xf32, #tpu.memory_space<vmem>> -> memref<1x128x128xf32, #tpu.memory_space<vmem>>
        %get3A_492 = tpu.memref_squeeze %get3A_491 : memref<1x128x128xf32, #tpu.memory_space<vmem>> -> memref<128x128xf32, #tpu.memory_space<vmem>>
        %get3A_493 = arith.index_cast %scan3A_489 : i32 to index
        %get3A_494 = arith.constant 0 : index
        %get3A_495 = tpu.vector_load %get3A_492[%get3A_493, %get3A_494] {strides = array<i32>} : memref<128x128xf32, #tpu.memory_space<vmem>>, vector<1x16xf32>,
        %get3A_496 = vector.shape_cast %get3A_495 : vector<1x16xf32> to vector<16xf32>
        %mul3A_497 = arith.constant 11.3137083 : f32
        %mul3A_498 = vector.broadcast %mul3A_497 : f32 to vector<16xf32>
        %mul3A_499 = arith.mulf %get3A_496, %mul3A_498 : vector<16xf32>
        %swap3A = arith.constant 0 : i32
        %swap3A_500 = arith.constant 0 : i32
        %swap3A_501 = tpu.memref_slice %arg6[%scan3A_218, %swap3A, %swap3A_500] : memref<6x128x128xf32, #tpu.memory_space<vmem>> -> memref<1x128x128xf32, #tpu.memory_space<vmem>>
        %swap3A_502 = tpu.memref_squeeze %swap3A_501 : memref<1x128x128xf32, #tpu.memory_space<vmem>> -> memref<128x128xf32, #tpu.memory_space<vmem>>
        %swap3A_503 = arith.index_cast %scan3A_489 : i32 to index
        %swap3A_504 = arith.constant 0 : index
        %swap3A_505 = tpu.vector_load %swap3A_502[%swap3A_503, %swap3A_504] {strides = array<i32>} : memref<128x128xf32, #tpu.memory_space<vmem>>, vector<1x16xf32>,
        %swap3A_506 = vector.shape_cast %swap3A_505 : vector<1x16xf32> to vector<16xf32>
        %swap3A_507 = vector.shape_cast %mul3A_499 : vector<16xf32> to vector<1x16xf32>
        tpu.vector_store %swap3A_502[%swap3A_503, %swap3A_504], %swap3A_507 {strides = array<i32>} : memref<128x128xf32, #tpu.memory_space<vmem>>, vector<1x16xf32>,
        %get3A_508 = arith.constant 0 : i32
        %get3A_509 = arith.constant 0 : i32
        %get3A_510 = tpu.memref_slice %arg6[%scan3A_218, %get3A_508, %get3A_509] : memref<6x128x128xf32, #tpu.memory_space<vmem>> -> memref<1x128x128xf32, #tpu.memory_space<vmem>>
        %get3A_511 = tpu.memref_squeeze %get3A_510 : memref<1x128x128xf32, #tpu.memory_space<vmem>> -> memref<128x128xf32, #tpu.memory_space<vmem>>
        %get3A_512 = arith.index_cast %scan3A_489 : i32 to index
        %get3A_513 = arith.constant 16 : index
        %get3A_514 = tpu.vector_load %get3A_511[%get3A_512, %get3A_513] {strides = array<i32>} : memref<128x128xf32, #tpu.memory_space<vmem>>, vector<1x16xf32>,
        %get3A_515 = vector.shape_cast %get3A_514 : vector<1x16xf32> to vector<16xf32>
        %mul3A_516 = arith.constant 11.3137083 : f32
        %mul3A_517 = vector.broadcast %mul3A_516 : f32 to vector<16xf32>
        %mul3A_518 = arith.mulf %get3A_515, %mul3A_517 : vector<16xf32>
        %swap3A_519 = arith.constant 0 : i32
        %swap3A_520 = arith.constant 0 : i32
        %swap3A_521 = tpu.memref_slice %arg6[%scan3A_218, %swap3A_519, %swap3A_520] : memref<6x128x128xf32, #tpu.memory_space<vmem>> -> memref<1x128x128xf32, #tpu.memory_space<vmem>>
        %swap3A_522 = tpu.memref_squeeze %swap3A_521 : memref<1x128x128xf32, #tpu.memory_space<vmem>> -> memref<128x128xf32, #tpu.memory_space<vmem>>
        %swap3A_523 = arith.index_cast %scan3A_489 : i32 to index
        %swap3A_524 = arith.constant 16 : index
        %swap3A_525 = tpu.vector_load %swap3A_522[%swap3A_523, %swap3A_524] {strides = array<i32>} : memref<128x128xf32, #tpu.memory_space<vmem>>, vector<1x16xf32>,
        %swap3A_526 = vector.shape_cast %swap3A_525 : vector<1x16xf32> to vector<16xf32>
        %swap3A_527 = vector.shape_cast %mul3A_518 : vector<16xf32> to vector<1x16xf32>
        tpu.vector_store %swap3A_522[%swap3A_523, %swap3A_524], %swap3A_527 {strides = array<i32>} : memref<128x128xf32, #tpu.memory_space<vmem>>, vector<1x16xf32>,
        %get3A_528 = arith.constant 0 : i32
        %get3A_529 = arith.constant 0 : i32
        %get3A_530 = tpu.memref_slice %arg6[%scan3A_218, %get3A_528, %get3A_529] : memref<6x128x128xf32, #tpu.memory_space<vmem>> -> memref<1x128x128xf32, #tpu.memory_space<vmem>>
        %get3A_531 = tpu.memref_squeeze %get3A_530 : memref<1x128x128xf32, #tpu.memory_space<vmem>> -> memref<128x128xf32, #tpu.memory_space<vmem>>
        %get3A_532 = arith.index_cast %scan3A_489 : i32 to index
        %get3A_533 = arith.constant 32 : index
        %get3A_534 = tpu.vector_load %get3A_531[%get3A_532, %get3A_533] {strides = array<i32>} : memref<128x128xf32, #tpu.memory_space<vmem>>, vector<1x16xf32>,
        %get3A_535 = vector.shape_cast %get3A_534 : vector<1x16xf32> to vector<16xf32>
        %mul3A_536 = arith.constant 11.3137083 : f32
        %mul3A_537 = vector.broadcast %mul3A_536 : f32 to vector<16xf32>
        %mul3A_538 = arith.mulf %get3A_535, %mul3A_537 : vector<16xf32>
        %swap3A_539 = arith.constant 0 : i32
        %swap3A_540 = arith.constant 0 : i32
        %swap3A_541 = tpu.memref_slice %arg6[%scan3A_218, %swap3A_539, %swap3A_540] : memref<6x128x128xf32, #tpu.memory_space<vmem>> -> memref<1x128x128xf32, #tpu.memory_space<vmem>>
        %swap3A_542 = tpu.memref_squeeze %swap3A_541 : memref<1x128x128xf32, #tpu.memory_space<vmem>> -> memref<128x128xf32, #tpu.memory_space<vmem>>
        %swap3A_543 = arith.index_cast %scan3A_489 : i32 to index
        %swap3A_544 = arith.constant 32 : index
        %swap3A_545 = tpu.vector_load %swap3A_542[%swap3A_543, %swap3A_544] {strides = array<i32>} : memref<128x128xf32, #tpu.memory_space<vmem>>, vector<1x16xf32>,
        %swap3A_546 = vector.shape_cast %swap3A_545 : vector<1x16xf32> to vector<16xf32>
        %swap3A_547 = vector.shape_cast %mul3A_538 : vector<16xf32> to vector<1x16xf32>
        tpu.vector_store %swap3A_542[%swap3A_543, %swap3A_544], %swap3A_547 {strides = array<i32>} : memref<128x128xf32, #tpu.memory_space<vmem>>, vector<1x16xf32>,
        %get3A_548 = arith.constant 0 : i32
        %get3A_549 = arith.constant 0 : i32
        %get3A_550 = tpu.memref_slice %arg6[%scan3A_218, %get3A_548, %get3A_549] : memref<6x128x128xf32, #tpu.memory_space<vmem>> -> memref<1x128x128xf32, #tpu.memory_space<vmem>>
        %get3A_551 = tpu.memref_squeeze %get3A_550 : memref<1x128x128xf32, #tpu.memory_space<vmem>> -> memref<128x128xf32, #tpu.memory_space<vmem>>
        %get3A_552 = arith.index_cast %scan3A_489 : i32 to index
        %get3A_553 = arith.constant 48 : index
        %get3A_554 = tpu.vector_load %get3A_551[%get3A_552, %get3A_553] {strides = array<i32>} : memref<128x128xf32, #tpu.memory_space<vmem>>, vector<1x16xf32>,
        %get3A_555 = vector.shape_cast %get3A_554 : vector<1x16xf32> to vector<16xf32>
        %mul3A_556 = arith.constant 11.3137083 : f32
        %mul3A_557 = vector.broadcast %mul3A_556 : f32 to vector<16xf32>
        %mul3A_558 = arith.mulf %get3A_555, %mul3A_557 : vector<16xf32>
        %swap3A_559 = arith.constant 0 : i32
        %swap3A_560 = arith.constant 0 : i32
        %swap3A_561 = tpu.memref_slice %arg6[%scan3A_218, %swap3A_559, %swap3A_560] : memref<6x128x128xf32, #tpu.memory_space<vmem>> -> memref<1x128x128xf32, #tpu.memory_space<vmem>>
        %swap3A_562 = tpu.memref_squeeze %swap3A_561 : memref<1x128x128xf32, #tpu.memory_space<vmem>> -> memref<128x128xf32, #tpu.memory_space<vmem>>
        %swap3A_563 = arith.index_cast %scan3A_489 : i32 to index
        %swap3A_564 = arith.constant 48 : index
        %swap3A_565 = tpu.vector_load %swap3A_562[%swap3A_563, %swap3A_564] {strides = array<i32>} : memref<128x128xf32, #tpu.memory_space<vmem>>, vector<1x16xf32>,
        %swap3A_566 = vector.shape_cast %swap3A_565 : vector<1x16xf32> to vector<16xf32>
        %swap3A_567 = vector.shape_cast %mul3A_558 : vector<16xf32> to vector<1x16xf32>
        tpu.vector_store %swap3A_562[%swap3A_563, %swap3A_564], %swap3A_567 {strides = array<i32>} : memref<128x128xf32, #tpu.memory_space<vmem>>, vector<1x16xf32>,
        %get3A_568 = arith.constant 0 : i32
        %get3A_569 = arith.constant 0 : i32
        %get3A_570 = tpu.memref_slice %arg6[%scan3A_218, %get3A_568, %get3A_569] : memref<6x128x128xf32, #tpu.memory_space<vmem>> -> memref<1x128x128xf32, #tpu.memory_space<vmem>>
        %get3A_571 = tpu.memref_squeeze %get3A_570 : memref<1x128x128xf32, #tpu.memory_space<vmem>> -> memref<128x128xf32, #tpu.memory_space<vmem>>
        %get3A_572 = arith.index_cast %scan3A_489 : i32 to index
        %get3A_573 = arith.constant 64 : index
        %get3A_574 = tpu.vector_load %get3A_571[%get3A_572, %get3A_573] {strides = array<i32>} : memref<128x128xf32, #tpu.memory_space<vmem>>, vector<1x16xf32>,
        %get3A_575 = vector.shape_cast %get3A_574 : vector<1x16xf32> to vector<16xf32>
        %mul3A_576 = arith.constant 11.3137083 : f32
        %mul3A_577 = vector.broadcast %mul3A_576 : f32 to vector<16xf32>
        %mul3A_578 = arith.mulf %get3A_575, %mul3A_577 : vector<16xf32>
        %swap3A_579 = arith.constant 0 : i32
        %swap3A_580 = arith.constant 0 : i32
        %swap3A_581 = tpu.memref_slice %arg6[%scan3A_218, %swap3A_579, %swap3A_580] : memref<6x128x128xf32, #tpu.memory_space<vmem>> -> memref<1x128x128xf32, #tpu.memory_space<vmem>>
        %swap3A_582 = tpu.memref_squeeze %swap3A_581 : memref<1x128x128xf32, #tpu.memory_space<vmem>> -> memref<128x128xf32, #tpu.memory_space<vmem>>
        %swap3A_583 = arith.index_cast %scan3A_489 : i32 to index
        %swap3A_584 = arith.constant 64 : index
        %swap3A_585 = tpu.vector_load %swap3A_582[%swap3A_583, %swap3A_584] {strides = array<i32>} : memref<128x128xf32, #tpu.memory_space<vmem>>, vector<1x16xf32>,
        %swap3A_586 = vector.shape_cast %swap3A_585 : vector<1x16xf32> to vector<16xf32>
        %swap3A_587 = vector.shape_cast %mul3A_578 : vector<16xf32> to vector<1x16xf32>
        tpu.vector_store %swap3A_582[%swap3A_583, %swap3A_584], %swap3A_587 {strides = array<i32>} : memref<128x128xf32, #tpu.memory_space<vmem>>, vector<1x16xf32>,
        %get3A_588 = arith.constant 0 : i32
        %get3A_589 = arith.constant 0 : i32
        %get3A_590 = tpu.memref_slice %arg6[%scan3A_218, %get3A_588, %get3A_589] : memref<6x128x128xf32, #tpu.memory_space<vmem>> -> memref<1x128x128xf32, #tpu.memory_space<vmem>>
        %get3A_591 = tpu.memref_squeeze %get3A_590 : memref<1x128x128xf32, #tpu.memory_space<vmem>> -> memref<128x128xf32, #tpu.memory_space<vmem>>
        %get3A_592 = arith.index_cast %scan3A_489 : i32 to index
        %get3A_593 = arith.constant 80 : index
        %get3A_594 = tpu.vector_load %get3A_591[%get3A_592, %get3A_593] {strides = array<i32>} : memref<128x128xf32, #tpu.memory_space<vmem>>, vector<1x16xf32>,
        %get3A_595 = vector.shape_cast %get3A_594 : vector<1x16xf32> to vector<16xf32>
        %mul3A_596 = arith.constant 11.3137083 : f32
        %mul3A_597 = vector.broadcast %mul3A_596 : f32 to vector<16xf32>
        %mul3A_598 = arith.mulf %get3A_595, %mul3A_597 : vector<16xf32>
        %swap3A_599 = arith.constant 0 : i32
        %swap3A_600 = arith.constant 0 : i32
        %swap3A_601 = tpu.memref_slice %arg6[%scan3A_218, %swap3A_599, %swap3A_600] : memref<6x128x128xf32, #tpu.memory_space<vmem>> -> memref<1x128x128xf32, #tpu.memory_space<vmem>>
        %swap3A_602 = tpu.memref_squeeze %swap3A_601 : memref<1x128x128xf32, #tpu.memory_space<vmem>> -> memref<128x128xf32, #tpu.memory_space<vmem>>
        %swap3A_603 = arith.index_cast %scan3A_489 : i32 to index
        %swap3A_604 = arith.constant 80 : index
        %swap3A_605 = tpu.vector_load %swap3A_602[%swap3A_603, %swap3A_604] {strides = array<i32>} : memref<128x128xf32, #tpu.memory_space<vmem>>, vector<1x16xf32>,
        %swap3A_606 = vector.shape_cast %swap3A_605 : vector<1x16xf32> to vector<16xf32>
        %swap3A_607 = vector.shape_cast %mul3A_598 : vector<16xf32> to vector<1x16xf32>
        tpu.vector_store %swap3A_602[%swap3A_603, %swap3A_604], %swap3A_607 {strides = array<i32>} : memref<128x128xf32, #tpu.memory_space<vmem>>, vector<1x16xf32>,
        %get3A_608 = arith.constant 0 : i32
        %get3A_609 = arith.constant 0 : i32
        %get3A_610 = tpu.memref_slice %arg6[%scan3A_218, %get3A_608, %get3A_609] : memref<6x128x128xf32, #tpu.memory_space<vmem>> -> memref<1x128x128xf32, #tpu.memory_space<vmem>>
        %get3A_611 = tpu.memref_squeeze %get3A_610 : memref<1x128x128xf32, #tpu.memory_space<vmem>> -> memref<128x128xf32, #tpu.memory_space<vmem>>
        %get3A_612 = arith.index_cast %scan3A_489 : i32 to index
        %get3A_613 = arith.constant 96 : index
        %get3A_614 = tpu.vector_load %get3A_611[%get3A_612, %get3A_613] {strides = array<i32>} : memref<128x128xf32, #tpu.memory_space<vmem>>, vector<1x16xf32>,
        %get3A_615 = vector.shape_cast %get3A_614 : vector<1x16xf32> to vector<16xf32>
        %mul3A_616 = arith.constant 11.3137083 : f32
        %mul3A_617 = vector.broadcast %mul3A_616 : f32 to vector<16xf32>
        %mul3A_618 = arith.mulf %get3A_615, %mul3A_617 : vector<16xf32>
        %swap3A_619 = arith.constant 0 : i32
        %swap3A_620 = arith.constant 0 : i32
        %swap3A_621 = tpu.memref_slice %arg6[%scan3A_218, %swap3A_619, %swap3A_620] : memref<6x128x128xf32, #tpu.memory_space<vmem>> -> memref<1x128x128xf32, #tpu.memory_space<vmem>>
        %swap3A_622 = tpu.memref_squeeze %swap3A_621 : memref<1x128x128xf32, #tpu.memory_space<vmem>> -> memref<128x128xf32, #tpu.memory_space<vmem>>
        %swap3A_623 = arith.index_cast %scan3A_489 : i32 to index
        %swap3A_624 = arith.constant 96 : index
        %swap3A_625 = tpu.vector_load %swap3A_622[%swap3A_623, %swap3A_624] {strides = array<i32>} : memref<128x128xf32, #tpu.memory_space<vmem>>, vector<1x16xf32>,
        %swap3A_626 = vector.shape_cast %swap3A_625 : vector<1x16xf32> to vector<16xf32>
        %swap3A_627 = vector.shape_cast %mul3A_618 : vector<16xf32> to vector<1x16xf32>
        tpu.vector_store %swap3A_622[%swap3A_623, %swap3A_624], %swap3A_627 {strides = array<i32>} : memref<128x128xf32, #tpu.memory_space<vmem>>, vector<1x16xf32>,
        %get3A_628 = arith.constant 0 : i32
        %get3A_629 = arith.constant 0 : i32
        %get3A_630 = tpu.memref_slice %arg6[%scan3A_218, %get3A_628, %get3A_629] : memref<6x128x128xf32, #tpu.memory_space<vmem>> -> memref<1x128x128xf32, #tpu.memory_space<vmem>>
        %get3A_631 = tpu.memref_squeeze %get3A_630 : memref<1x128x128xf32, #tpu.memory_space<vmem>> -> memref<128x128xf32, #tpu.memory_space<vmem>>
        %get3A_632 = arith.index_cast %scan3A_489 : i32 to index
        %get3A_633 = arith.constant 112 : index
        %get3A_634 = tpu.vector_load %get3A_631[%get3A_632, %get3A_633] {strides = array<i32>} : memref<128x128xf32, #tpu.memory_space<vmem>>, vector<1x16xf32>,
        %get3A_635 = vector.shape_cast %get3A_634 : vector<1x16xf32> to vector<16xf32>
        %mul3A_636 = arith.constant 11.3137083 : f32
        %mul3A_637 = vector.broadcast %mul3A_636 : f32 to vector<16xf32>
        %mul3A_638 = arith.mulf %get3A_635, %mul3A_637 : vector<16xf32>
        %swap3A_639 = arith.constant 0 : i32
        %swap3A_640 = arith.constant 0 : i32
        %swap3A_641 = tpu.memref_slice %arg6[%scan3A_218, %swap3A_639, %swap3A_640] : memref<6x128x128xf32, #tpu.memory_space<vmem>> -> memref<1x128x128xf32, #tpu.memory_space<vmem>>
        %swap3A_642 = tpu.memref_squeeze %swap3A_641 : memref<1x128x128xf32, #tpu.memory_space<vmem>> -> memref<128x128xf32, #tpu.memory_space<vmem>>
        %swap3A_643 = arith.index_cast %scan3A_489 : i32 to index
        %swap3A_644 = arith.constant 112 : index
        %swap3A_645 = tpu.vector_load %swap3A_642[%swap3A_643, %swap3A_644] {strides = array<i32>} : memref<128x128xf32, #tpu.memory_space<vmem>>, vector<1x16xf32>,
        %swap3A_646 = vector.shape_cast %swap3A_645 : vector<1x16xf32> to vector<16xf32>
        %swap3A_647 = vector.shape_cast %mul3A_638 : vector<16xf32> to vector<1x16xf32>
        tpu.vector_store %swap3A_642[%swap3A_643, %swap3A_644], %swap3A_647 {strides = array<i32>} : memref<128x128xf32, #tpu.memory_space<vmem>>, vector<1x16xf32>,
      }
      %scan3A_223 = arith.constant 128 : i32
      %dma_start3A_224 = arith.constant 0 : i32
      %dma_start3A_225 = arith.constant 0 : i32
      %dma_start3A_226 = arith.constant 0 : i32
      %dma_start3A_227 = tpu.memref_slice %arg6[%dma_start3A_224, %dma_start3A_225, %dma_start3A_226] : memref<6x128x128xf32, #tpu.memory_space<vmem>> -> memref<1x128x128xf32, #tpu.memory_space<vmem>>
      %dma_start3A_228 = tpu.memref_squeeze %dma_start3A_227 : memref<1x128x128xf32, #tpu.memory_space<vmem>> -> memref<128x128xf32, #tpu.memory_space<vmem>>
      %dma_start3A_229 = arith.constant 0 : i32
      %dma_start3A_230 = tpu.memref_slice %arg4[%add3A_196, %mul3A_2, %dma_start3A_229] : memref<50x4096x128xf32, #tpu.memory_space<hbm>> -> memref<1x128x128xf32, #tpu.memory_space<hbm>>
      %dma_start3A_231 = tpu.memref_squeeze %dma_start3A_230 : memref<1x128x128xf32, #tpu.memory_space<hbm>> -> memref<128x128xf32, #tpu.memory_space<hbm>>
      %dma_start3A_232 = arith.constant 0 : i32
      %dma_start3A_233 = tpu.memref_slice %arg4[%add3A_196, %mul3A_2, %dma_start3A_232] : memref<50x4096x128xf32, #tpu.memory_space<hbm>> -> memref<1x128x128xf32, #tpu.memory_space<hbm>>
      %dma_start3A_234 = tpu.memref_squeeze %dma_start3A_233 : memref<1x128x128xf32, #tpu.memory_space<hbm>> -> memref<128x128xf32, #tpu.memory_space<hbm>>
      %dma_start3A_235 = arith.constant 0 : i32
      %dma_start3A_236 = arith.constant 0 : i32
      %dma_start3A_237 = tpu.memref_slice %arg6[%dma_start3A_224, %dma_start3A_235, %dma_start3A_236] : memref<6x128x128xf32, #tpu.memory_space<vmem>> -> memref<1x128x128xf32, #tpu.memory_space<vmem>>
      %dma_start3A_238 = tpu.memref_squeeze %dma_start3A_237 : memref<1x128x128xf32, #tpu.memory_space<vmem>> -> memref<128x128xf32, #tpu.memory_space<vmem>>
      tpu.enqueue_dma source(%dma_start3A_238 : memref<128x128xf32, #tpu.memory_space<vmem>>) target(%dma_start3A_234 : memref<128x128xf32, #tpu.memory_space<hbm>>) target_semaphore(%arg13 : memref<!tpu.dma_semaphore, #tpu.memory_space<semaphore_mem>>)
      %mul3A_239 = arith.constant 6 : i32
      %mul3A_240 = arith.muli %scan3A_192, %mul3A_239 : i32
      %add3A_241 = arith.constant 1 : i32
      %add3A_242 = arith.addi %mul3A_240, %add3A_241 : i32
      %ge3A_243 = arith.constant 3 : i32
      %ge3A_244 = arith.cmpi sge, %add3A_242, %ge3A_243 : i32
      %convert_element_type3A_245 = arith.extui %ge3A_244 : i1 to i32
      %cond3A_246 = arith.constant 0 : i32
      %cond3A_247 = arith.cmpi ne, %convert_element_type3A_245, %cond3A_246 : i32
      scf.if %cond3A_247 {
        %dma_wait3A_489 = arith.constant 4 : i32
        %dma_wait3A_490 = arith.constant 0 : i32
        %dma_wait3A_491 = arith.constant 0 : i32
        %dma_wait3A_492 = arith.constant 0 : i32
        %dma_wait3A_493 = tpu.memref_slice %arg6[%dma_wait3A_489, %dma_wait3A_491, %dma_wait3A_492] : memref<6x128x128xf32, #tpu.memory_space<vmem>> -> memref<1x128x128xf32, #tpu.memory_space<vmem>>
        %dma_wait3A_494 = tpu.memref_squeeze %dma_wait3A_493 : memref<1x128x128xf32, #tpu.memory_space<vmem>> -> memref<128x128xf32, #tpu.memory_space<vmem>>
        %dma_wait3A_495 = arith.constant 0 : i32
        %dma_wait3A_496 = tpu.memref_slice %arg4[%dma_wait3A_490, %mul3A_2, %dma_wait3A_495] : memref<50x4096x128xf32, #tpu.memory_space<hbm>> -> memref<1x128x128xf32, #tpu.memory_space<hbm>>
        %dma_wait3A_497 = tpu.memref_squeeze %dma_wait3A_496 : memref<1x128x128xf32, #tpu.memory_space<hbm>> -> memref<128x128xf32, #tpu.memory_space<hbm>>
        %dma_wait3A_498 = arith.constant 0 : i32
        %dma_wait3A_499 = tpu.memref_slice %arg4[%dma_wait3A_490, %mul3A_2, %dma_wait3A_498] : memref<50x4096x128xf32, #tpu.memory_space<hbm>> -> memref<1x128x128xf32, #tpu.memory_space<hbm>>
        %dma_wait3A_500 = tpu.memref_squeeze %dma_wait3A_499 : memref<1x128x128xf32, #tpu.memory_space<hbm>> -> memref<128x128xf32, #tpu.memory_space<hbm>>
        %dma_wait3A_501 = arith.constant 0 : i32
        %dma_wait3A_502 = arith.constant 0 : i32
        %dma_wait3A_503 = tpu.memref_slice %arg6[%dma_wait3A_489, %dma_wait3A_501, %dma_wait3A_502] : memref<6x128x128xf32, #tpu.memory_space<vmem>> -> memref<1x128x128xf32, #tpu.memory_space<vmem>>
        %dma_wait3A_504 = tpu.memref_squeeze %dma_wait3A_503 : memref<1x128x128xf32, #tpu.memory_space<vmem>> -> memref<128x128xf32, #tpu.memory_space<vmem>>
        tpu.wait_dma2 semaphore(%arg17 : memref<!tpu.dma_semaphore, #tpu.memory_space<semaphore_mem>>) src(%dma_wait3A_504 : memref<128x128xf32, #tpu.memory_space<vmem>>) dst(%dma_wait3A_500 : memref<128x128xf32, #tpu.memory_space<hbm>>)
      } else {
      }
      %add3A_248 = arith.constant 3 : i32
      %add3A_249 = arith.addi %add3A_242, %add3A_248 : i32
      %lt3A_250 = arith.constant 50 : i32
      %lt3A_251 = arith.cmpi slt, %add3A_249, %lt3A_250 : i32
      %convert_element_type3A_252 = arith.extui %lt3A_251 : i1 to i32
      %cond3A_253 = arith.constant 0 : i32
      %cond3A_254 = arith.cmpi ne, %convert_element_type3A_252, %cond3A_253 : i32
      scf.if %cond3A_254 {
        %add3A_489 = arith.constant 3 : i32
        %add3A_490 = arith.addi %add3A_242, %add3A_489 : i32
        %dma_start3A_491 = arith.constant 4 : i32
        %dma_start3A_492 = arith.constant 0 : i32
        %dma_start3A_493 = arith.constant 0 : i32
        %dma_start3A_494 = tpu.memref_slice %arg6[%dma_start3A_491, %dma_start3A_492, %dma_start3A_493] : memref<6x128x128xf32, #tpu.memory_space<vmem>> -> memref<1x128x128xf32, #tpu.memory_space<vmem>>
        %dma_start3A_495 = tpu.memref_squeeze %dma_start3A_494 : memref<1x128x128xf32, #tpu.memory_space<vmem>> -> memref<128x128xf32, #tpu.memory_space<vmem>>
        %dma_start3A_496 = arith.constant 0 : i32
        %dma_start3A_497 = tpu.memref_slice %arg5[%add3A_490, %dma_start3A_496] : memref<50x128xi32, #tpu.memory_space<vmem>> -> memref<1x128xi32, #tpu.memory_space<vmem>>
        %dma_start3A_498 = tpu.memref_squeeze %dma_start3A_497 : memref<1x128xi32, #tpu.memory_space<vmem>> -> memref<128xi32, #tpu.memory_space<vmem>>
        %dma_start3A_499 = arith.constant 0 : i32
        %dma_start3A_500 = arith.constant 0 : i32
        %dma_start3A_501 = tpu.memref_slice %arg3[%dma_start3A_499, %dma_start3A_500] : memref<100000x128xf32, #tpu.memory_space<hbm>> -> memref<100000x128xf32, #tpu.memory_space<hbm>>
        tpu.enqueue_indirect_dma source(%dma_start3A_501 : memref<100000x128xf32, #tpu.memory_space<hbm>>) target(%dma_start3A_495 : memref<128x128xf32, #tpu.memory_space<vmem>>) offsets(%dma_start3A_498 : memref<128xi32, #tpu.memory_space<vmem>>) semaphore(%arg11 : memref<!tpu.dma_semaphore, #tpu.memory_space<semaphore_mem>>)
      } else {
      }
      %dma_wait3A_255 = arith.constant 0 : i32
      %dma_wait3A_256 = arith.constant 1 : i32
      %dma_wait3A_257 = arith.constant 0 : i32
      %dma_wait3A_258 = arith.constant 0 : i32
      %dma_wait3A_259 = tpu.memref_slice %arg6[%dma_wait3A_256, %dma_wait3A_257, %dma_wait3A_258] : memref<6x128x128xf32, #tpu.memory_space<vmem>> -> memref<1x128x128xf32, #tpu.memory_space<vmem>>
      %dma_wait3A_260 = tpu.memref_squeeze %dma_wait3A_259 : memref<1x128x128xf32, #tpu.memory_space<vmem>> -> memref<128x128xf32, #tpu.memory_space<vmem>>
      %dma_wait3A_261 = arith.constant 0 : i32
      %dma_wait3A_262 = tpu.memref_slice %arg5[%dma_wait3A_255, %dma_wait3A_261] : memref<50x128xi32, #tpu.memory_space<vmem>> -> memref<1x128xi32, #tpu.memory_space<vmem>>
      %dma_wait3A_263 = tpu.memref_squeeze %dma_wait3A_262 : memref<1x128xi32, #tpu.memory_space<vmem>> -> memref<128xi32, #tpu.memory_space<vmem>>
      %dma_wait3A_264 = arith.constant 0 : i32
      %dma_wait3A_265 = arith.constant 0 : i32
      %dma_wait3A_266 = tpu.memref_slice %arg3[%dma_wait3A_264, %dma_wait3A_265] : memref<100000x128xf32, #tpu.memory_space<hbm>> -> memref<100000x128xf32, #tpu.memory_space<hbm>>
      tpu.wait_indirect_dma semaphore(%arg8 : memref<!tpu.dma_semaphore, #tpu.memory_space<semaphore_mem>>) src(%dma_wait3A_266 : memref<100000x128xf32, #tpu.memory_space<hbm>>) dst(%dma_wait3A_260 : memref<128x128xf32, #tpu.memory_space<vmem>>)
      %scan3A_267 = arith.constant 0 : i32
      %scan3A_268 = arith.constant 1 : i32
      %scan3A_269 = arith.constant 0 : i32
      %scan3A_270 = arith.constant 128 : i32
      %scan3A_271 = arith.addi %scan3A_269, %scan3A_270 : i32
      %scan3A_272 = arith.constant 1 : i32
      scf.for %scan3A_489 = %scan3A_269 to %scan3A_271 step %scan3A_272  : i32 {
        %get3A = arith.constant 0 : i32
        %get3A_490 = arith.constant 0 : i32
        %get3A_491 = tpu.memref_slice %arg6[%scan3A_268, %get3A, %get3A_490] : memref<6x128x128xf32, #tpu.memory_space<vmem>> -> memref<1x128x128xf32, #tpu.memory_space<vmem>>
        %get3A_492 = tpu.memref_squeeze %get3A_491 : memref<1x128x128xf32, #tpu.memory_space<vmem>> -> memref<128x128xf32, #tpu.memory_space<vmem>>
        %get3A_493 = arith.index_cast %scan3A_489 : i32 to index
        %get3A_494 = arith.constant 0 : index
        %get3A_495 = tpu.vector_load %get3A_492[%get3A_493, %get3A_494] {strides = array<i32>} : memref<128x128xf32, #tpu.memory_space<vmem>>, vector<1x16xf32>,
        %get3A_496 = vector.shape_cast %get3A_495 : vector<1x16xf32> to vector<16xf32>
        %mul3A_497 = arith.constant 11.3137083 : f32
        %mul3A_498 = vector.broadcast %mul3A_497 : f32 to vector<16xf32>
        %mul3A_499 = arith.mulf %get3A_496, %mul3A_498 : vector<16xf32>
        %swap3A = arith.constant 0 : i32
        %swap3A_500 = arith.constant 0 : i32
        %swap3A_501 = tpu.memref_slice %arg6[%scan3A_268, %swap3A, %swap3A_500] : memref<6x128x128xf32, #tpu.memory_space<vmem>> -> memref<1x128x128xf32, #tpu.memory_space<vmem>>
        %swap3A_502 = tpu.memref_squeeze %swap3A_501 : memref<1x128x128xf32, #tpu.memory_space<vmem>> -> memref<128x128xf32, #tpu.memory_space<vmem>>
        %swap3A_503 = arith.index_cast %scan3A_489 : i32 to index
        %swap3A_504 = arith.constant 0 : index
        %swap3A_505 = tpu.vector_load %swap3A_502[%swap3A_503, %swap3A_504] {strides = array<i32>} : memref<128x128xf32, #tpu.memory_space<vmem>>, vector<1x16xf32>,
        %swap3A_506 = vector.shape_cast %swap3A_505 : vector<1x16xf32> to vector<16xf32>
        %swap3A_507 = vector.shape_cast %mul3A_499 : vector<16xf32> to vector<1x16xf32>
        tpu.vector_store %swap3A_502[%swap3A_503, %swap3A_504], %swap3A_507 {strides = array<i32>} : memref<128x128xf32, #tpu.memory_space<vmem>>, vector<1x16xf32>,
        %get3A_508 = arith.constant 0 : i32
        %get3A_509 = arith.constant 0 : i32
        %get3A_510 = tpu.memref_slice %arg6[%scan3A_268, %get3A_508, %get3A_509] : memref<6x128x128xf32, #tpu.memory_space<vmem>> -> memref<1x128x128xf32, #tpu.memory_space<vmem>>
        %get3A_511 = tpu.memref_squeeze %get3A_510 : memref<1x128x128xf32, #tpu.memory_space<vmem>> -> memref<128x128xf32, #tpu.memory_space<vmem>>
        %get3A_512 = arith.index_cast %scan3A_489 : i32 to index
        %get3A_513 = arith.constant 16 : index
        %get3A_514 = tpu.vector_load %get3A_511[%get3A_512, %get3A_513] {strides = array<i32>} : memref<128x128xf32, #tpu.memory_space<vmem>>, vector<1x16xf32>,
        %get3A_515 = vector.shape_cast %get3A_514 : vector<1x16xf32> to vector<16xf32>
        %mul3A_516 = arith.constant 11.3137083 : f32
        %mul3A_517 = vector.broadcast %mul3A_516 : f32 to vector<16xf32>
        %mul3A_518 = arith.mulf %get3A_515, %mul3A_517 : vector<16xf32>
        %swap3A_519 = arith.constant 0 : i32
        %swap3A_520 = arith.constant 0 : i32
        %swap3A_521 = tpu.memref_slice %arg6[%scan3A_268, %swap3A_519, %swap3A_520] : memref<6x128x128xf32, #tpu.memory_space<vmem>> -> memref<1x128x128xf32, #tpu.memory_space<vmem>>
        %swap3A_522 = tpu.memref_squeeze %swap3A_521 : memref<1x128x128xf32, #tpu.memory_space<vmem>> -> memref<128x128xf32, #tpu.memory_space<vmem>>
        %swap3A_523 = arith.index_cast %scan3A_489 : i32 to index
        %swap3A_524 = arith.constant 16 : index
        %swap3A_525 = tpu.vector_load %swap3A_522[%swap3A_523, %swap3A_524] {strides = array<i32>} : memref<128x128xf32, #tpu.memory_space<vmem>>, vector<1x16xf32>,
        %swap3A_526 = vector.shape_cast %swap3A_525 : vector<1x16xf32> to vector<16xf32>
        %swap3A_527 = vector.shape_cast %mul3A_518 : vector<16xf32> to vector<1x16xf32>
        tpu.vector_store %swap3A_522[%swap3A_523, %swap3A_524], %swap3A_527 {strides = array<i32>} : memref<128x128xf32, #tpu.memory_space<vmem>>, vector<1x16xf32>,
        %get3A_528 = arith.constant 0 : i32
        %get3A_529 = arith.constant 0 : i32
        %get3A_530 = tpu.memref_slice %arg6[%scan3A_268, %get3A_528, %get3A_529] : memref<6x128x128xf32, #tpu.memory_space<vmem>> -> memref<1x128x128xf32, #tpu.memory_space<vmem>>
        %get3A_531 = tpu.memref_squeeze %get3A_530 : memref<1x128x128xf32, #tpu.memory_space<vmem>> -> memref<128x128xf32, #tpu.memory_space<vmem>>
        %get3A_532 = arith.index_cast %scan3A_489 : i32 to index
        %get3A_533 = arith.constant 32 : index
        %get3A_534 = tpu.vector_load %get3A_531[%get3A_532, %get3A_533] {strides = array<i32>} : memref<128x128xf32, #tpu.memory_space<vmem>>, vector<1x16xf32>,
        %get3A_535 = vector.shape_cast %get3A_534 : vector<1x16xf32> to vector<16xf32>
        %mul3A_536 = arith.constant 11.3137083 : f32
        %mul3A_537 = vector.broadcast %mul3A_536 : f32 to vector<16xf32>
        %mul3A_538 = arith.mulf %get3A_535, %mul3A_537 : vector<16xf32>
        %swap3A_539 = arith.constant 0 : i32
        %swap3A_540 = arith.constant 0 : i32
        %swap3A_541 = tpu.memref_slice %arg6[%scan3A_268, %swap3A_539, %swap3A_540] : memref<6x128x128xf32, #tpu.memory_space<vmem>> -> memref<1x128x128xf32, #tpu.memory_space<vmem>>
        %swap3A_542 = tpu.memref_squeeze %swap3A_541 : memref<1x128x128xf32, #tpu.memory_space<vmem>> -> memref<128x128xf32, #tpu.memory_space<vmem>>
        %swap3A_543 = arith.index_cast %scan3A_489 : i32 to index
        %swap3A_544 = arith.constant 32 : index
        %swap3A_545 = tpu.vector_load %swap3A_542[%swap3A_543, %swap3A_544] {strides = array<i32>} : memref<128x128xf32, #tpu.memory_space<vmem>>, vector<1x16xf32>,
        %swap3A_546 = vector.shape_cast %swap3A_545 : vector<1x16xf32> to vector<16xf32>
        %swap3A_547 = vector.shape_cast %mul3A_538 : vector<16xf32> to vector<1x16xf32>
        tpu.vector_store %swap3A_542[%swap3A_543, %swap3A_544], %swap3A_547 {strides = array<i32>} : memref<128x128xf32, #tpu.memory_space<vmem>>, vector<1x16xf32>,
        %get3A_548 = arith.constant 0 : i32
        %get3A_549 = arith.constant 0 : i32
        %get3A_550 = tpu.memref_slice %arg6[%scan3A_268, %get3A_548, %get3A_549] : memref<6x128x128xf32, #tpu.memory_space<vmem>> -> memref<1x128x128xf32, #tpu.memory_space<vmem>>
        %get3A_551 = tpu.memref_squeeze %get3A_550 : memref<1x128x128xf32, #tpu.memory_space<vmem>> -> memref<128x128xf32, #tpu.memory_space<vmem>>
        %get3A_552 = arith.index_cast %scan3A_489 : i32 to index
        %get3A_553 = arith.constant 48 : index
        %get3A_554 = tpu.vector_load %get3A_551[%get3A_552, %get3A_553] {strides = array<i32>} : memref<128x128xf32, #tpu.memory_space<vmem>>, vector<1x16xf32>,
        %get3A_555 = vector.shape_cast %get3A_554 : vector<1x16xf32> to vector<16xf32>
        %mul3A_556 = arith.constant 11.3137083 : f32
        %mul3A_557 = vector.broadcast %mul3A_556 : f32 to vector<16xf32>
        %mul3A_558 = arith.mulf %get3A_555, %mul3A_557 : vector<16xf32>
        %swap3A_559 = arith.constant 0 : i32
        %swap3A_560 = arith.constant 0 : i32
        %swap3A_561 = tpu.memref_slice %arg6[%scan3A_268, %swap3A_559, %swap3A_560] : memref<6x128x128xf32, #tpu.memory_space<vmem>> -> memref<1x128x128xf32, #tpu.memory_space<vmem>>
        %swap3A_562 = tpu.memref_squeeze %swap3A_561 : memref<1x128x128xf32, #tpu.memory_space<vmem>> -> memref<128x128xf32, #tpu.memory_space<vmem>>
        %swap3A_563 = arith.index_cast %scan3A_489 : i32 to index
        %swap3A_564 = arith.constant 48 : index
        %swap3A_565 = tpu.vector_load %swap3A_562[%swap3A_563, %swap3A_564] {strides = array<i32>} : memref<128x128xf32, #tpu.memory_space<vmem>>, vector<1x16xf32>,
        %swap3A_566 = vector.shape_cast %swap3A_565 : vector<1x16xf32> to vector<16xf32>
        %swap3A_567 = vector.shape_cast %mul3A_558 : vector<16xf32> to vector<1x16xf32>
        tpu.vector_store %swap3A_562[%swap3A_563, %swap3A_564], %swap3A_567 {strides = array<i32>} : memref<128x128xf32, #tpu.memory_space<vmem>>, vector<1x16xf32>,
        %get3A_568 = arith.constant 0 : i32
        %get3A_569 = arith.constant 0 : i32
        %get3A_570 = tpu.memref_slice %arg6[%scan3A_268, %get3A_568, %get3A_569] : memref<6x128x128xf32, #tpu.memory_space<vmem>> -> memref<1x128x128xf32, #tpu.memory_space<vmem>>
        %get3A_571 = tpu.memref_squeeze %get3A_570 : memref<1x128x128xf32, #tpu.memory_space<vmem>> -> memref<128x128xf32, #tpu.memory_space<vmem>>
        %get3A_572 = arith.index_cast %scan3A_489 : i32 to index
        %get3A_573 = arith.constant 64 : index
        %get3A_574 = tpu.vector_load %get3A_571[%get3A_572, %get3A_573] {strides = array<i32>} : memref<128x128xf32, #tpu.memory_space<vmem>>, vector<1x16xf32>,
        %get3A_575 = vector.shape_cast %get3A_574 : vector<1x16xf32> to vector<16xf32>
        %mul3A_576 = arith.constant 11.3137083 : f32
        %mul3A_577 = vector.broadcast %mul3A_576 : f32 to vector<16xf32>
        %mul3A_578 = arith.mulf %get3A_575, %mul3A_577 : vector<16xf32>
        %swap3A_579 = arith.constant 0 : i32
        %swap3A_580 = arith.constant 0 : i32
        %swap3A_581 = tpu.memref_slice %arg6[%scan3A_268, %swap3A_579, %swap3A_580] : memref<6x128x128xf32, #tpu.memory_space<vmem>> -> memref<1x128x128xf32, #tpu.memory_space<vmem>>
        %swap3A_582 = tpu.memref_squeeze %swap3A_581 : memref<1x128x128xf32, #tpu.memory_space<vmem>> -> memref<128x128xf32, #tpu.memory_space<vmem>>
        %swap3A_583 = arith.index_cast %scan3A_489 : i32 to index
        %swap3A_584 = arith.constant 64 : index
        %swap3A_585 = tpu.vector_load %swap3A_582[%swap3A_583, %swap3A_584] {strides = array<i32>} : memref<128x128xf32, #tpu.memory_space<vmem>>, vector<1x16xf32>,
        %swap3A_586 = vector.shape_cast %swap3A_585 : vector<1x16xf32> to vector<16xf32>
        %swap3A_587 = vector.shape_cast %mul3A_578 : vector<16xf32> to vector<1x16xf32>
        tpu.vector_store %swap3A_582[%swap3A_583, %swap3A_584], %swap3A_587 {strides = array<i32>} : memref<128x128xf32, #tpu.memory_space<vmem>>, vector<1x16xf32>,
        %get3A_588 = arith.constant 0 : i32
        %get3A_589 = arith.constant 0 : i32
        %get3A_590 = tpu.memref_slice %arg6[%scan3A_268, %get3A_588, %get3A_589] : memref<6x128x128xf32, #tpu.memory_space<vmem>> -> memref<1x128x128xf32, #tpu.memory_space<vmem>>
        %get3A_591 = tpu.memref_squeeze %get3A_590 : memref<1x128x128xf32, #tpu.memory_space<vmem>> -> memref<128x128xf32, #tpu.memory_space<vmem>>
        %get3A_592 = arith.index_cast %scan3A_489 : i32 to index
        %get3A_593 = arith.constant 80 : index
        %get3A_594 = tpu.vector_load %get3A_591[%get3A_592, %get3A_593] {strides = array<i32>} : memref<128x128xf32, #tpu.memory_space<vmem>>, vector<1x16xf32>,
        %get3A_595 = vector.shape_cast %get3A_594 : vector<1x16xf32> to vector<16xf32>
        %mul3A_596 = arith.constant 11.3137083 : f32
        %mul3A_597 = vector.broadcast %mul3A_596 : f32 to vector<16xf32>
        %mul3A_598 = arith.mulf %get3A_595, %mul3A_597 : vector<16xf32>
        %swap3A_599 = arith.constant 0 : i32
        %swap3A_600 = arith.constant 0 : i32
        %swap3A_601 = tpu.memref_slice %arg6[%scan3A_268, %swap3A_599, %swap3A_600] : memref<6x128x128xf32, #tpu.memory_space<vmem>> -> memref<1x128x128xf32, #tpu.memory_space<vmem>>
        %swap3A_602 = tpu.memref_squeeze %swap3A_601 : memref<1x128x128xf32, #tpu.memory_space<vmem>> -> memref<128x128xf32, #tpu.memory_space<vmem>>
        %swap3A_603 = arith.index_cast %scan3A_489 : i32 to index
        %swap3A_604 = arith.constant 80 : index
        %swap3A_605 = tpu.vector_load %swap3A_602[%swap3A_603, %swap3A_604] {strides = array<i32>} : memref<128x128xf32, #tpu.memory_space<vmem>>, vector<1x16xf32>,
        %swap3A_606 = vector.shape_cast %swap3A_605 : vector<1x16xf32> to vector<16xf32>
        %swap3A_607 = vector.shape_cast %mul3A_598 : vector<16xf32> to vector<1x16xf32>
        tpu.vector_store %swap3A_602[%swap3A_603, %swap3A_604], %swap3A_607 {strides = array<i32>} : memref<128x128xf32, #tpu.memory_space<vmem>>, vector<1x16xf32>,
        %get3A_608 = arith.constant 0 : i32
        %get3A_609 = arith.constant 0 : i32
        %get3A_610 = tpu.memref_slice %arg6[%scan3A_268, %get3A_608, %get3A_609] : memref<6x128x128xf32, #tpu.memory_space<vmem>> -> memref<1x128x128xf32, #tpu.memory_space<vmem>>
        %get3A_611 = tpu.memref_squeeze %get3A_610 : memref<1x128x128xf32, #tpu.memory_space<vmem>> -> memref<128x128xf32, #tpu.memory_space<vmem>>
        %get3A_612 = arith.index_cast %scan3A_489 : i32 to index
        %get3A_613 = arith.constant 96 : index
        %get3A_614 = tpu.vector_load %get3A_611[%get3A_612, %get3A_613] {strides = array<i32>} : memref<128x128xf32, #tpu.memory_space<vmem>>, vector<1x16xf32>,
        %get3A_615 = vector.shape_cast %get3A_614 : vector<1x16xf32> to vector<16xf32>
        %mul3A_616 = arith.constant 11.3137083 : f32
        %mul3A_617 = vector.broadcast %mul3A_616 : f32 to vector<16xf32>
        %mul3A_618 = arith.mulf %get3A_615, %mul3A_617 : vector<16xf32>
        %swap3A_619 = arith.constant 0 : i32
        %swap3A_620 = arith.constant 0 : i32
        %swap3A_621 = tpu.memref_slice %arg6[%scan3A_268, %swap3A_619, %swap3A_620] : memref<6x128x128xf32, #tpu.memory_space<vmem>> -> memref<1x128x128xf32, #tpu.memory_space<vmem>>
        %swap3A_622 = tpu.memref_squeeze %swap3A_621 : memref<1x128x128xf32, #tpu.memory_space<vmem>> -> memref<128x128xf32, #tpu.memory_space<vmem>>
        %swap3A_623 = arith.index_cast %scan3A_489 : i32 to index
        %swap3A_624 = arith.constant 96 : index
        %swap3A_625 = tpu.vector_load %swap3A_622[%swap3A_623, %swap3A_624] {strides = array<i32>} : memref<128x128xf32, #tpu.memory_space<vmem>>, vector<1x16xf32>,
        %swap3A_626 = vector.shape_cast %swap3A_625 : vector<1x16xf32> to vector<16xf32>
        %swap3A_627 = vector.shape_cast %mul3A_618 : vector<16xf32> to vector<1x16xf32>
        tpu.vector_store %swap3A_622[%swap3A_623, %swap3A_624], %swap3A_627 {strides = array<i32>} : memref<128x128xf32, #tpu.memory_space<vmem>>, vector<1x16xf32>,
        %get3A_628 = arith.constant 0 : i32
        %get3A_629 = arith.constant 0 : i32
        %get3A_630 = tpu.memref_slice %arg6[%scan3A_268, %get3A_628, %get3A_629] : memref<6x128x128xf32, #tpu.memory_space<vmem>> -> memref<1x128x128xf32, #tpu.memory_space<vmem>>
        %get3A_631 = tpu.memref_squeeze %get3A_630 : memref<1x128x128xf32, #tpu.memory_space<vmem>> -> memref<128x128xf32, #tpu.memory_space<vmem>>
        %get3A_632 = arith.index_cast %scan3A_489 : i32 to index
        %get3A_633 = arith.constant 112 : index
        %get3A_634 = tpu.vector_load %get3A_631[%get3A_632, %get3A_633] {strides = array<i32>} : memref<128x128xf32, #tpu.memory_space<vmem>>, vector<1x16xf32>,
        %get3A_635 = vector.shape_cast %get3A_634 : vector<1x16xf32> to vector<16xf32>
        %mul3A_636 = arith.constant 11.3137083 : f32
        %mul3A_637 = vector.broadcast %mul3A_636 : f32 to vector<16xf32>
        %mul3A_638 = arith.mulf %get3A_635, %mul3A_637 : vector<16xf32>
        %swap3A_639 = arith.constant 0 : i32
        %swap3A_640 = arith.constant 0 : i32
        %swap3A_641 = tpu.memref_slice %arg6[%scan3A_268, %swap3A_639, %swap3A_640] : memref<6x128x128xf32, #tpu.memory_space<vmem>> -> memref<1x128x128xf32, #tpu.memory_space<vmem>>
        %swap3A_642 = tpu.memref_squeeze %swap3A_641 : memref<1x128x128xf32, #tpu.memory_space<vmem>> -> memref<128x128xf32, #tpu.memory_space<vmem>>
        %swap3A_643 = arith.index_cast %scan3A_489 : i32 to index
        %swap3A_644 = arith.constant 112 : index
        %swap3A_645 = tpu.vector_load %swap3A_642[%swap3A_643, %swap3A_644] {strides = array<i32>} : memref<128x128xf32, #tpu.memory_space<vmem>>, vector<1x16xf32>,
        %swap3A_646 = vector.shape_cast %swap3A_645 : vector<1x16xf32> to vector<16xf32>
        %swap3A_647 = vector.shape_cast %mul3A_638 : vector<16xf32> to vector<1x16xf32>
        tpu.vector_store %swap3A_642[%swap3A_643, %swap3A_644], %swap3A_647 {strides = array<i32>} : memref<128x128xf32, #tpu.memory_space<vmem>>, vector<1x16xf32>,
      }
      %scan3A_273 = arith.constant 128 : i32
      %dma_start3A_274 = arith.constant 1 : i32
      %dma_start3A_275 = arith.constant 0 : i32
      %dma_start3A_276 = arith.constant 0 : i32
      %dma_start3A_277 = tpu.memref_slice %arg6[%dma_start3A_274, %dma_start3A_275, %dma_start3A_276] : memref<6x128x128xf32, #tpu.memory_space<vmem>> -> memref<1x128x128xf32, #tpu.memory_space<vmem>>
      %dma_start3A_278 = tpu.memref_squeeze %dma_start3A_277 : memref<1x128x128xf32, #tpu.memory_space<vmem>> -> memref<128x128xf32, #tpu.memory_space<vmem>>
      %dma_start3A_279 = arith.constant 0 : i32
      %dma_start3A_280 = tpu.memref_slice %arg4[%add3A_242, %mul3A_2, %dma_start3A_279] : memref<50x4096x128xf32, #tpu.memory_space<hbm>> -> memref<1x128x128xf32, #tpu.memory_space<hbm>>
      %dma_start3A_281 = tpu.memref_squeeze %dma_start3A_280 : memref<1x128x128xf32, #tpu.memory_space<hbm>> -> memref<128x128xf32, #tpu.memory_space<hbm>>
      %dma_start3A_282 = arith.constant 0 : i32
      %dma_start3A_283 = tpu.memref_slice %arg4[%add3A_242, %mul3A_2, %dma_start3A_282] : memref<50x4096x128xf32, #tpu.memory_space<hbm>> -> memref<1x128x128xf32, #tpu.memory_space<hbm>>
      %dma_start3A_284 = tpu.memref_squeeze %dma_start3A_283 : memref<1x128x128xf32, #tpu.memory_space<hbm>> -> memref<128x128xf32, #tpu.memory_space<hbm>>
      %dma_start3A_285 = arith.constant 0 : i32
      %dma_start3A_286 = arith.constant 0 : i32
      %dma_start3A_287 = tpu.memref_slice %arg6[%dma_start3A_274, %dma_start3A_285, %dma_start3A_286] : memref<6x128x128xf32, #tpu.memory_space<vmem>> -> memref<1x128x128xf32, #tpu.memory_space<vmem>>
      %dma_start3A_288 = tpu.memref_squeeze %dma_start3A_287 : memref<1x128x128xf32, #tpu.memory_space<vmem>> -> memref<128x128xf32, #tpu.memory_space<vmem>>
      tpu.enqueue_dma source(%dma_start3A_288 : memref<128x128xf32, #tpu.memory_space<vmem>>) target(%dma_start3A_284 : memref<128x128xf32, #tpu.memory_space<hbm>>) target_semaphore(%arg14 : memref<!tpu.dma_semaphore, #tpu.memory_space<semaphore_mem>>)
      %mul3A_289 = arith.constant 6 : i32
      %mul3A_290 = arith.muli %scan3A_192, %mul3A_289 : i32
      %add3A_291 = arith.constant 2 : i32
      %add3A_292 = arith.addi %mul3A_290, %add3A_291 : i32
      %ge3A_293 = arith.constant 3 : i32
      %ge3A_294 = arith.cmpi sge, %add3A_292, %ge3A_293 : i32
      %convert_element_type3A_295 = arith.extui %ge3A_294 : i1 to i32
      %cond3A_296 = arith.constant 0 : i32
      %cond3A_297 = arith.cmpi ne, %convert_element_type3A_295, %cond3A_296 : i32
      scf.if %cond3A_297 {
        %dma_wait3A_489 = arith.constant 5 : i32
        %dma_wait3A_490 = arith.constant 0 : i32
        %dma_wait3A_491 = arith.constant 0 : i32
        %dma_wait3A_492 = arith.constant 0 : i32
        %dma_wait3A_493 = tpu.memref_slice %arg6[%dma_wait3A_489, %dma_wait3A_491, %dma_wait3A_492] : memref<6x128x128xf32, #tpu.memory_space<vmem>> -> memref<1x128x128xf32, #tpu.memory_space<vmem>>
        %dma_wait3A_494 = tpu.memref_squeeze %dma_wait3A_493 : memref<1x128x128xf32, #tpu.memory_space<vmem>> -> memref<128x128xf32, #tpu.memory_space<vmem>>
        %dma_wait3A_495 = arith.constant 0 : i32
        %dma_wait3A_496 = tpu.memref_slice %arg4[%dma_wait3A_490, %mul3A_2, %dma_wait3A_495] : memref<50x4096x128xf32, #tpu.memory_space<hbm>> -> memref<1x128x128xf32, #tpu.memory_space<hbm>>
        %dma_wait3A_497 = tpu.memref_squeeze %dma_wait3A_496 : memref<1x128x128xf32, #tpu.memory_space<hbm>> -> memref<128x128xf32, #tpu.memory_space<hbm>>
        %dma_wait3A_498 = arith.constant 0 : i32
        %dma_wait3A_499 = tpu.memref_slice %arg4[%dma_wait3A_490, %mul3A_2, %dma_wait3A_498] : memref<50x4096x128xf32, #tpu.memory_space<hbm>> -> memref<1x128x128xf32, #tpu.memory_space<hbm>>
        %dma_wait3A_500 = tpu.memref_squeeze %dma_wait3A_499 : memref<1x128x128xf32, #tpu.memory_space<hbm>> -> memref<128x128xf32, #tpu.memory_space<hbm>>
        %dma_wait3A_501 = arith.constant 0 : i32
        %dma_wait3A_502 = arith.constant 0 : i32
        %dma_wait3A_503 = tpu.memref_slice %arg6[%dma_wait3A_489, %dma_wait3A_501, %dma_wait3A_502] : memref<6x128x128xf32, #tpu.memory_space<vmem>> -> memref<1x128x128xf32, #tpu.memory_space<vmem>>
        %dma_wait3A_504 = tpu.memref_squeeze %dma_wait3A_503 : memref<1x128x128xf32, #tpu.memory_space<vmem>> -> memref<128x128xf32, #tpu.memory_space<vmem>>
        tpu.wait_dma2 semaphore(%arg18 : memref<!tpu.dma_semaphore, #tpu.memory_space<semaphore_mem>>) src(%dma_wait3A_504 : memref<128x128xf32, #tpu.memory_space<vmem>>) dst(%dma_wait3A_500 : memref<128x128xf32, #tpu.memory_space<hbm>>)
      } else {
      }
      %add3A_298 = arith.constant 3 : i32
      %add3A_299 = arith.addi %add3A_292, %add3A_298 : i32
      %lt3A_300 = arith.constant 50 : i32
      %lt3A_301 = arith.cmpi slt, %add3A_299, %lt3A_300 : i32
      %convert_element_type3A_302 = arith.extui %lt3A_301 : i1 to i32
      %cond3A_303 = arith.constant 0 : i32
      %cond3A_304 = arith.cmpi ne, %convert_element_type3A_302, %cond3A_303 : i32
      scf.if %cond3A_304 {
        %add3A_489 = arith.constant 3 : i32
        %add3A_490 = arith.addi %add3A_292, %add3A_489 : i32
        %dma_start3A_491 = arith.constant 5 : i32
        %dma_start3A_492 = arith.constant 0 : i32
        %dma_start3A_493 = arith.constant 0 : i32
        %dma_start3A_494 = tpu.memref_slice %arg6[%dma_start3A_491, %dma_start3A_492, %dma_start3A_493] : memref<6x128x128xf32, #tpu.memory_space<vmem>> -> memref<1x128x128xf32, #tpu.memory_space<vmem>>
        %dma_start3A_495 = tpu.memref_squeeze %dma_start3A_494 : memref<1x128x128xf32, #tpu.memory_space<vmem>> -> memref<128x128xf32, #tpu.memory_space<vmem>>
        %dma_start3A_496 = arith.constant 0 : i32
        %dma_start3A_497 = tpu.memref_slice %arg5[%add3A_490, %dma_start3A_496] : memref<50x128xi32, #tpu.memory_space<vmem>> -> memref<1x128xi32, #tpu.memory_space<vmem>>
        %dma_start3A_498 = tpu.memref_squeeze %dma_start3A_497 : memref<1x128xi32, #tpu.memory_space<vmem>> -> memref<128xi32, #tpu.memory_space<vmem>>
        %dma_start3A_499 = arith.constant 0 : i32
        %dma_start3A_500 = arith.constant 0 : i32
        %dma_start3A_501 = tpu.memref_slice %arg3[%dma_start3A_499, %dma_start3A_500] : memref<100000x128xf32, #tpu.memory_space<hbm>> -> memref<100000x128xf32, #tpu.memory_space<hbm>>
        tpu.enqueue_indirect_dma source(%dma_start3A_501 : memref<100000x128xf32, #tpu.memory_space<hbm>>) target(%dma_start3A_495 : memref<128x128xf32, #tpu.memory_space<vmem>>) offsets(%dma_start3A_498 : memref<128xi32, #tpu.memory_space<vmem>>) semaphore(%arg12 : memref<!tpu.dma_semaphore, #tpu.memory_space<semaphore_mem>>)
      } else {
      }
      %dma_wait3A_305 = arith.constant 0 : i32
      %dma_wait3A_306 = arith.constant 2 : i32
      %dma_wait3A_307 = arith.constant 0 : i32
      %dma_wait3A_308 = arith.constant 0 : i32
      %dma_wait3A_309 = tpu.memref_slice %arg6[%dma_wait3A_306, %dma_wait3A_307, %dma_wait3A_308] : memref<6x128x128xf32, #tpu.memory_space<vmem>> -> memref<1x128x128xf32, #tpu.memory_space<vmem>>
      %dma_wait3A_310 = tpu.memref_squeeze %dma_wait3A_309 : memref<1x128x128xf32, #tpu.memory_space<vmem>> -> memref<128x128xf32, #tpu.memory_space<vmem>>
      %dma_wait3A_311 = arith.constant 0 : i32
      %dma_wait3A_312 = tpu.memref_slice %arg5[%dma_wait3A_305, %dma_wait3A_311] : memref<50x128xi32, #tpu.memory_space<vmem>> -> memref<1x128xi32, #tpu.memory_space<vmem>>
      %dma_wait3A_313 = tpu.memref_squeeze %dma_wait3A_312 : memref<1x128xi32, #tpu.memory_space<vmem>> -> memref<128xi32, #tpu.memory_space<vmem>>
      %dma_wait3A_314 = arith.constant 0 : i32
      %dma_wait3A_315 = arith.constant 0 : i32
      %dma_wait3A_316 = tpu.memref_slice %arg3[%dma_wait3A_314, %dma_wait3A_315] : memref<100000x128xf32, #tpu.memory_space<hbm>> -> memref<100000x128xf32, #tpu.memory_space<hbm>>
      tpu.wait_indirect_dma semaphore(%arg9 : memref<!tpu.dma_semaphore, #tpu.memory_space<semaphore_mem>>) src(%dma_wait3A_316 : memref<100000x128xf32, #tpu.memory_space<hbm>>) dst(%dma_wait3A_310 : memref<128x128xf32, #tpu.memory_space<vmem>>)
      %scan3A_317 = arith.constant 0 : i32
      %scan3A_318 = arith.constant 2 : i32
      %scan3A_319 = arith.constant 0 : i32
      %scan3A_320 = arith.constant 128 : i32
      %scan3A_321 = arith.addi %scan3A_319, %scan3A_320 : i32
      %scan3A_322 = arith.constant 1 : i32
      scf.for %scan3A_489 = %scan3A_319 to %scan3A_321 step %scan3A_322  : i32 {
        %get3A = arith.constant 0 : i32
        %get3A_490 = arith.constant 0 : i32
        %get3A_491 = tpu.memref_slice %arg6[%scan3A_318, %get3A, %get3A_490] : memref<6x128x128xf32, #tpu.memory_space<vmem>> -> memref<1x128x128xf32, #tpu.memory_space<vmem>>
        %get3A_492 = tpu.memref_squeeze %get3A_491 : memref<1x128x128xf32, #tpu.memory_space<vmem>> -> memref<128x128xf32, #tpu.memory_space<vmem>>
        %get3A_493 = arith.index_cast %scan3A_489 : i32 to index
        %get3A_494 = arith.constant 0 : index
        %get3A_495 = tpu.vector_load %get3A_492[%get3A_493, %get3A_494] {strides = array<i32>} : memref<128x128xf32, #tpu.memory_space<vmem>>, vector<1x16xf32>,
        %get3A_496 = vector.shape_cast %get3A_495 : vector<1x16xf32> to vector<16xf32>
        %mul3A_497 = arith.constant 11.3137083 : f32
        %mul3A_498 = vector.broadcast %mul3A_497 : f32 to vector<16xf32>
        %mul3A_499 = arith.mulf %get3A_496, %mul3A_498 : vector<16xf32>
        %swap3A = arith.constant 0 : i32
        %swap3A_500 = arith.constant 0 : i32
        %swap3A_501 = tpu.memref_slice %arg6[%scan3A_318, %swap3A, %swap3A_500] : memref<6x128x128xf32, #tpu.memory_space<vmem>> -> memref<1x128x128xf32, #tpu.memory_space<vmem>>
        %swap3A_502 = tpu.memref_squeeze %swap3A_501 : memref<1x128x128xf32, #tpu.memory_space<vmem>> -> memref<128x128xf32, #tpu.memory_space<vmem>>
        %swap3A_503 = arith.index_cast %scan3A_489 : i32 to index
        %swap3A_504 = arith.constant 0 : index
        %swap3A_505 = tpu.vector_load %swap3A_502[%swap3A_503, %swap3A_504] {strides = array<i32>} : memref<128x128xf32, #tpu.memory_space<vmem>>, vector<1x16xf32>,
        %swap3A_506 = vector.shape_cast %swap3A_505 : vector<1x16xf32> to vector<16xf32>
        %swap3A_507 = vector.shape_cast %mul3A_499 : vector<16xf32> to vector<1x16xf32>
        tpu.vector_store %swap3A_502[%swap3A_503, %swap3A_504], %swap3A_507 {strides = array<i32>} : memref<128x128xf32, #tpu.memory_space<vmem>>, vector<1x16xf32>,
        %get3A_508 = arith.constant 0 : i32
        %get3A_509 = arith.constant 0 : i32
        %get3A_510 = tpu.memref_slice %arg6[%scan3A_318, %get3A_508, %get3A_509] : memref<6x128x128xf32, #tpu.memory_space<vmem>> -> memref<1x128x128xf32, #tpu.memory_space<vmem>>
        %get3A_511 = tpu.memref_squeeze %get3A_510 : memref<1x128x128xf32, #tpu.memory_space<vmem>> -> memref<128x128xf32, #tpu.memory_space<vmem>>
        %get3A_512 = arith.index_cast %scan3A_489 : i32 to index
        %get3A_513 = arith.constant 16 : index
        %get3A_514 = tpu.vector_load %get3A_511[%get3A_512, %get3A_513] {strides = array<i32>} : memref<128x128xf32, #tpu.memory_space<vmem>>, vector<1x16xf32>,
        %get3A_515 = vector.shape_cast %get3A_514 : vector<1x16xf32> to vector<16xf32>
        %mul3A_516 = arith.constant 11.3137083 : f32
        %mul3A_517 = vector.broadcast %mul3A_516 : f32 to vector<16xf32>
        %mul3A_518 = arith.mulf %get3A_515, %mul3A_517 : vector<16xf32>
        %swap3A_519 = arith.constant 0 : i32
        %swap3A_520 = arith.constant 0 : i32
        %swap3A_521 = tpu.memref_slice %arg6[%scan3A_318, %swap3A_519, %swap3A_520] : memref<6x128x128xf32, #tpu.memory_space<vmem>> -> memref<1x128x128xf32, #tpu.memory_space<vmem>>
        %swap3A_522 = tpu.memref_squeeze %swap3A_521 : memref<1x128x128xf32, #tpu.memory_space<vmem>> -> memref<128x128xf32, #tpu.memory_space<vmem>>
        %swap3A_523 = arith.index_cast %scan3A_489 : i32 to index
        %swap3A_524 = arith.constant 16 : index
        %swap3A_525 = tpu.vector_load %swap3A_522[%swap3A_523, %swap3A_524] {strides = array<i32>} : memref<128x128xf32, #tpu.memory_space<vmem>>, vector<1x16xf32>,
        %swap3A_526 = vector.shape_cast %swap3A_525 : vector<1x16xf32> to vector<16xf32>
        %swap3A_527 = vector.shape_cast %mul3A_518 : vector<16xf32> to vector<1x16xf32>
        tpu.vector_store %swap3A_522[%swap3A_523, %swap3A_524], %swap3A_527 {strides = array<i32>} : memref<128x128xf32, #tpu.memory_space<vmem>>, vector<1x16xf32>,
        %get3A_528 = arith.constant 0 : i32
        %get3A_529 = arith.constant 0 : i32
        %get3A_530 = tpu.memref_slice %arg6[%scan3A_318, %get3A_528, %get3A_529] : memref<6x128x128xf32, #tpu.memory_space<vmem>> -> memref<1x128x128xf32, #tpu.memory_space<vmem>>
        %get3A_531 = tpu.memref_squeeze %get3A_530 : memref<1x128x128xf32, #tpu.memory_space<vmem>> -> memref<128x128xf32, #tpu.memory_space<vmem>>
        %get3A_532 = arith.index_cast %scan3A_489 : i32 to index
        %get3A_533 = arith.constant 32 : index
        %get3A_534 = tpu.vector_load %get3A_531[%get3A_532, %get3A_533] {strides = array<i32>} : memref<128x128xf32, #tpu.memory_space<vmem>>, vector<1x16xf32>,
        %get3A_535 = vector.shape_cast %get3A_534 : vector<1x16xf32> to vector<16xf32>
        %mul3A_536 = arith.constant 11.3137083 : f32
        %mul3A_537 = vector.broadcast %mul3A_536 : f32 to vector<16xf32>
        %mul3A_538 = arith.mulf %get3A_535, %mul3A_537 : vector<16xf32>
        %swap3A_539 = arith.constant 0 : i32
        %swap3A_540 = arith.constant 0 : i32
        %swap3A_541 = tpu.memref_slice %arg6[%scan3A_318, %swap3A_539, %swap3A_540] : memref<6x128x128xf32, #tpu.memory_space<vmem>> -> memref<1x128x128xf32, #tpu.memory_space<vmem>>
        %swap3A_542 = tpu.memref_squeeze %swap3A_541 : memref<1x128x128xf32, #tpu.memory_space<vmem>> -> memref<128x128xf32, #tpu.memory_space<vmem>>
        %swap3A_543 = arith.index_cast %scan3A_489 : i32 to index
        %swap3A_544 = arith.constant 32 : index
        %swap3A_545 = tpu.vector_load %swap3A_542[%swap3A_543, %swap3A_544] {strides = array<i32>} : memref<128x128xf32, #tpu.memory_space<vmem>>, vector<1x16xf32>,
        %swap3A_546 = vector.shape_cast %swap3A_545 : vector<1x16xf32> to vector<16xf32>
        %swap3A_547 = vector.shape_cast %mul3A_538 : vector<16xf32> to vector<1x16xf32>
        tpu.vector_store %swap3A_542[%swap3A_543, %swap3A_544], %swap3A_547 {strides = array<i32>} : memref<128x128xf32, #tpu.memory_space<vmem>>, vector<1x16xf32>,
        %get3A_548 = arith.constant 0 : i32
        %get3A_549 = arith.constant 0 : i32
        %get3A_550 = tpu.memref_slice %arg6[%scan3A_318, %get3A_548, %get3A_549] : memref<6x128x128xf32, #tpu.memory_space<vmem>> -> memref<1x128x128xf32, #tpu.memory_space<vmem>>
        %get3A_551 = tpu.memref_squeeze %get3A_550 : memref<1x128x128xf32, #tpu.memory_space<vmem>> -> memref<128x128xf32, #tpu.memory_space<vmem>>
        %get3A_552 = arith.index_cast %scan3A_489 : i32 to index
        %get3A_553 = arith.constant 48 : index
        %get3A_554 = tpu.vector_load %get3A_551[%get3A_552, %get3A_553] {strides = array<i32>} : memref<128x128xf32, #tpu.memory_space<vmem>>, vector<1x16xf32>,
        %get3A_555 = vector.shape_cast %get3A_554 : vector<1x16xf32> to vector<16xf32>
        %mul3A_556 = arith.constant 11.3137083 : f32
        %mul3A_557 = vector.broadcast %mul3A_556 : f32 to vector<16xf32>
        %mul3A_558 = arith.mulf %get3A_555, %mul3A_557 : vector<16xf32>
        %swap3A_559 = arith.constant 0 : i32
        %swap3A_560 = arith.constant 0 : i32
        %swap3A_561 = tpu.memref_slice %arg6[%scan3A_318, %swap3A_559, %swap3A_560] : memref<6x128x128xf32, #tpu.memory_space<vmem>> -> memref<1x128x128xf32, #tpu.memory_space<vmem>>
        %swap3A_562 = tpu.memref_squeeze %swap3A_561 : memref<1x128x128xf32, #tpu.memory_space<vmem>> -> memref<128x128xf32, #tpu.memory_space<vmem>>
        %swap3A_563 = arith.index_cast %scan3A_489 : i32 to index
        %swap3A_564 = arith.constant 48 : index
        %swap3A_565 = tpu.vector_load %swap3A_562[%swap3A_563, %swap3A_564] {strides = array<i32>} : memref<128x128xf32, #tpu.memory_space<vmem>>, vector<1x16xf32>,
        %swap3A_566 = vector.shape_cast %swap3A_565 : vector<1x16xf32> to vector<16xf32>
        %swap3A_567 = vector.shape_cast %mul3A_558 : vector<16xf32> to vector<1x16xf32>
        tpu.vector_store %swap3A_562[%swap3A_563, %swap3A_564], %swap3A_567 {strides = array<i32>} : memref<128x128xf32, #tpu.memory_space<vmem>>, vector<1x16xf32>,
        %get3A_568 = arith.constant 0 : i32
        %get3A_569 = arith.constant 0 : i32
        %get3A_570 = tpu.memref_slice %arg6[%scan3A_318, %get3A_568, %get3A_569] : memref<6x128x128xf32, #tpu.memory_space<vmem>> -> memref<1x128x128xf32, #tpu.memory_space<vmem>>
        %get3A_571 = tpu.memref_squeeze %get3A_570 : memref<1x128x128xf32, #tpu.memory_space<vmem>> -> memref<128x128xf32, #tpu.memory_space<vmem>>
        %get3A_572 = arith.index_cast %scan3A_489 : i32 to index
        %get3A_573 = arith.constant 64 : index
        %get3A_574 = tpu.vector_load %get3A_571[%get3A_572, %get3A_573] {strides = array<i32>} : memref<128x128xf32, #tpu.memory_space<vmem>>, vector<1x16xf32>,
        %get3A_575 = vector.shape_cast %get3A_574 : vector<1x16xf32> to vector<16xf32>
        %mul3A_576 = arith.constant 11.3137083 : f32
        %mul3A_577 = vector.broadcast %mul3A_576 : f32 to vector<16xf32>
        %mul3A_578 = arith.mulf %get3A_575, %mul3A_577 : vector<16xf32>
        %swap3A_579 = arith.constant 0 : i32
        %swap3A_580 = arith.constant 0 : i32
        %swap3A_581 = tpu.memref_slice %arg6[%scan3A_318, %swap3A_579, %swap3A_580] : memref<6x128x128xf32, #tpu.memory_space<vmem>> -> memref<1x128x128xf32, #tpu.memory_space<vmem>>
        %swap3A_582 = tpu.memref_squeeze %swap3A_581 : memref<1x128x128xf32, #tpu.memory_space<vmem>> -> memref<128x128xf32, #tpu.memory_space<vmem>>
        %swap3A_583 = arith.index_cast %scan3A_489 : i32 to index
        %swap3A_584 = arith.constant 64 : index
        %swap3A_585 = tpu.vector_load %swap3A_582[%swap3A_583, %swap3A_584] {strides = array<i32>} : memref<128x128xf32, #tpu.memory_space<vmem>>, vector<1x16xf32>,
        %swap3A_586 = vector.shape_cast %swap3A_585 : vector<1x16xf32> to vector<16xf32>
        %swap3A_587 = vector.shape_cast %mul3A_578 : vector<16xf32> to vector<1x16xf32>
        tpu.vector_store %swap3A_582[%swap3A_583, %swap3A_584], %swap3A_587 {strides = array<i32>} : memref<128x128xf32, #tpu.memory_space<vmem>>, vector<1x16xf32>,
        %get3A_588 = arith.constant 0 : i32
        %get3A_589 = arith.constant 0 : i32
        %get3A_590 = tpu.memref_slice %arg6[%scan3A_318, %get3A_588, %get3A_589] : memref<6x128x128xf32, #tpu.memory_space<vmem>> -> memref<1x128x128xf32, #tpu.memory_space<vmem>>
        %get3A_591 = tpu.memref_squeeze %get3A_590 : memref<1x128x128xf32, #tpu.memory_space<vmem>> -> memref<128x128xf32, #tpu.memory_space<vmem>>
        %get3A_592 = arith.index_cast %scan3A_489 : i32 to index
        %get3A_593 = arith.constant 80 : index
        %get3A_594 = tpu.vector_load %get3A_591[%get3A_592, %get3A_593] {strides = array<i32>} : memref<128x128xf32, #tpu.memory_space<vmem>>, vector<1x16xf32>,
        %get3A_595 = vector.shape_cast %get3A_594 : vector<1x16xf32> to vector<16xf32>
        %mul3A_596 = arith.constant 11.3137083 : f32
        %mul3A_597 = vector.broadcast %mul3A_596 : f32 to vector<16xf32>
        %mul3A_598 = arith.mulf %get3A_595, %mul3A_597 : vector<16xf32>
        %swap3A_599 = arith.constant 0 : i32
        %swap3A_600 = arith.constant 0 : i32
        %swap3A_601 = tpu.memref_slice %arg6[%scan3A_318, %swap3A_599, %swap3A_600] : memref<6x128x128xf32, #tpu.memory_space<vmem>> -> memref<1x128x128xf32, #tpu.memory_space<vmem>>
        %swap3A_602 = tpu.memref_squeeze %swap3A_601 : memref<1x128x128xf32, #tpu.memory_space<vmem>> -> memref<128x128xf32, #tpu.memory_space<vmem>>
        %swap3A_603 = arith.index_cast %scan3A_489 : i32 to index
        %swap3A_604 = arith.constant 80 : index
        %swap3A_605 = tpu.vector_load %swap3A_602[%swap3A_603, %swap3A_604] {strides = array<i32>} : memref<128x128xf32, #tpu.memory_space<vmem>>, vector<1x16xf32>,
        %swap3A_606 = vector.shape_cast %swap3A_605 : vector<1x16xf32> to vector<16xf32>
        %swap3A_607 = vector.shape_cast %mul3A_598 : vector<16xf32> to vector<1x16xf32>
        tpu.vector_store %swap3A_602[%swap3A_603, %swap3A_604], %swap3A_607 {strides = array<i32>} : memref<128x128xf32, #tpu.memory_space<vmem>>, vector<1x16xf32>,
        %get3A_608 = arith.constant 0 : i32
        %get3A_609 = arith.constant 0 : i32
        %get3A_610 = tpu.memref_slice %arg6[%scan3A_318, %get3A_608, %get3A_609] : memref<6x128x128xf32, #tpu.memory_space<vmem>> -> memref<1x128x128xf32, #tpu.memory_space<vmem>>
        %get3A_611 = tpu.memref_squeeze %get3A_610 : memref<1x128x128xf32, #tpu.memory_space<vmem>> -> memref<128x128xf32, #tpu.memory_space<vmem>>
        %get3A_612 = arith.index_cast %scan3A_489 : i32 to index
        %get3A_613 = arith.constant 96 : index
        %get3A_614 = tpu.vector_load %get3A_611[%get3A_612, %get3A_613] {strides = array<i32>} : memref<128x128xf32, #tpu.memory_space<vmem>>, vector<1x16xf32>,
        %get3A_615 = vector.shape_cast %get3A_614 : vector<1x16xf32> to vector<16xf32>
        %mul3A_616 = arith.constant 11.3137083 : f32
        %mul3A_617 = vector.broadcast %mul3A_616 : f32 to vector<16xf32>
        %mul3A_618 = arith.mulf %get3A_615, %mul3A_617 : vector<16xf32>
        %swap3A_619 = arith.constant 0 : i32
        %swap3A_620 = arith.constant 0 : i32
        %swap3A_621 = tpu.memref_slice %arg6[%scan3A_318, %swap3A_619, %swap3A_620] : memref<6x128x128xf32, #tpu.memory_space<vmem>> -> memref<1x128x128xf32, #tpu.memory_space<vmem>>
        %swap3A_622 = tpu.memref_squeeze %swap3A_621 : memref<1x128x128xf32, #tpu.memory_space<vmem>> -> memref<128x128xf32, #tpu.memory_space<vmem>>
        %swap3A_623 = arith.index_cast %scan3A_489 : i32 to index
        %swap3A_624 = arith.constant 96 : index
        %swap3A_625 = tpu.vector_load %swap3A_622[%swap3A_623, %swap3A_624] {strides = array<i32>} : memref<128x128xf32, #tpu.memory_space<vmem>>, vector<1x16xf32>,
        %swap3A_626 = vector.shape_cast %swap3A_625 : vector<1x16xf32> to vector<16xf32>
        %swap3A_627 = vector.shape_cast %mul3A_618 : vector<16xf32> to vector<1x16xf32>
        tpu.vector_store %swap3A_622[%swap3A_623, %swap3A_624], %swap3A_627 {strides = array<i32>} : memref<128x128xf32, #tpu.memory_space<vmem>>, vector<1x16xf32>,
        %get3A_628 = arith.constant 0 : i32
        %get3A_629 = arith.constant 0 : i32
        %get3A_630 = tpu.memref_slice %arg6[%scan3A_318, %get3A_628, %get3A_629] : memref<6x128x128xf32, #tpu.memory_space<vmem>> -> memref<1x128x128xf32, #tpu.memory_space<vmem>>
        %get3A_631 = tpu.memref_squeeze %get3A_630 : memref<1x128x128xf32, #tpu.memory_space<vmem>> -> memref<128x128xf32, #tpu.memory_space<vmem>>
        %get3A_632 = arith.index_cast %scan3A_489 : i32 to index
        %get3A_633 = arith.constant 112 : index
        %get3A_634 = tpu.vector_load %get3A_631[%get3A_632, %get3A_633] {strides = array<i32>} : memref<128x128xf32, #tpu.memory_space<vmem>>, vector<1x16xf32>,
        %get3A_635 = vector.shape_cast %get3A_634 : vector<1x16xf32> to vector<16xf32>
        %mul3A_636 = arith.constant 11.3137083 : f32
        %mul3A_637 = vector.broadcast %mul3A_636 : f32 to vector<16xf32>
        %mul3A_638 = arith.mulf %get3A_635, %mul3A_637 : vector<16xf32>
        %swap3A_639 = arith.constant 0 : i32
        %swap3A_640 = arith.constant 0 : i32
        %swap3A_641 = tpu.memref_slice %arg6[%scan3A_318, %swap3A_639, %swap3A_640] : memref<6x128x128xf32, #tpu.memory_space<vmem>> -> memref<1x128x128xf32, #tpu.memory_space<vmem>>
        %swap3A_642 = tpu.memref_squeeze %swap3A_641 : memref<1x128x128xf32, #tpu.memory_space<vmem>> -> memref<128x128xf32, #tpu.memory_space<vmem>>
        %swap3A_643 = arith.index_cast %scan3A_489 : i32 to index
        %swap3A_644 = arith.constant 112 : index
        %swap3A_645 = tpu.vector_load %swap3A_642[%swap3A_643, %swap3A_644] {strides = array<i32>} : memref<128x128xf32, #tpu.memory_space<vmem>>, vector<1x16xf32>,
        %swap3A_646 = vector.shape_cast %swap3A_645 : vector<1x16xf32> to vector<16xf32>
        %swap3A_647 = vector.shape_cast %mul3A_638 : vector<16xf32> to vector<1x16xf32>
        tpu.vector_store %swap3A_642[%swap3A_643, %swap3A_644], %swap3A_647 {strides = array<i32>} : memref<128x128xf32, #tpu.memory_space<vmem>>, vector<1x16xf32>,
      }
      %scan3A_323 = arith.constant 128 : i32
      %dma_start3A_324 = arith.constant 2 : i32
      %dma_start3A_325 = arith.constant 0 : i32
      %dma_start3A_326 = arith.constant 0 : i32
      %dma_start3A_327 = tpu.memref_slice %arg6[%dma_start3A_324, %dma_start3A_325, %dma_start3A_326] : memref<6x128x128xf32, #tpu.memory_space<vmem>> -> memref<1x128x128xf32, #tpu.memory_space<vmem>>
      %dma_start3A_328 = tpu.memref_squeeze %dma_start3A_327 : memref<1x128x128xf32, #tpu.memory_space<vmem>> -> memref<128x128xf32, #tpu.memory_space<vmem>>
      %dma_start3A_329 = arith.constant 0 : i32
      %dma_start3A_330 = tpu.memref_slice %arg4[%add3A_292, %mul3A_2, %dma_start3A_329] : memref<50x4096x128xf32, #tpu.memory_space<hbm>> -> memref<1x128x128xf32, #tpu.memory_space<hbm>>
      %dma_start3A_331 = tpu.memref_squeeze %dma_start3A_330 : memref<1x128x128xf32, #tpu.memory_space<hbm>> -> memref<128x128xf32, #tpu.memory_space<hbm>>
      %dma_start3A_332 = arith.constant 0 : i32
      %dma_start3A_333 = tpu.memref_slice %arg4[%add3A_292, %mul3A_2, %dma_start3A_332] : memref<50x4096x128xf32, #tpu.memory_space<hbm>> -> memref<1x128x128xf32, #tpu.memory_space<hbm>>
      %dma_start3A_334 = tpu.memref_squeeze %dma_start3A_333 : memref<1x128x128xf32, #tpu.memory_space<hbm>> -> memref<128x128xf32, #tpu.memory_space<hbm>>
      %dma_start3A_335 = arith.constant 0 : i32
      %dma_start3A_336 = arith.constant 0 : i32
      %dma_start3A_337 = tpu.memref_slice %arg6[%dma_start3A_324, %dma_start3A_335, %dma_start3A_336] : memref<6x128x128xf32, #tpu.memory_space<vmem>> -> memref<1x128x128xf32, #tpu.memory_space<vmem>>
      %dma_start3A_338 = tpu.memref_squeeze %dma_start3A_337 : memref<1x128x128xf32, #tpu.memory_space<vmem>> -> memref<128x128xf32, #tpu.memory_space<vmem>>
      tpu.enqueue_dma source(%dma_start3A_338 : memref<128x128xf32, #tpu.memory_space<vmem>>) target(%dma_start3A_334 : memref<128x128xf32, #tpu.memory_space<hbm>>) target_semaphore(%arg15 : memref<!tpu.dma_semaphore, #tpu.memory_space<semaphore_mem>>)
      %mul3A_339 = arith.constant 6 : i32
      %mul3A_340 = arith.muli %scan3A_192, %mul3A_339 : i32
      %add3A_341 = arith.constant 3 : i32
      %add3A_342 = arith.addi %mul3A_340, %add3A_341 : i32
      %ge3A_343 = arith.constant 3 : i32
      %ge3A_344 = arith.cmpi sge, %add3A_342, %ge3A_343 : i32
      %convert_element_type3A_345 = arith.extui %ge3A_344 : i1 to i32
      %cond3A_346 = arith.constant 0 : i32
      %cond3A_347 = arith.cmpi ne, %convert_element_type3A_345, %cond3A_346 : i32
      scf.if %cond3A_347 {
        %dma_wait3A_489 = arith.constant 0 : i32
        %dma_wait3A_490 = arith.constant 0 : i32
        %dma_wait3A_491 = arith.constant 0 : i32
        %dma_wait3A_492 = arith.constant 0 : i32
        %dma_wait3A_493 = tpu.memref_slice %arg6[%dma_wait3A_489, %dma_wait3A_491, %dma_wait3A_492] : memref<6x128x128xf32, #tpu.memory_space<vmem>> -> memref<1x128x128xf32, #tpu.memory_space<vmem>>
        %dma_wait3A_494 = tpu.memref_squeeze %dma_wait3A_493 : memref<1x128x128xf32, #tpu.memory_space<vmem>> -> memref<128x128xf32, #tpu.memory_space<vmem>>
        %dma_wait3A_495 = arith.constant 0 : i32
        %dma_wait3A_496 = tpu.memref_slice %arg4[%dma_wait3A_490, %mul3A_2, %dma_wait3A_495] : memref<50x4096x128xf32, #tpu.memory_space<hbm>> -> memref<1x128x128xf32, #tpu.memory_space<hbm>>
        %dma_wait3A_497 = tpu.memref_squeeze %dma_wait3A_496 : memref<1x128x128xf32, #tpu.memory_space<hbm>> -> memref<128x128xf32, #tpu.memory_space<hbm>>
        %dma_wait3A_498 = arith.constant 0 : i32
        %dma_wait3A_499 = tpu.memref_slice %arg4[%dma_wait3A_490, %mul3A_2, %dma_wait3A_498] : memref<50x4096x128xf32, #tpu.memory_space<hbm>> -> memref<1x128x128xf32, #tpu.memory_space<hbm>>
        %dma_wait3A_500 = tpu.memref_squeeze %dma_wait3A_499 : memref<1x128x128xf32, #tpu.memory_space<hbm>> -> memref<128x128xf32, #tpu.memory_space<hbm>>
        %dma_wait3A_501 = arith.constant 0 : i32
        %dma_wait3A_502 = arith.constant 0 : i32
        %dma_wait3A_503 = tpu.memref_slice %arg6[%dma_wait3A_489, %dma_wait3A_501, %dma_wait3A_502] : memref<6x128x128xf32, #tpu.memory_space<vmem>> -> memref<1x128x128xf32, #tpu.memory_space<vmem>>
        %dma_wait3A_504 = tpu.memref_squeeze %dma_wait3A_503 : memref<1x128x128xf32, #tpu.memory_space<vmem>> -> memref<128x128xf32, #tpu.memory_space<vmem>>
        tpu.wait_dma2 semaphore(%arg13 : memref<!tpu.dma_semaphore, #tpu.memory_space<semaphore_mem>>) src(%dma_wait3A_504 : memref<128x128xf32, #tpu.memory_space<vmem>>) dst(%dma_wait3A_500 : memref<128x128xf32, #tpu.memory_space<hbm>>)
      } else {
      }
      %add3A_348 = arith.constant 3 : i32
      %add3A_349 = arith.addi %add3A_342, %add3A_348 : i32
      %lt3A_350 = arith.constant 50 : i32
      %lt3A_351 = arith.cmpi slt, %add3A_349, %lt3A_350 : i32
      %convert_element_type3A_352 = arith.extui %lt3A_351 : i1 to i32
      %cond3A_353 = arith.constant 0 : i32
      %cond3A_354 = arith.cmpi ne, %convert_element_type3A_352, %cond3A_353 : i32
      scf.if %cond3A_354 {
        %add3A_489 = arith.constant 3 : i32
        %add3A_490 = arith.addi %add3A_342, %add3A_489 : i32
        %dma_start3A_491 = arith.constant 0 : i32
        %dma_start3A_492 = arith.constant 0 : i32
        %dma_start3A_493 = arith.constant 0 : i32
        %dma_start3A_494 = tpu.memref_slice %arg6[%dma_start3A_491, %dma_start3A_492, %dma_start3A_493] : memref<6x128x128xf32, #tpu.memory_space<vmem>> -> memref<1x128x128xf32, #tpu.memory_space<vmem>>
        %dma_start3A_495 = tpu.memref_squeeze %dma_start3A_494 : memref<1x128x128xf32, #tpu.memory_space<vmem>> -> memref<128x128xf32, #tpu.memory_space<vmem>>
        %dma_start3A_496 = arith.constant 0 : i32
        %dma_start3A_497 = tpu.memref_slice %arg5[%add3A_490, %dma_start3A_496] : memref<50x128xi32, #tpu.memory_space<vmem>> -> memref<1x128xi32, #tpu.memory_space<vmem>>
        %dma_start3A_498 = tpu.memref_squeeze %dma_start3A_497 : memref<1x128xi32, #tpu.memory_space<vmem>> -> memref<128xi32, #tpu.memory_space<vmem>>
        %dma_start3A_499 = arith.constant 0 : i32
        %dma_start3A_500 = arith.constant 0 : i32
        %dma_start3A_501 = tpu.memref_slice %arg3[%dma_start3A_499, %dma_start3A_500] : memref<100000x128xf32, #tpu.memory_space<hbm>> -> memref<100000x128xf32, #tpu.memory_space<hbm>>
        tpu.enqueue_indirect_dma source(%dma_start3A_501 : memref<100000x128xf32, #tpu.memory_space<hbm>>) target(%dma_start3A_495 : memref<128x128xf32, #tpu.memory_space<vmem>>) offsets(%dma_start3A_498 : memref<128xi32, #tpu.memory_space<vmem>>) semaphore(%arg7 : memref<!tpu.dma_semaphore, #tpu.memory_space<semaphore_mem>>)
      } else {
      }
      %dma_wait3A_355 = arith.constant 0 : i32
      %dma_wait3A_356 = arith.constant 3 : i32
      %dma_wait3A_357 = arith.constant 0 : i32
      %dma_wait3A_358 = arith.constant 0 : i32
      %dma_wait3A_359 = tpu.memref_slice %arg6[%dma_wait3A_356, %dma_wait3A_357, %dma_wait3A_358] : memref<6x128x128xf32, #tpu.memory_space<vmem>> -> memref<1x128x128xf32, #tpu.memory_space<vmem>>
      %dma_wait3A_360 = tpu.memref_squeeze %dma_wait3A_359 : memref<1x128x128xf32, #tpu.memory_space<vmem>> -> memref<128x128xf32, #tpu.memory_space<vmem>>
      %dma_wait3A_361 = arith.constant 0 : i32
      %dma_wait3A_362 = tpu.memref_slice %arg5[%dma_wait3A_355, %dma_wait3A_361] : memref<50x128xi32, #tpu.memory_space<vmem>> -> memref<1x128xi32, #tpu.memory_space<vmem>>
      %dma_wait3A_363 = tpu.memref_squeeze %dma_wait3A_362 : memref<1x128xi32, #tpu.memory_space<vmem>> -> memref<128xi32, #tpu.memory_space<vmem>>
      %dma_wait3A_364 = arith.constant 0 : i32
      %dma_wait3A_365 = arith.constant 0 : i32
      %dma_wait3A_366 = tpu.memref_slice %arg3[%dma_wait3A_364, %dma_wait3A_365] : memref<100000x128xf32, #tpu.memory_space<hbm>> -> memref<100000x128xf32, #tpu.memory_space<hbm>>
      tpu.wait_indirect_dma semaphore(%arg10 : memref<!tpu.dma_semaphore, #tpu.memory_space<semaphore_mem>>) src(%dma_wait3A_366 : memref<100000x128xf32, #tpu.memory_space<hbm>>) dst(%dma_wait3A_360 : memref<128x128xf32, #tpu.memory_space<vmem>>)
      %scan3A_367 = arith.constant 0 : i32
      %scan3A_368 = arith.constant 3 : i32
      %scan3A_369 = arith.constant 0 : i32
      %scan3A_370 = arith.constant 128 : i32
      %scan3A_371 = arith.addi %scan3A_369, %scan3A_370 : i32
      %scan3A_372 = arith.constant 1 : i32
      scf.for %scan3A_489 = %scan3A_369 to %scan3A_371 step %scan3A_372  : i32 {
        %get3A = arith.constant 0 : i32
        %get3A_490 = arith.constant 0 : i32
        %get3A_491 = tpu.memref_slice %arg6[%scan3A_368, %get3A, %get3A_490] : memref<6x128x128xf32, #tpu.memory_space<vmem>> -> memref<1x128x128xf32, #tpu.memory_space<vmem>>
        %get3A_492 = tpu.memref_squeeze %get3A_491 : memref<1x128x128xf32, #tpu.memory_space<vmem>> -> memref<128x128xf32, #tpu.memory_space<vmem>>
        %get3A_493 = arith.index_cast %scan3A_489 : i32 to index
        %get3A_494 = arith.constant 0 : index
        %get3A_495 = tpu.vector_load %get3A_492[%get3A_493, %get3A_494] {strides = array<i32>} : memref<128x128xf32, #tpu.memory_space<vmem>>, vector<1x16xf32>,
        %get3A_496 = vector.shape_cast %get3A_495 : vector<1x16xf32> to vector<16xf32>
        %mul3A_497 = arith.constant 11.3137083 : f32
        %mul3A_498 = vector.broadcast %mul3A_497 : f32 to vector<16xf32>
        %mul3A_499 = arith.mulf %get3A_496, %mul3A_498 : vector<16xf32>
        %swap3A = arith.constant 0 : i32
        %swap3A_500 = arith.constant 0 : i32
        %swap3A_501 = tpu.memref_slice %arg6[%scan3A_368, %swap3A, %swap3A_500] : memref<6x128x128xf32, #tpu.memory_space<vmem>> -> memref<1x128x128xf32, #tpu.memory_space<vmem>>
        %swap3A_502 = tpu.memref_squeeze %swap3A_501 : memref<1x128x128xf32, #tpu.memory_space<vmem>> -> memref<128x128xf32, #tpu.memory_space<vmem>>
        %swap3A_503 = arith.index_cast %scan3A_489 : i32 to index
        %swap3A_504 = arith.constant 0 : index
        %swap3A_505 = tpu.vector_load %swap3A_502[%swap3A_503, %swap3A_504] {strides = array<i32>} : memref<128x128xf32, #tpu.memory_space<vmem>>, vector<1x16xf32>,
        %swap3A_506 = vector.shape_cast %swap3A_505 : vector<1x16xf32> to vector<16xf32>
        %swap3A_507 = vector.shape_cast %mul3A_499 : vector<16xf32> to vector<1x16xf32>
        tpu.vector_store %swap3A_502[%swap3A_503, %swap3A_504], %swap3A_507 {strides = array<i32>} : memref<128x128xf32, #tpu.memory_space<vmem>>, vector<1x16xf32>,
        %get3A_508 = arith.constant 0 : i32
        %get3A_509 = arith.constant 0 : i32
        %get3A_510 = tpu.memref_slice %arg6[%scan3A_368, %get3A_508, %get3A_509] : memref<6x128x128xf32, #tpu.memory_space<vmem>> -> memref<1x128x128xf32, #tpu.memory_space<vmem>>
        %get3A_511 = tpu.memref_squeeze %get3A_510 : memref<1x128x128xf32, #tpu.memory_space<vmem>> -> memref<128x128xf32, #tpu.memory_space<vmem>>
        %get3A_512 = arith.index_cast %scan3A_489 : i32 to index
        %get3A_513 = arith.constant 16 : index
        %get3A_514 = tpu.vector_load %get3A_511[%get3A_512, %get3A_513] {strides = array<i32>} : memref<128x128xf32, #tpu.memory_space<vmem>>, vector<1x16xf32>,
        %get3A_515 = vector.shape_cast %get3A_514 : vector<1x16xf32> to vector<16xf32>
        %mul3A_516 = arith.constant 11.3137083 : f32
        %mul3A_517 = vector.broadcast %mul3A_516 : f32 to vector<16xf32>
        %mul3A_518 = arith.mulf %get3A_515, %mul3A_517 : vector<16xf32>
        %swap3A_519 = arith.constant 0 : i32
        %swap3A_520 = arith.constant 0 : i32
        %swap3A_521 = tpu.memref_slice %arg6[%scan3A_368, %swap3A_519, %swap3A_520] : memref<6x128x128xf32, #tpu.memory_space<vmem>> -> memref<1x128x128xf32, #tpu.memory_space<vmem>>
        %swap3A_522 = tpu.memref_squeeze %swap3A_521 : memref<1x128x128xf32, #tpu.memory_space<vmem>> -> memref<128x128xf32, #tpu.memory_space<vmem>>
        %swap3A_523 = arith.index_cast %scan3A_489 : i32 to index
        %swap3A_524 = arith.constant 16 : index
        %swap3A_525 = tpu.vector_load %swap3A_522[%swap3A_523, %swap3A_524] {strides = array<i32>} : memref<128x128xf32, #tpu.memory_space<vmem>>, vector<1x16xf32>,
        %swap3A_526 = vector.shape_cast %swap3A_525 : vector<1x16xf32> to vector<16xf32>
        %swap3A_527 = vector.shape_cast %mul3A_518 : vector<16xf32> to vector<1x16xf32>
        tpu.vector_store %swap3A_522[%swap3A_523, %swap3A_524], %swap3A_527 {strides = array<i32>} : memref<128x128xf32, #tpu.memory_space<vmem>>, vector<1x16xf32>,
        %get3A_528 = arith.constant 0 : i32
        %get3A_529 = arith.constant 0 : i32
        %get3A_530 = tpu.memref_slice %arg6[%scan3A_368, %get3A_528, %get3A_529] : memref<6x128x128xf32, #tpu.memory_space<vmem>> -> memref<1x128x128xf32, #tpu.memory_space<vmem>>
        %get3A_531 = tpu.memref_squeeze %get3A_530 : memref<1x128x128xf32, #tpu.memory_space<vmem>> -> memref<128x128xf32, #tpu.memory_space<vmem>>
        %get3A_532 = arith.index_cast %scan3A_489 : i32 to index
        %get3A_533 = arith.constant 32 : index
        %get3A_534 = tpu.vector_load %get3A_531[%get3A_532, %get3A_533] {strides = array<i32>} : memref<128x128xf32, #tpu.memory_space<vmem>>, vector<1x16xf32>,
        %get3A_535 = vector.shape_cast %get3A_534 : vector<1x16xf32> to vector<16xf32>
        %mul3A_536 = arith.constant 11.3137083 : f32
        %mul3A_537 = vector.broadcast %mul3A_536 : f32 to vector<16xf32>
        %mul3A_538 = arith.mulf %get3A_535, %mul3A_537 : vector<16xf32>
        %swap3A_539 = arith.constant 0 : i32
        %swap3A_540 = arith.constant 0 : i32
        %swap3A_541 = tpu.memref_slice %arg6[%scan3A_368, %swap3A_539, %swap3A_540] : memref<6x128x128xf32, #tpu.memory_space<vmem>> -> memref<1x128x128xf32, #tpu.memory_space<vmem>>
        %swap3A_542 = tpu.memref_squeeze %swap3A_541 : memref<1x128x128xf32, #tpu.memory_space<vmem>> -> memref<128x128xf32, #tpu.memory_space<vmem>>
        %swap3A_543 = arith.index_cast %scan3A_489 : i32 to index
        %swap3A_544 = arith.constant 32 : index
        %swap3A_545 = tpu.vector_load %swap3A_542[%swap3A_543, %swap3A_544] {strides = array<i32>} : memref<128x128xf32, #tpu.memory_space<vmem>>, vector<1x16xf32>,
        %swap3A_546 = vector.shape_cast %swap3A_545 : vector<1x16xf32> to vector<16xf32>
        %swap3A_547 = vector.shape_cast %mul3A_538 : vector<16xf32> to vector<1x16xf32>
        tpu.vector_store %swap3A_542[%swap3A_543, %swap3A_544], %swap3A_547 {strides = array<i32>} : memref<128x128xf32, #tpu.memory_space<vmem>>, vector<1x16xf32>,
        %get3A_548 = arith.constant 0 : i32
        %get3A_549 = arith.constant 0 : i32
        %get3A_550 = tpu.memref_slice %arg6[%scan3A_368, %get3A_548, %get3A_549] : memref<6x128x128xf32, #tpu.memory_space<vmem>> -> memref<1x128x128xf32, #tpu.memory_space<vmem>>
        %get3A_551 = tpu.memref_squeeze %get3A_550 : memref<1x128x128xf32, #tpu.memory_space<vmem>> -> memref<128x128xf32, #tpu.memory_space<vmem>>
        %get3A_552 = arith.index_cast %scan3A_489 : i32 to index
        %get3A_553 = arith.constant 48 : index
        %get3A_554 = tpu.vector_load %get3A_551[%get3A_552, %get3A_553] {strides = array<i32>} : memref<128x128xf32, #tpu.memory_space<vmem>>, vector<1x16xf32>,
        %get3A_555 = vector.shape_cast %get3A_554 : vector<1x16xf32> to vector<16xf32>
        %mul3A_556 = arith.constant 11.3137083 : f32
        %mul3A_557 = vector.broadcast %mul3A_556 : f32 to vector<16xf32>
        %mul3A_558 = arith.mulf %get3A_555, %mul3A_557 : vector<16xf32>
        %swap3A_559 = arith.constant 0 : i32
        %swap3A_560 = arith.constant 0 : i32
        %swap3A_561 = tpu.memref_slice %arg6[%scan3A_368, %swap3A_559, %swap3A_560] : memref<6x128x128xf32, #tpu.memory_space<vmem>> -> memref<1x128x128xf32, #tpu.memory_space<vmem>>
        %swap3A_562 = tpu.memref_squeeze %swap3A_561 : memref<1x128x128xf32, #tpu.memory_space<vmem>> -> memref<128x128xf32, #tpu.memory_space<vmem>>
        %swap3A_563 = arith.index_cast %scan3A_489 : i32 to index
        %swap3A_564 = arith.constant 48 : index
        %swap3A_565 = tpu.vector_load %swap3A_562[%swap3A_563, %swap3A_564] {strides = array<i32>} : memref<128x128xf32, #tpu.memory_space<vmem>>, vector<1x16xf32>,
        %swap3A_566 = vector.shape_cast %swap3A_565 : vector<1x16xf32> to vector<16xf32>
        %swap3A_567 = vector.shape_cast %mul3A_558 : vector<16xf32> to vector<1x16xf32>
        tpu.vector_store %swap3A_562[%swap3A_563, %swap3A_564], %swap3A_567 {strides = array<i32>} : memref<128x128xf32, #tpu.memory_space<vmem>>, vector<1x16xf32>,
        %get3A_568 = arith.constant 0 : i32
        %get3A_569 = arith.constant 0 : i32
        %get3A_570 = tpu.memref_slice %arg6[%scan3A_368, %get3A_568, %get3A_569] : memref<6x128x128xf32, #tpu.memory_space<vmem>> -> memref<1x128x128xf32, #tpu.memory_space<vmem>>
        %get3A_571 = tpu.memref_squeeze %get3A_570 : memref<1x128x128xf32, #tpu.memory_space<vmem>> -> memref<128x128xf32, #tpu.memory_space<vmem>>
        %get3A_572 = arith.index_cast %scan3A_489 : i32 to index
        %get3A_573 = arith.constant 64 : index
        %get3A_574 = tpu.vector_load %get3A_571[%get3A_572, %get3A_573] {strides = array<i32>} : memref<128x128xf32, #tpu.memory_space<vmem>>, vector<1x16xf32>,
        %get3A_575 = vector.shape_cast %get3A_574 : vector<1x16xf32> to vector<16xf32>
        %mul3A_576 = arith.constant 11.3137083 : f32
        %mul3A_577 = vector.broadcast %mul3A_576 : f32 to vector<16xf32>
        %mul3A_578 = arith.mulf %get3A_575, %mul3A_577 : vector<16xf32>
        %swap3A_579 = arith.constant 0 : i32
        %swap3A_580 = arith.constant 0 : i32
        %swap3A_581 = tpu.memref_slice %arg6[%scan3A_368, %swap3A_579, %swap3A_580] : memref<6x128x128xf32, #tpu.memory_space<vmem>> -> memref<1x128x128xf32, #tpu.memory_space<vmem>>
        %swap3A_582 = tpu.memref_squeeze %swap3A_581 : memref<1x128x128xf32, #tpu.memory_space<vmem>> -> memref<128x128xf32, #tpu.memory_space<vmem>>
        %swap3A_583 = arith.index_cast %scan3A_489 : i32 to index
        %swap3A_584 = arith.constant 64 : index
        %swap3A_585 = tpu.vector_load %swap3A_582[%swap3A_583, %swap3A_584] {strides = array<i32>} : memref<128x128xf32, #tpu.memory_space<vmem>>, vector<1x16xf32>,
        %swap3A_586 = vector.shape_cast %swap3A_585 : vector<1x16xf32> to vector<16xf32>
        %swap3A_587 = vector.shape_cast %mul3A_578 : vector<16xf32> to vector<1x16xf32>
        tpu.vector_store %swap3A_582[%swap3A_583, %swap3A_584], %swap3A_587 {strides = array<i32>} : memref<128x128xf32, #tpu.memory_space<vmem>>, vector<1x16xf32>,
        %get3A_588 = arith.constant 0 : i32
        %get3A_589 = arith.constant 0 : i32
        %get3A_590 = tpu.memref_slice %arg6[%scan3A_368, %get3A_588, %get3A_589] : memref<6x128x128xf32, #tpu.memory_space<vmem>> -> memref<1x128x128xf32, #tpu.memory_space<vmem>>
        %get3A_591 = tpu.memref_squeeze %get3A_590 : memref<1x128x128xf32, #tpu.memory_space<vmem>> -> memref<128x128xf32, #tpu.memory_space<vmem>>
        %get3A_592 = arith.index_cast %scan3A_489 : i32 to index
        %get3A_593 = arith.constant 80 : index
        %get3A_594 = tpu.vector_load %get3A_591[%get3A_592, %get3A_593] {strides = array<i32>} : memref<128x128xf32, #tpu.memory_space<vmem>>, vector<1x16xf32>,
        %get3A_595 = vector.shape_cast %get3A_594 : vector<1x16xf32> to vector<16xf32>
        %mul3A_596 = arith.constant 11.3137083 : f32
        %mul3A_597 = vector.broadcast %mul3A_596 : f32 to vector<16xf32>
        %mul3A_598 = arith.mulf %get3A_595, %mul3A_597 : vector<16xf32>
        %swap3A_599 = arith.constant 0 : i32
        %swap3A_600 = arith.constant 0 : i32
        %swap3A_601 = tpu.memref_slice %arg6[%scan3A_368, %swap3A_599, %swap3A_600] : memref<6x128x128xf32, #tpu.memory_space<vmem>> -> memref<1x128x128xf32, #tpu.memory_space<vmem>>
        %swap3A_602 = tpu.memref_squeeze %swap3A_601 : memref<1x128x128xf32, #tpu.memory_space<vmem>> -> memref<128x128xf32, #tpu.memory_space<vmem>>
        %swap3A_603 = arith.index_cast %scan3A_489 : i32 to index
        %swap3A_604 = arith.constant 80 : index
        %swap3A_605 = tpu.vector_load %swap3A_602[%swap3A_603, %swap3A_604] {strides = array<i32>} : memref<128x128xf32, #tpu.memory_space<vmem>>, vector<1x16xf32>,
        %swap3A_606 = vector.shape_cast %swap3A_605 : vector<1x16xf32> to vector<16xf32>
        %swap3A_607 = vector.shape_cast %mul3A_598 : vector<16xf32> to vector<1x16xf32>
        tpu.vector_store %swap3A_602[%swap3A_603, %swap3A_604], %swap3A_607 {strides = array<i32>} : memref<128x128xf32, #tpu.memory_space<vmem>>, vector<1x16xf32>,
        %get3A_608 = arith.constant 0 : i32
        %get3A_609 = arith.constant 0 : i32
        %get3A_610 = tpu.memref_slice %arg6[%scan3A_368, %get3A_608, %get3A_609] : memref<6x128x128xf32, #tpu.memory_space<vmem>> -> memref<1x128x128xf32, #tpu.memory_space<vmem>>
        %get3A_611 = tpu.memref_squeeze %get3A_610 : memref<1x128x128xf32, #tpu.memory_space<vmem>> -> memref<128x128xf32, #tpu.memory_space<vmem>>
        %get3A_612 = arith.index_cast %scan3A_489 : i32 to index
        %get3A_613 = arith.constant 96 : index
        %get3A_614 = tpu.vector_load %get3A_611[%get3A_612, %get3A_613] {strides = array<i32>} : memref<128x128xf32, #tpu.memory_space<vmem>>, vector<1x16xf32>,
        %get3A_615 = vector.shape_cast %get3A_614 : vector<1x16xf32> to vector<16xf32>
        %mul3A_616 = arith.constant 11.3137083 : f32
        %mul3A_617 = vector.broadcast %mul3A_616 : f32 to vector<16xf32>
        %mul3A_618 = arith.mulf %get3A_615, %mul3A_617 : vector<16xf32>
        %swap3A_619 = arith.constant 0 : i32
        %swap3A_620 = arith.constant 0 : i32
        %swap3A_621 = tpu.memref_slice %arg6[%scan3A_368, %swap3A_619, %swap3A_620] : memref<6x128x128xf32, #tpu.memory_space<vmem>> -> memref<1x128x128xf32, #tpu.memory_space<vmem>>
        %swap3A_622 = tpu.memref_squeeze %swap3A_621 : memref<1x128x128xf32, #tpu.memory_space<vmem>> -> memref<128x128xf32, #tpu.memory_space<vmem>>
        %swap3A_623 = arith.index_cast %scan3A_489 : i32 to index
        %swap3A_624 = arith.constant 96 : index
        %swap3A_625 = tpu.vector_load %swap3A_622[%swap3A_623, %swap3A_624] {strides = array<i32>} : memref<128x128xf32, #tpu.memory_space<vmem>>, vector<1x16xf32>,
        %swap3A_626 = vector.shape_cast %swap3A_625 : vector<1x16xf32> to vector<16xf32>
        %swap3A_627 = vector.shape_cast %mul3A_618 : vector<16xf32> to vector<1x16xf32>
        tpu.vector_store %swap3A_622[%swap3A_623, %swap3A_624], %swap3A_627 {strides = array<i32>} : memref<128x128xf32, #tpu.memory_space<vmem>>, vector<1x16xf32>,
        %get3A_628 = arith.constant 0 : i32
        %get3A_629 = arith.constant 0 : i32
        %get3A_630 = tpu.memref_slice %arg6[%scan3A_368, %get3A_628, %get3A_629] : memref<6x128x128xf32, #tpu.memory_space<vmem>> -> memref<1x128x128xf32, #tpu.memory_space<vmem>>
        %get3A_631 = tpu.memref_squeeze %get3A_630 : memref<1x128x128xf32, #tpu.memory_space<vmem>> -> memref<128x128xf32, #tpu.memory_space<vmem>>
        %get3A_632 = arith.index_cast %scan3A_489 : i32 to index
        %get3A_633 = arith.constant 112 : index
        %get3A_634 = tpu.vector_load %get3A_631[%get3A_632, %get3A_633] {strides = array<i32>} : memref<128x128xf32, #tpu.memory_space<vmem>>, vector<1x16xf32>,
        %get3A_635 = vector.shape_cast %get3A_634 : vector<1x16xf32> to vector<16xf32>
        %mul3A_636 = arith.constant 11.3137083 : f32
        %mul3A_637 = vector.broadcast %mul3A_636 : f32 to vector<16xf32>
        %mul3A_638 = arith.mulf %get3A_635, %mul3A_637 : vector<16xf32>
        %swap3A_639 = arith.constant 0 : i32
        %swap3A_640 = arith.constant 0 : i32
        %swap3A_641 = tpu.memref_slice %arg6[%scan3A_368, %swap3A_639, %swap3A_640] : memref<6x128x128xf32, #tpu.memory_space<vmem>> -> memref<1x128x128xf32, #tpu.memory_space<vmem>>
        %swap3A_642 = tpu.memref_squeeze %swap3A_641 : memref<1x128x128xf32, #tpu.memory_space<vmem>> -> memref<128x128xf32, #tpu.memory_space<vmem>>
        %swap3A_643 = arith.index_cast %scan3A_489 : i32 to index
        %swap3A_644 = arith.constant 112 : index
        %swap3A_645 = tpu.vector_load %swap3A_642[%swap3A_643, %swap3A_644] {strides = array<i32>} : memref<128x128xf32, #tpu.memory_space<vmem>>, vector<1x16xf32>,
        %swap3A_646 = vector.shape_cast %swap3A_645 : vector<1x16xf32> to vector<16xf32>
        %swap3A_647 = vector.shape_cast %mul3A_638 : vector<16xf32> to vector<1x16xf32>
        tpu.vector_store %swap3A_642[%swap3A_643, %swap3A_644], %swap3A_647 {strides = array<i32>} : memref<128x128xf32, #tpu.memory_space<vmem>>, vector<1x16xf32>,
      }
      %scan3A_373 = arith.constant 128 : i32
      %dma_start3A_374 = arith.constant 3 : i32
      %dma_start3A_375 = arith.constant 0 : i32
      %dma_start3A_376 = arith.constant 0 : i32
      %dma_start3A_377 = tpu.memref_slice %arg6[%dma_start3A_374, %dma_start3A_375, %dma_start3A_376] : memref<6x128x128xf32, #tpu.memory_space<vmem>> -> memref<1x128x128xf32, #tpu.memory_space<vmem>>
      %dma_start3A_378 = tpu.memref_squeeze %dma_start3A_377 : memref<1x128x128xf32, #tpu.memory_space<vmem>> -> memref<128x128xf32, #tpu.memory_space<vmem>>
      %dma_start3A_379 = arith.constant 0 : i32
      %dma_start3A_380 = tpu.memref_slice %arg4[%add3A_342, %mul3A_2, %dma_start3A_379] : memref<50x4096x128xf32, #tpu.memory_space<hbm>> -> memref<1x128x128xf32, #tpu.memory_space<hbm>>
      %dma_start3A_381 = tpu.memref_squeeze %dma_start3A_380 : memref<1x128x128xf32, #tpu.memory_space<hbm>> -> memref<128x128xf32, #tpu.memory_space<hbm>>
      %dma_start3A_382 = arith.constant 0 : i32
      %dma_start3A_383 = tpu.memref_slice %arg4[%add3A_342, %mul3A_2, %dma_start3A_382] : memref<50x4096x128xf32, #tpu.memory_space<hbm>> -> memref<1x128x128xf32, #tpu.memory_space<hbm>>
      %dma_start3A_384 = tpu.memref_squeeze %dma_start3A_383 : memref<1x128x128xf32, #tpu.memory_space<hbm>> -> memref<128x128xf32, #tpu.memory_space<hbm>>
      %dma_start3A_385 = arith.constant 0 : i32
      %dma_start3A_386 = arith.constant 0 : i32
      %dma_start3A_387 = tpu.memref_slice %arg6[%dma_start3A_374, %dma_start3A_385, %dma_start3A_386] : memref<6x128x128xf32, #tpu.memory_space<vmem>> -> memref<1x128x128xf32, #tpu.memory_space<vmem>>
      %dma_start3A_388 = tpu.memref_squeeze %dma_start3A_387 : memref<1x128x128xf32, #tpu.memory_space<vmem>> -> memref<128x128xf32, #tpu.memory_space<vmem>>
      tpu.enqueue_dma source(%dma_start3A_388 : memref<128x128xf32, #tpu.memory_space<vmem>>) target(%dma_start3A_384 : memref<128x128xf32, #tpu.memory_space<hbm>>) target_semaphore(%arg16 : memref<!tpu.dma_semaphore, #tpu.memory_space<semaphore_mem>>)
      %mul3A_389 = arith.constant 6 : i32
      %mul3A_390 = arith.muli %scan3A_192, %mul3A_389 : i32
      %add3A_391 = arith.constant 4 : i32
      %add3A_392 = arith.addi %mul3A_390, %add3A_391 : i32
      %ge3A_393 = arith.constant 3 : i32
      %ge3A_394 = arith.cmpi sge, %add3A_392, %ge3A_393 : i32
      %convert_element_type3A_395 = arith.extui %ge3A_394 : i1 to i32
      %cond3A_396 = arith.constant 0 : i32
      %cond3A_397 = arith.cmpi ne, %convert_element_type3A_395, %cond3A_396 : i32
      scf.if %cond3A_397 {
        %dma_wait3A_489 = arith.constant 1 : i32
        %dma_wait3A_490 = arith.constant 0 : i32
        %dma_wait3A_491 = arith.constant 0 : i32
        %dma_wait3A_492 = arith.constant 0 : i32
        %dma_wait3A_493 = tpu.memref_slice %arg6[%dma_wait3A_489, %dma_wait3A_491, %dma_wait3A_492] : memref<6x128x128xf32, #tpu.memory_space<vmem>> -> memref<1x128x128xf32, #tpu.memory_space<vmem>>
        %dma_wait3A_494 = tpu.memref_squeeze %dma_wait3A_493 : memref<1x128x128xf32, #tpu.memory_space<vmem>> -> memref<128x128xf32, #tpu.memory_space<vmem>>
        %dma_wait3A_495 = arith.constant 0 : i32
        %dma_wait3A_496 = tpu.memref_slice %arg4[%dma_wait3A_490, %mul3A_2, %dma_wait3A_495] : memref<50x4096x128xf32, #tpu.memory_space<hbm>> -> memref<1x128x128xf32, #tpu.memory_space<hbm>>
        %dma_wait3A_497 = tpu.memref_squeeze %dma_wait3A_496 : memref<1x128x128xf32, #tpu.memory_space<hbm>> -> memref<128x128xf32, #tpu.memory_space<hbm>>
        %dma_wait3A_498 = arith.constant 0 : i32
        %dma_wait3A_499 = tpu.memref_slice %arg4[%dma_wait3A_490, %mul3A_2, %dma_wait3A_498] : memref<50x4096x128xf32, #tpu.memory_space<hbm>> -> memref<1x128x128xf32, #tpu.memory_space<hbm>>
        %dma_wait3A_500 = tpu.memref_squeeze %dma_wait3A_499 : memref<1x128x128xf32, #tpu.memory_space<hbm>> -> memref<128x128xf32, #tpu.memory_space<hbm>>
        %dma_wait3A_501 = arith.constant 0 : i32
        %dma_wait3A_502 = arith.constant 0 : i32
        %dma_wait3A_503 = tpu.memref_slice %arg6[%dma_wait3A_489, %dma_wait3A_501, %dma_wait3A_502] : memref<6x128x128xf32, #tpu.memory_space<vmem>> -> memref<1x128x128xf32, #tpu.memory_space<vmem>>
        %dma_wait3A_504 = tpu.memref_squeeze %dma_wait3A_503 : memref<1x128x128xf32, #tpu.memory_space<vmem>> -> memref<128x128xf32, #tpu.memory_space<vmem>>
        tpu.wait_dma2 semaphore(%arg14 : memref<!tpu.dma_semaphore, #tpu.memory_space<semaphore_mem>>) src(%dma_wait3A_504 : memref<128x128xf32, #tpu.memory_space<vmem>>) dst(%dma_wait3A_500 : memref<128x128xf32, #tpu.memory_space<hbm>>)
      } else {
      }
      %add3A_398 = arith.constant 3 : i32
      %add3A_399 = arith.addi %add3A_392, %add3A_398 : i32
      %lt3A_400 = arith.constant 50 : i32
      %lt3A_401 = arith.cmpi slt, %add3A_399, %lt3A_400 : i32
      %convert_element_type3A_402 = arith.extui %lt3A_401 : i1 to i32
      %cond3A_403 = arith.constant 0 : i32
      %cond3A_404 = arith.cmpi ne, %convert_element_type3A_402, %cond3A_403 : i32
      scf.if %cond3A_404 {
        %add3A_489 = arith.constant 3 : i32
        %add3A_490 = arith.addi %add3A_392, %add3A_489 : i32
        %dma_start3A_491 = arith.constant 1 : i32
        %dma_start3A_492 = arith.constant 0 : i32
        %dma_start3A_493 = arith.constant 0 : i32
        %dma_start3A_494 = tpu.memref_slice %arg6[%dma_start3A_491, %dma_start3A_492, %dma_start3A_493] : memref<6x128x128xf32, #tpu.memory_space<vmem>> -> memref<1x128x128xf32, #tpu.memory_space<vmem>>
        %dma_start3A_495 = tpu.memref_squeeze %dma_start3A_494 : memref<1x128x128xf32, #tpu.memory_space<vmem>> -> memref<128x128xf32, #tpu.memory_space<vmem>>
        %dma_start3A_496 = arith.constant 0 : i32
        %dma_start3A_497 = tpu.memref_slice %arg5[%add3A_490, %dma_start3A_496] : memref<50x128xi32, #tpu.memory_space<vmem>> -> memref<1x128xi32, #tpu.memory_space<vmem>>
        %dma_start3A_498 = tpu.memref_squeeze %dma_start3A_497 : memref<1x128xi32, #tpu.memory_space<vmem>> -> memref<128xi32, #tpu.memory_space<vmem>>
        %dma_start3A_499 = arith.constant 0 : i32
        %dma_start3A_500 = arith.constant 0 : i32
        %dma_start3A_501 = tpu.memref_slice %arg3[%dma_start3A_499, %dma_start3A_500] : memref<100000x128xf32, #tpu.memory_space<hbm>> -> memref<100000x128xf32, #tpu.memory_space<hbm>>
        tpu.enqueue_indirect_dma source(%dma_start3A_501 : memref<100000x128xf32, #tpu.memory_space<hbm>>) target(%dma_start3A_495 : memref<128x128xf32, #tpu.memory_space<vmem>>) offsets(%dma_start3A_498 : memref<128xi32, #tpu.memory_space<vmem>>) semaphore(%arg8 : memref<!tpu.dma_semaphore, #tpu.memory_space<semaphore_mem>>)
      } else {
      }
      %dma_wait3A_405 = arith.constant 0 : i32
      %dma_wait3A_406 = arith.constant 4 : i32
      %dma_wait3A_407 = arith.constant 0 : i32
      %dma_wait3A_408 = arith.constant 0 : i32
      %dma_wait3A_409 = tpu.memref_slice %arg6[%dma_wait3A_406, %dma_wait3A_407, %dma_wait3A_408] : memref<6x128x128xf32, #tpu.memory_space<vmem>> -> memref<1x128x128xf32, #tpu.memory_space<vmem>>
      %dma_wait3A_410 = tpu.memref_squeeze %dma_wait3A_409 : memref<1x128x128xf32, #tpu.memory_space<vmem>> -> memref<128x128xf32, #tpu.memory_space<vmem>>
      %dma_wait3A_411 = arith.constant 0 : i32
      %dma_wait3A_412 = tpu.memref_slice %arg5[%dma_wait3A_405, %dma_wait3A_411] : memref<50x128xi32, #tpu.memory_space<vmem>> -> memref<1x128xi32, #tpu.memory_space<vmem>>
      %dma_wait3A_413 = tpu.memref_squeeze %dma_wait3A_412 : memref<1x128xi32, #tpu.memory_space<vmem>> -> memref<128xi32, #tpu.memory_space<vmem>>
      %dma_wait3A_414 = arith.constant 0 : i32
      %dma_wait3A_415 = arith.constant 0 : i32
      %dma_wait3A_416 = tpu.memref_slice %arg3[%dma_wait3A_414, %dma_wait3A_415] : memref<100000x128xf32, #tpu.memory_space<hbm>> -> memref<100000x128xf32, #tpu.memory_space<hbm>>
      tpu.wait_indirect_dma semaphore(%arg11 : memref<!tpu.dma_semaphore, #tpu.memory_space<semaphore_mem>>) src(%dma_wait3A_416 : memref<100000x128xf32, #tpu.memory_space<hbm>>) dst(%dma_wait3A_410 : memref<128x128xf32, #tpu.memory_space<vmem>>)
      %scan3A_417 = arith.constant 0 : i32
      %scan3A_418 = arith.constant 4 : i32
      %scan3A_419 = arith.constant 0 : i32
      %scan3A_420 = arith.constant 128 : i32
      %scan3A_421 = arith.addi %scan3A_419, %scan3A_420 : i32
      %scan3A_422 = arith.constant 1 : i32
      scf.for %scan3A_489 = %scan3A_419 to %scan3A_421 step %scan3A_422  : i32 {
        %get3A = arith.constant 0 : i32
        %get3A_490 = arith.constant 0 : i32
        %get3A_491 = tpu.memref_slice %arg6[%scan3A_418, %get3A, %get3A_490] : memref<6x128x128xf32, #tpu.memory_space<vmem>> -> memref<1x128x128xf32, #tpu.memory_space<vmem>>
        %get3A_492 = tpu.memref_squeeze %get3A_491 : memref<1x128x128xf32, #tpu.memory_space<vmem>> -> memref<128x128xf32, #tpu.memory_space<vmem>>
        %get3A_493 = arith.index_cast %scan3A_489 : i32 to index
        %get3A_494 = arith.constant 0 : index
        %get3A_495 = tpu.vector_load %get3A_492[%get3A_493, %get3A_494] {strides = array<i32>} : memref<128x128xf32, #tpu.memory_space<vmem>>, vector<1x16xf32>,
        %get3A_496 = vector.shape_cast %get3A_495 : vector<1x16xf32> to vector<16xf32>
        %mul3A_497 = arith.constant 11.3137083 : f32
        %mul3A_498 = vector.broadcast %mul3A_497 : f32 to vector<16xf32>
        %mul3A_499 = arith.mulf %get3A_496, %mul3A_498 : vector<16xf32>
        %swap3A = arith.constant 0 : i32
        %swap3A_500 = arith.constant 0 : i32
        %swap3A_501 = tpu.memref_slice %arg6[%scan3A_418, %swap3A, %swap3A_500] : memref<6x128x128xf32, #tpu.memory_space<vmem>> -> memref<1x128x128xf32, #tpu.memory_space<vmem>>
        %swap3A_502 = tpu.memref_squeeze %swap3A_501 : memref<1x128x128xf32, #tpu.memory_space<vmem>> -> memref<128x128xf32, #tpu.memory_space<vmem>>
        %swap3A_503 = arith.index_cast %scan3A_489 : i32 to index
        %swap3A_504 = arith.constant 0 : index
        %swap3A_505 = tpu.vector_load %swap3A_502[%swap3A_503, %swap3A_504] {strides = array<i32>} : memref<128x128xf32, #tpu.memory_space<vmem>>, vector<1x16xf32>,
        %swap3A_506 = vector.shape_cast %swap3A_505 : vector<1x16xf32> to vector<16xf32>
        %swap3A_507 = vector.shape_cast %mul3A_499 : vector<16xf32> to vector<1x16xf32>
        tpu.vector_store %swap3A_502[%swap3A_503, %swap3A_504], %swap3A_507 {strides = array<i32>} : memref<128x128xf32, #tpu.memory_space<vmem>>, vector<1x16xf32>,
        %get3A_508 = arith.constant 0 : i32
        %get3A_509 = arith.constant 0 : i32
        %get3A_510 = tpu.memref_slice %arg6[%scan3A_418, %get3A_508, %get3A_509] : memref<6x128x128xf32, #tpu.memory_space<vmem>> -> memref<1x128x128xf32, #tpu.memory_space<vmem>>
        %get3A_511 = tpu.memref_squeeze %get3A_510 : memref<1x128x128xf32, #tpu.memory_space<vmem>> -> memref<128x128xf32, #tpu.memory_space<vmem>>
        %get3A_512 = arith.index_cast %scan3A_489 : i32 to index
        %get3A_513 = arith.constant 16 : index
        %get3A_514 = tpu.vector_load %get3A_511[%get3A_512, %get3A_513] {strides = array<i32>} : memref<128x128xf32, #tpu.memory_space<vmem>>, vector<1x16xf32>,
        %get3A_515 = vector.shape_cast %get3A_514 : vector<1x16xf32> to vector<16xf32>
        %mul3A_516 = arith.constant 11.3137083 : f32
        %mul3A_517 = vector.broadcast %mul3A_516 : f32 to vector<16xf32>
        %mul3A_518 = arith.mulf %get3A_515, %mul3A_517 : vector<16xf32>
        %swap3A_519 = arith.constant 0 : i32
        %swap3A_520 = arith.constant 0 : i32
        %swap3A_521 = tpu.memref_slice %arg6[%scan3A_418, %swap3A_519, %swap3A_520] : memref<6x128x128xf32, #tpu.memory_space<vmem>> -> memref<1x128x128xf32, #tpu.memory_space<vmem>>
        %swap3A_522 = tpu.memref_squeeze %swap3A_521 : memref<1x128x128xf32, #tpu.memory_space<vmem>> -> memref<128x128xf32, #tpu.memory_space<vmem>>
        %swap3A_523 = arith.index_cast %scan3A_489 : i32 to index
        %swap3A_524 = arith.constant 16 : index
        %swap3A_525 = tpu.vector_load %swap3A_522[%swap3A_523, %swap3A_524] {strides = array<i32>} : memref<128x128xf32, #tpu.memory_space<vmem>>, vector<1x16xf32>,
        %swap3A_526 = vector.shape_cast %swap3A_525 : vector<1x16xf32> to vector<16xf32>
        %swap3A_527 = vector.shape_cast %mul3A_518 : vector<16xf32> to vector<1x16xf32>
        tpu.vector_store %swap3A_522[%swap3A_523, %swap3A_524], %swap3A_527 {strides = array<i32>} : memref<128x128xf32, #tpu.memory_space<vmem>>, vector<1x16xf32>,
        %get3A_528 = arith.constant 0 : i32
        %get3A_529 = arith.constant 0 : i32
        %get3A_530 = tpu.memref_slice %arg6[%scan3A_418, %get3A_528, %get3A_529] : memref<6x128x128xf32, #tpu.memory_space<vmem>> -> memref<1x128x128xf32, #tpu.memory_space<vmem>>
        %get3A_531 = tpu.memref_squeeze %get3A_530 : memref<1x128x128xf32, #tpu.memory_space<vmem>> -> memref<128x128xf32, #tpu.memory_space<vmem>>
        %get3A_532 = arith.index_cast %scan3A_489 : i32 to index
        %get3A_533 = arith.constant 32 : index
        %get3A_534 = tpu.vector_load %get3A_531[%get3A_532, %get3A_533] {strides = array<i32>} : memref<128x128xf32, #tpu.memory_space<vmem>>, vector<1x16xf32>,
        %get3A_535 = vector.shape_cast %get3A_534 : vector<1x16xf32> to vector<16xf32>
        %mul3A_536 = arith.constant 11.3137083 : f32
        %mul3A_537 = vector.broadcast %mul3A_536 : f32 to vector<16xf32>
        %mul3A_538 = arith.mulf %get3A_535, %mul3A_537 : vector<16xf32>
        %swap3A_539 = arith.constant 0 : i32
        %swap3A_540 = arith.constant 0 : i32
        %swap3A_541 = tpu.memref_slice %arg6[%scan3A_418, %swap3A_539, %swap3A_540] : memref<6x128x128xf32, #tpu.memory_space<vmem>> -> memref<1x128x128xf32, #tpu.memory_space<vmem>>
        %swap3A_542 = tpu.memref_squeeze %swap3A_541 : memref<1x128x128xf32, #tpu.memory_space<vmem>> -> memref<128x128xf32, #tpu.memory_space<vmem>>
        %swap3A_543 = arith.index_cast %scan3A_489 : i32 to index
        %swap3A_544 = arith.constant 32 : index
        %swap3A_545 = tpu.vector_load %swap3A_542[%swap3A_543, %swap3A_544] {strides = array<i32>} : memref<128x128xf32, #tpu.memory_space<vmem>>, vector<1x16xf32>,
        %swap3A_546 = vector.shape_cast %swap3A_545 : vector<1x16xf32> to vector<16xf32>
        %swap3A_547 = vector.shape_cast %mul3A_538 : vector<16xf32> to vector<1x16xf32>
        tpu.vector_store %swap3A_542[%swap3A_543, %swap3A_544], %swap3A_547 {strides = array<i32>} : memref<128x128xf32, #tpu.memory_space<vmem>>, vector<1x16xf32>,
        %get3A_548 = arith.constant 0 : i32
        %get3A_549 = arith.constant 0 : i32
        %get3A_550 = tpu.memref_slice %arg6[%scan3A_418, %get3A_548, %get3A_549] : memref<6x128x128xf32, #tpu.memory_space<vmem>> -> memref<1x128x128xf32, #tpu.memory_space<vmem>>
        %get3A_551 = tpu.memref_squeeze %get3A_550 : memref<1x128x128xf32, #tpu.memory_space<vmem>> -> memref<128x128xf32, #tpu.memory_space<vmem>>
        %get3A_552 = arith.index_cast %scan3A_489 : i32 to index
        %get3A_553 = arith.constant 48 : index
        %get3A_554 = tpu.vector_load %get3A_551[%get3A_552, %get3A_553] {strides = array<i32>} : memref<128x128xf32, #tpu.memory_space<vmem>>, vector<1x16xf32>,
        %get3A_555 = vector.shape_cast %get3A_554 : vector<1x16xf32> to vector<16xf32>
        %mul3A_556 = arith.constant 11.3137083 : f32
        %mul3A_557 = vector.broadcast %mul3A_556 : f32 to vector<16xf32>
        %mul3A_558 = arith.mulf %get3A_555, %mul3A_557 : vector<16xf32>
        %swap3A_559 = arith.constant 0 : i32
        %swap3A_560 = arith.constant 0 : i32
        %swap3A_561 = tpu.memref_slice %arg6[%scan3A_418, %swap3A_559, %swap3A_560] : memref<6x128x128xf32, #tpu.memory_space<vmem>> -> memref<1x128x128xf32, #tpu.memory_space<vmem>>
        %swap3A_562 = tpu.memref_squeeze %swap3A_561 : memref<1x128x128xf32, #tpu.memory_space<vmem>> -> memref<128x128xf32, #tpu.memory_space<vmem>>
        %swap3A_563 = arith.index_cast %scan3A_489 : i32 to index
        %swap3A_564 = arith.constant 48 : index
        %swap3A_565 = tpu.vector_load %swap3A_562[%swap3A_563, %swap3A_564] {strides = array<i32>} : memref<128x128xf32, #tpu.memory_space<vmem>>, vector<1x16xf32>,
        %swap3A_566 = vector.shape_cast %swap3A_565 : vector<1x16xf32> to vector<16xf32>
        %swap3A_567 = vector.shape_cast %mul3A_558 : vector<16xf32> to vector<1x16xf32>
        tpu.vector_store %swap3A_562[%swap3A_563, %swap3A_564], %swap3A_567 {strides = array<i32>} : memref<128x128xf32, #tpu.memory_space<vmem>>, vector<1x16xf32>,
        %get3A_568 = arith.constant 0 : i32
        %get3A_569 = arith.constant 0 : i32
        %get3A_570 = tpu.memref_slice %arg6[%scan3A_418, %get3A_568, %get3A_569] : memref<6x128x128xf32, #tpu.memory_space<vmem>> -> memref<1x128x128xf32, #tpu.memory_space<vmem>>
        %get3A_571 = tpu.memref_squeeze %get3A_570 : memref<1x128x128xf32, #tpu.memory_space<vmem>> -> memref<128x128xf32, #tpu.memory_space<vmem>>
        %get3A_572 = arith.index_cast %scan3A_489 : i32 to index
        %get3A_573 = arith.constant 64 : index
        %get3A_574 = tpu.vector_load %get3A_571[%get3A_572, %get3A_573] {strides = array<i32>} : memref<128x128xf32, #tpu.memory_space<vmem>>, vector<1x16xf32>,
        %get3A_575 = vector.shape_cast %get3A_574 : vector<1x16xf32> to vector<16xf32>
        %mul3A_576 = arith.constant 11.3137083 : f32
        %mul3A_577 = vector.broadcast %mul3A_576 : f32 to vector<16xf32>
        %mul3A_578 = arith.mulf %get3A_575, %mul3A_577 : vector<16xf32>
        %swap3A_579 = arith.constant 0 : i32
        %swap3A_580 = arith.constant 0 : i32
        %swap3A_581 = tpu.memref_slice %arg6[%scan3A_418, %swap3A_579, %swap3A_580] : memref<6x128x128xf32, #tpu.memory_space<vmem>> -> memref<1x128x128xf32, #tpu.memory_space<vmem>>
        %swap3A_582 = tpu.memref_squeeze %swap3A_581 : memref<1x128x128xf32, #tpu.memory_space<vmem>> -> memref<128x128xf32, #tpu.memory_space<vmem>>
        %swap3A_583 = arith.index_cast %scan3A_489 : i32 to index
        %swap3A_584 = arith.constant 64 : index
        %swap3A_585 = tpu.vector_load %swap3A_582[%swap3A_583, %swap3A_584] {strides = array<i32>} : memref<128x128xf32, #tpu.memory_space<vmem>>, vector<1x16xf32>,
        %swap3A_586 = vector.shape_cast %swap3A_585 : vector<1x16xf32> to vector<16xf32>
        %swap3A_587 = vector.shape_cast %mul3A_578 : vector<16xf32> to vector<1x16xf32>
        tpu.vector_store %swap3A_582[%swap3A_583, %swap3A_584], %swap3A_587 {strides = array<i32>} : memref<128x128xf32, #tpu.memory_space<vmem>>, vector<1x16xf32>,
        %get3A_588 = arith.constant 0 : i32
        %get3A_589 = arith.constant 0 : i32
        %get3A_590 = tpu.memref_slice %arg6[%scan3A_418, %get3A_588, %get3A_589] : memref<6x128x128xf32, #tpu.memory_space<vmem>> -> memref<1x128x128xf32, #tpu.memory_space<vmem>>
        %get3A_591 = tpu.memref_squeeze %get3A_590 : memref<1x128x128xf32, #tpu.memory_space<vmem>> -> memref<128x128xf32, #tpu.memory_space<vmem>>
        %get3A_592 = arith.index_cast %scan3A_489 : i32 to index
        %get3A_593 = arith.constant 80 : index
        %get3A_594 = tpu.vector_load %get3A_591[%get3A_592, %get3A_593] {strides = array<i32>} : memref<128x128xf32, #tpu.memory_space<vmem>>, vector<1x16xf32>,
        %get3A_595 = vector.shape_cast %get3A_594 : vector<1x16xf32> to vector<16xf32>
        %mul3A_596 = arith.constant 11.3137083 : f32
        %mul3A_597 = vector.broadcast %mul3A_596 : f32 to vector<16xf32>
        %mul3A_598 = arith.mulf %get3A_595, %mul3A_597 : vector<16xf32>
        %swap3A_599 = arith.constant 0 : i32
        %swap3A_600 = arith.constant 0 : i32
        %swap3A_601 = tpu.memref_slice %arg6[%scan3A_418, %swap3A_599, %swap3A_600] : memref<6x128x128xf32, #tpu.memory_space<vmem>> -> memref<1x128x128xf32, #tpu.memory_space<vmem>>
        %swap3A_602 = tpu.memref_squeeze %swap3A_601 : memref<1x128x128xf32, #tpu.memory_space<vmem>> -> memref<128x128xf32, #tpu.memory_space<vmem>>
        %swap3A_603 = arith.index_cast %scan3A_489 : i32 to index
        %swap3A_604 = arith.constant 80 : index
        %swap3A_605 = tpu.vector_load %swap3A_602[%swap3A_603, %swap3A_604] {strides = array<i32>} : memref<128x128xf32, #tpu.memory_space<vmem>>, vector<1x16xf32>,
        %swap3A_606 = vector.shape_cast %swap3A_605 : vector<1x16xf32> to vector<16xf32>
        %swap3A_607 = vector.shape_cast %mul3A_598 : vector<16xf32> to vector<1x16xf32>
        tpu.vector_store %swap3A_602[%swap3A_603, %swap3A_604], %swap3A_607 {strides = array<i32>} : memref<128x128xf32, #tpu.memory_space<vmem>>, vector<1x16xf32>,
        %get3A_608 = arith.constant 0 : i32
        %get3A_609 = arith.constant 0 : i32
        %get3A_610 = tpu.memref_slice %arg6[%scan3A_418, %get3A_608, %get3A_609] : memref<6x128x128xf32, #tpu.memory_space<vmem>> -> memref<1x128x128xf32, #tpu.memory_space<vmem>>
        %get3A_611 = tpu.memref_squeeze %get3A_610 : memref<1x128x128xf32, #tpu.memory_space<vmem>> -> memref<128x128xf32, #tpu.memory_space<vmem>>
        %get3A_612 = arith.index_cast %scan3A_489 : i32 to index
        %get3A_613 = arith.constant 96 : index
        %get3A_614 = tpu.vector_load %get3A_611[%get3A_612, %get3A_613] {strides = array<i32>} : memref<128x128xf32, #tpu.memory_space<vmem>>, vector<1x16xf32>,
        %get3A_615 = vector.shape_cast %get3A_614 : vector<1x16xf32> to vector<16xf32>
        %mul3A_616 = arith.constant 11.3137083 : f32
        %mul3A_617 = vector.broadcast %mul3A_616 : f32 to vector<16xf32>
        %mul3A_618 = arith.mulf %get3A_615, %mul3A_617 : vector<16xf32>
        %swap3A_619 = arith.constant 0 : i32
        %swap3A_620 = arith.constant 0 : i32
        %swap3A_621 = tpu.memref_slice %arg6[%scan3A_418, %swap3A_619, %swap3A_620] : memref<6x128x128xf32, #tpu.memory_space<vmem>> -> memref<1x128x128xf32, #tpu.memory_space<vmem>>
        %swap3A_622 = tpu.memref_squeeze %swap3A_621 : memref<1x128x128xf32, #tpu.memory_space<vmem>> -> memref<128x128xf32, #tpu.memory_space<vmem>>
        %swap3A_623 = arith.index_cast %scan3A_489 : i32 to index
        %swap3A_624 = arith.constant 96 : index
        %swap3A_625 = tpu.vector_load %swap3A_622[%swap3A_623, %swap3A_624] {strides = array<i32>} : memref<128x128xf32, #tpu.memory_space<vmem>>, vector<1x16xf32>,
        %swap3A_626 = vector.shape_cast %swap3A_625 : vector<1x16xf32> to vector<16xf32>
        %swap3A_627 = vector.shape_cast %mul3A_618 : vector<16xf32> to vector<1x16xf32>
        tpu.vector_store %swap3A_622[%swap3A_623, %swap3A_624], %swap3A_627 {strides = array<i32>} : memref<128x128xf32, #tpu.memory_space<vmem>>, vector<1x16xf32>,
        %get3A_628 = arith.constant 0 : i32
        %get3A_629 = arith.constant 0 : i32
        %get3A_630 = tpu.memref_slice %arg6[%scan3A_418, %get3A_628, %get3A_629] : memref<6x128x128xf32, #tpu.memory_space<vmem>> -> memref<1x128x128xf32, #tpu.memory_space<vmem>>
        %get3A_631 = tpu.memref_squeeze %get3A_630 : memref<1x128x128xf32, #tpu.memory_space<vmem>> -> memref<128x128xf32, #tpu.memory_space<vmem>>
        %get3A_632 = arith.index_cast %scan3A_489 : i32 to index
        %get3A_633 = arith.constant 112 : index
        %get3A_634 = tpu.vector_load %get3A_631[%get3A_632, %get3A_633] {strides = array<i32>} : memref<128x128xf32, #tpu.memory_space<vmem>>, vector<1x16xf32>,
        %get3A_635 = vector.shape_cast %get3A_634 : vector<1x16xf32> to vector<16xf32>
        %mul3A_636 = arith.constant 11.3137083 : f32
        %mul3A_637 = vector.broadcast %mul3A_636 : f32 to vector<16xf32>
        %mul3A_638 = arith.mulf %get3A_635, %mul3A_637 : vector<16xf32>
        %swap3A_639 = arith.constant 0 : i32
        %swap3A_640 = arith.constant 0 : i32
        %swap3A_641 = tpu.memref_slice %arg6[%scan3A_418, %swap3A_639, %swap3A_640] : memref<6x128x128xf32, #tpu.memory_space<vmem>> -> memref<1x128x128xf32, #tpu.memory_space<vmem>>
        %swap3A_642 = tpu.memref_squeeze %swap3A_641 : memref<1x128x128xf32, #tpu.memory_space<vmem>> -> memref<128x128xf32, #tpu.memory_space<vmem>>
        %swap3A_643 = arith.index_cast %scan3A_489 : i32 to index
        %swap3A_644 = arith.constant 112 : index
        %swap3A_645 = tpu.vector_load %swap3A_642[%swap3A_643, %swap3A_644] {strides = array<i32>} : memref<128x128xf32, #tpu.memory_space<vmem>>, vector<1x16xf32>,
        %swap3A_646 = vector.shape_cast %swap3A_645 : vector<1x16xf32> to vector<16xf32>
        %swap3A_647 = vector.shape_cast %mul3A_638 : vector<16xf32> to vector<1x16xf32>
        tpu.vector_store %swap3A_642[%swap3A_643, %swap3A_644], %swap3A_647 {strides = array<i32>} : memref<128x128xf32, #tpu.memory_space<vmem>>, vector<1x16xf32>,
      }
      %scan3A_423 = arith.constant 128 : i32
      %dma_start3A_424 = arith.constant 4 : i32
      %dma_start3A_425 = arith.constant 0 : i32
      %dma_start3A_426 = arith.constant 0 : i32
      %dma_start3A_427 = tpu.memref_slice %arg6[%dma_start3A_424, %dma_start3A_425, %dma_start3A_426] : memref<6x128x128xf32, #tpu.memory_space<vmem>> -> memref<1x128x128xf32, #tpu.memory_space<vmem>>
      %dma_start3A_428 = tpu.memref_squeeze %dma_start3A_427 : memref<1x128x128xf32, #tpu.memory_space<vmem>> -> memref<128x128xf32, #tpu.memory_space<vmem>>
      %dma_start3A_429 = arith.constant 0 : i32
      %dma_start3A_430 = tpu.memref_slice %arg4[%add3A_392, %mul3A_2, %dma_start3A_429] : memref<50x4096x128xf32, #tpu.memory_space<hbm>> -> memref<1x128x128xf32, #tpu.memory_space<hbm>>
      %dma_start3A_431 = tpu.memref_squeeze %dma_start3A_430 : memref<1x128x128xf32, #tpu.memory_space<hbm>> -> memref<128x128xf32, #tpu.memory_space<hbm>>
      %dma_start3A_432 = arith.constant 0 : i32
      %dma_start3A_433 = tpu.memref_slice %arg4[%add3A_392, %mul3A_2, %dma_start3A_432] : memref<50x4096x128xf32, #tpu.memory_space<hbm>> -> memref<1x128x128xf32, #tpu.memory_space<hbm>>
      %dma_start3A_434 = tpu.memref_squeeze %dma_start3A_433 : memref<1x128x128xf32, #tpu.memory_space<hbm>> -> memref<128x128xf32, #tpu.memory_space<hbm>>
      %dma_start3A_435 = arith.constant 0 : i32
      %dma_start3A_436 = arith.constant 0 : i32
      %dma_start3A_437 = tpu.memref_slice %arg6[%dma_start3A_424, %dma_start3A_435, %dma_start3A_436] : memref<6x128x128xf32, #tpu.memory_space<vmem>> -> memref<1x128x128xf32, #tpu.memory_space<vmem>>
      %dma_start3A_438 = tpu.memref_squeeze %dma_start3A_437 : memref<1x128x128xf32, #tpu.memory_space<vmem>> -> memref<128x128xf32, #tpu.memory_space<vmem>>
      tpu.enqueue_dma source(%dma_start3A_438 : memref<128x128xf32, #tpu.memory_space<vmem>>) target(%dma_start3A_434 : memref<128x128xf32, #tpu.memory_space<hbm>>) target_semaphore(%arg17 : memref<!tpu.dma_semaphore, #tpu.memory_space<semaphore_mem>>)
      %mul3A_439 = arith.constant 6 : i32
      %mul3A_440 = arith.muli %scan3A_192, %mul3A_439 : i32
      %add3A_441 = arith.constant 5 : i32
      %add3A_442 = arith.addi %mul3A_440, %add3A_441 : i32
      %ge3A_443 = arith.constant 3 : i32
      %ge3A_444 = arith.cmpi sge, %add3A_442, %ge3A_443 : i32
      %convert_element_type3A_445 = arith.extui %ge3A_444 : i1 to i32
      %cond3A_446 = arith.constant 0 : i32
      %cond3A_447 = arith.cmpi ne, %convert_element_type3A_445, %cond3A_446 : i32
      scf.if %cond3A_447 {
        %dma_wait3A_489 = arith.constant 2 : i32
        %dma_wait3A_490 = arith.constant 0 : i32
        %dma_wait3A_491 = arith.constant 0 : i32
        %dma_wait3A_492 = arith.constant 0 : i32
        %dma_wait3A_493 = tpu.memref_slice %arg6[%dma_wait3A_489, %dma_wait3A_491, %dma_wait3A_492] : memref<6x128x128xf32, #tpu.memory_space<vmem>> -> memref<1x128x128xf32, #tpu.memory_space<vmem>>
        %dma_wait3A_494 = tpu.memref_squeeze %dma_wait3A_493 : memref<1x128x128xf32, #tpu.memory_space<vmem>> -> memref<128x128xf32, #tpu.memory_space<vmem>>
        %dma_wait3A_495 = arith.constant 0 : i32
        %dma_wait3A_496 = tpu.memref_slice %arg4[%dma_wait3A_490, %mul3A_2, %dma_wait3A_495] : memref<50x4096x128xf32, #tpu.memory_space<hbm>> -> memref<1x128x128xf32, #tpu.memory_space<hbm>>
        %dma_wait3A_497 = tpu.memref_squeeze %dma_wait3A_496 : memref<1x128x128xf32, #tpu.memory_space<hbm>> -> memref<128x128xf32, #tpu.memory_space<hbm>>
        %dma_wait3A_498 = arith.constant 0 : i32
        %dma_wait3A_499 = tpu.memref_slice %arg4[%dma_wait3A_490, %mul3A_2, %dma_wait3A_498] : memref<50x4096x128xf32, #tpu.memory_space<hbm>> -> memref<1x128x128xf32, #tpu.memory_space<hbm>>
        %dma_wait3A_500 = tpu.memref_squeeze %dma_wait3A_499 : memref<1x128x128xf32, #tpu.memory_space<hbm>> -> memref<128x128xf32, #tpu.memory_space<hbm>>
        %dma_wait3A_501 = arith.constant 0 : i32
        %dma_wait3A_502 = arith.constant 0 : i32
        %dma_wait3A_503 = tpu.memref_slice %arg6[%dma_wait3A_489, %dma_wait3A_501, %dma_wait3A_502] : memref<6x128x128xf32, #tpu.memory_space<vmem>> -> memref<1x128x128xf32, #tpu.memory_space<vmem>>
        %dma_wait3A_504 = tpu.memref_squeeze %dma_wait3A_503 : memref<1x128x128xf32, #tpu.memory_space<vmem>> -> memref<128x128xf32, #tpu.memory_space<vmem>>
        tpu.wait_dma2 semaphore(%arg15 : memref<!tpu.dma_semaphore, #tpu.memory_space<semaphore_mem>>) src(%dma_wait3A_504 : memref<128x128xf32, #tpu.memory_space<vmem>>) dst(%dma_wait3A_500 : memref<128x128xf32, #tpu.memory_space<hbm>>)
      } else {
      }
      %add3A_448 = arith.constant 3 : i32
      %add3A_449 = arith.addi %add3A_442, %add3A_448 : i32
      %lt3A_450 = arith.constant 50 : i32
      %lt3A_451 = arith.cmpi slt, %add3A_449, %lt3A_450 : i32
      %convert_element_type3A_452 = arith.extui %lt3A_451 : i1 to i32
      %cond3A_453 = arith.constant 0 : i32
      %cond3A_454 = arith.cmpi ne, %convert_element_type3A_452, %cond3A_453 : i32
      scf.if %cond3A_454 {
        %add3A_489 = arith.constant 3 : i32
        %add3A_490 = arith.addi %add3A_442, %add3A_489 : i32
        %dma_start3A_491 = arith.constant 2 : i32
        %dma_start3A_492 = arith.constant 0 : i32
        %dma_start3A_493 = arith.constant 0 : i32
        %dma_start3A_494 = tpu.memref_slice %arg6[%dma_start3A_491, %dma_start3A_492, %dma_start3A_493] : memref<6x128x128xf32, #tpu.memory_space<vmem>> -> memref<1x128x128xf32, #tpu.memory_space<vmem>>
        %dma_start3A_495 = tpu.memref_squeeze %dma_start3A_494 : memref<1x128x128xf32, #tpu.memory_space<vmem>> -> memref<128x128xf32, #tpu.memory_space<vmem>>
        %dma_start3A_496 = arith.constant 0 : i32
        %dma_start3A_497 = tpu.memref_slice %arg5[%add3A_490, %dma_start3A_496] : memref<50x128xi32, #tpu.memory_space<vmem>> -> memref<1x128xi32, #tpu.memory_space<vmem>>
        %dma_start3A_498 = tpu.memref_squeeze %dma_start3A_497 : memref<1x128xi32, #tpu.memory_space<vmem>> -> memref<128xi32, #tpu.memory_space<vmem>>
        %dma_start3A_499 = arith.constant 0 : i32
        %dma_start3A_500 = arith.constant 0 : i32
        %dma_start3A_501 = tpu.memref_slice %arg3[%dma_start3A_499, %dma_start3A_500] : memref<100000x128xf32, #tpu.memory_space<hbm>> -> memref<100000x128xf32, #tpu.memory_space<hbm>>
        tpu.enqueue_indirect_dma source(%dma_start3A_501 : memref<100000x128xf32, #tpu.memory_space<hbm>>) target(%dma_start3A_495 : memref<128x128xf32, #tpu.memory_space<vmem>>) offsets(%dma_start3A_498 : memref<128xi32, #tpu.memory_space<vmem>>) semaphore(%arg9 : memref<!tpu.dma_semaphore, #tpu.memory_space<semaphore_mem>>)
      } else {
      }
      %dma_wait3A_455 = arith.constant 0 : i32
      %dma_wait3A_456 = arith.constant 5 : i32
      %dma_wait3A_457 = arith.constant 0 : i32
      %dma_wait3A_458 = arith.constant 0 : i32
      %dma_wait3A_459 = tpu.memref_slice %arg6[%dma_wait3A_456, %dma_wait3A_457, %dma_wait3A_458] : memref<6x128x128xf32, #tpu.memory_space<vmem>> -> memref<1x128x128xf32, #tpu.memory_space<vmem>>
      %dma_wait3A_460 = tpu.memref_squeeze %dma_wait3A_459 : memref<1x128x128xf32, #tpu.memory_space<vmem>> -> memref<128x128xf32, #tpu.memory_space<vmem>>
      %dma_wait3A_461 = arith.constant 0 : i32
      %dma_wait3A_462 = tpu.memref_slice %arg5[%dma_wait3A_455, %dma_wait3A_461] : memref<50x128xi32, #tpu.memory_space<vmem>> -> memref<1x128xi32, #tpu.memory_space<vmem>>
      %dma_wait3A_463 = tpu.memref_squeeze %dma_wait3A_462 : memref<1x128xi32, #tpu.memory_space<vmem>> -> memref<128xi32, #tpu.memory_space<vmem>>
      %dma_wait3A_464 = arith.constant 0 : i32
      %dma_wait3A_465 = arith.constant 0 : i32
      %dma_wait3A_466 = tpu.memref_slice %arg3[%dma_wait3A_464, %dma_wait3A_465] : memref<100000x128xf32, #tpu.memory_space<hbm>> -> memref<100000x128xf32, #tpu.memory_space<hbm>>
      tpu.wait_indirect_dma semaphore(%arg12 : memref<!tpu.dma_semaphore, #tpu.memory_space<semaphore_mem>>) src(%dma_wait3A_466 : memref<100000x128xf32, #tpu.memory_space<hbm>>) dst(%dma_wait3A_460 : memref<128x128xf32, #tpu.memory_space<vmem>>)
      %scan3A_467 = arith.constant 0 : i32
      %scan3A_468 = arith.constant 5 : i32
      %scan3A_469 = arith.constant 0 : i32
      %scan3A_470 = arith.constant 128 : i32
      %scan3A_471 = arith.addi %scan3A_469, %scan3A_470 : i32
      %scan3A_472 = arith.constant 1 : i32
      scf.for %scan3A_489 = %scan3A_469 to %scan3A_471 step %scan3A_472  : i32 {
        %get3A = arith.constant 0 : i32
        %get3A_490 = arith.constant 0 : i32
        %get3A_491 = tpu.memref_slice %arg6[%scan3A_468, %get3A, %get3A_490] : memref<6x128x128xf32, #tpu.memory_space<vmem>> -> memref<1x128x128xf32, #tpu.memory_space<vmem>>
        %get3A_492 = tpu.memref_squeeze %get3A_491 : memref<1x128x128xf32, #tpu.memory_space<vmem>> -> memref<128x128xf32, #tpu.memory_space<vmem>>
        %get3A_493 = arith.index_cast %scan3A_489 : i32 to index
        %get3A_494 = arith.constant 0 : index
        %get3A_495 = tpu.vector_load %get3A_492[%get3A_493, %get3A_494] {strides = array<i32>} : memref<128x128xf32, #tpu.memory_space<vmem>>, vector<1x16xf32>,
        %get3A_496 = vector.shape_cast %get3A_495 : vector<1x16xf32> to vector<16xf32>
        %mul3A_497 = arith.constant 11.3137083 : f32
        %mul3A_498 = vector.broadcast %mul3A_497 : f32 to vector<16xf32>
        %mul3A_499 = arith.mulf %get3A_496, %mul3A_498 : vector<16xf32>
        %swap3A = arith.constant 0 : i32
        %swap3A_500 = arith.constant 0 : i32
        %swap3A_501 = tpu.memref_slice %arg6[%scan3A_468, %swap3A, %swap3A_500] : memref<6x128x128xf32, #tpu.memory_space<vmem>> -> memref<1x128x128xf32, #tpu.memory_space<vmem>>
        %swap3A_502 = tpu.memref_squeeze %swap3A_501 : memref<1x128x128xf32, #tpu.memory_space<vmem>> -> memref<128x128xf32, #tpu.memory_space<vmem>>
        %swap3A_503 = arith.index_cast %scan3A_489 : i32 to index
        %swap3A_504 = arith.constant 0 : index
        %swap3A_505 = tpu.vector_load %swap3A_502[%swap3A_503, %swap3A_504] {strides = array<i32>} : memref<128x128xf32, #tpu.memory_space<vmem>>, vector<1x16xf32>,
        %swap3A_506 = vector.shape_cast %swap3A_505 : vector<1x16xf32> to vector<16xf32>
        %swap3A_507 = vector.shape_cast %mul3A_499 : vector<16xf32> to vector<1x16xf32>
        tpu.vector_store %swap3A_502[%swap3A_503, %swap3A_504], %swap3A_507 {strides = array<i32>} : memref<128x128xf32, #tpu.memory_space<vmem>>, vector<1x16xf32>,
        %get3A_508 = arith.constant 0 : i32
        %get3A_509 = arith.constant 0 : i32
        %get3A_510 = tpu.memref_slice %arg6[%scan3A_468, %get3A_508, %get3A_509] : memref<6x128x128xf32, #tpu.memory_space<vmem>> -> memref<1x128x128xf32, #tpu.memory_space<vmem>>
        %get3A_511 = tpu.memref_squeeze %get3A_510 : memref<1x128x128xf32, #tpu.memory_space<vmem>> -> memref<128x128xf32, #tpu.memory_space<vmem>>
        %get3A_512 = arith.index_cast %scan3A_489 : i32 to index
        %get3A_513 = arith.constant 16 : index
        %get3A_514 = tpu.vector_load %get3A_511[%get3A_512, %get3A_513] {strides = array<i32>} : memref<128x128xf32, #tpu.memory_space<vmem>>, vector<1x16xf32>,
        %get3A_515 = vector.shape_cast %get3A_514 : vector<1x16xf32> to vector<16xf32>
        %mul3A_516 = arith.constant 11.3137083 : f32
        %mul3A_517 = vector.broadcast %mul3A_516 : f32 to vector<16xf32>
        %mul3A_518 = arith.mulf %get3A_515, %mul3A_517 : vector<16xf32>
        %swap3A_519 = arith.constant 0 : i32
        %swap3A_520 = arith.constant 0 : i32
        %swap3A_521 = tpu.memref_slice %arg6[%scan3A_468, %swap3A_519, %swap3A_520] : memref<6x128x128xf32, #tpu.memory_space<vmem>> -> memref<1x128x128xf32, #tpu.memory_space<vmem>>
        %swap3A_522 = tpu.memref_squeeze %swap3A_521 : memref<1x128x128xf32, #tpu.memory_space<vmem>> -> memref<128x128xf32, #tpu.memory_space<vmem>>
        %swap3A_523 = arith.index_cast %scan3A_489 : i32 to index
        %swap3A_524 = arith.constant 16 : index
        %swap3A_525 = tpu.vector_load %swap3A_522[%swap3A_523, %swap3A_524] {strides = array<i32>} : memref<128x128xf32, #tpu.memory_space<vmem>>, vector<1x16xf32>,
        %swap3A_526 = vector.shape_cast %swap3A_525 : vector<1x16xf32> to vector<16xf32>
        %swap3A_527 = vector.shape_cast %mul3A_518 : vector<16xf32> to vector<1x16xf32>
        tpu.vector_store %swap3A_522[%swap3A_523, %swap3A_524], %swap3A_527 {strides = array<i32>} : memref<128x128xf32, #tpu.memory_space<vmem>>, vector<1x16xf32>,
        %get3A_528 = arith.constant 0 : i32
        %get3A_529 = arith.constant 0 : i32
        %get3A_530 = tpu.memref_slice %arg6[%scan3A_468, %get3A_528, %get3A_529] : memref<6x128x128xf32, #tpu.memory_space<vmem>> -> memref<1x128x128xf32, #tpu.memory_space<vmem>>
        %get3A_531 = tpu.memref_squeeze %get3A_530 : memref<1x128x128xf32, #tpu.memory_space<vmem>> -> memref<128x128xf32, #tpu.memory_space<vmem>>
        %get3A_532 = arith.index_cast %scan3A_489 : i32 to index
        %get3A_533 = arith.constant 32 : index
        %get3A_534 = tpu.vector_load %get3A_531[%get3A_532, %get3A_533] {strides = array<i32>} : memref<128x128xf32, #tpu.memory_space<vmem>>, vector<1x16xf32>,
        %get3A_535 = vector.shape_cast %get3A_534 : vector<1x16xf32> to vector<16xf32>
        %mul3A_536 = arith.constant 11.3137083 : f32
        %mul3A_537 = vector.broadcast %mul3A_536 : f32 to vector<16xf32>
        %mul3A_538 = arith.mulf %get3A_535, %mul3A_537 : vector<16xf32>
        %swap3A_539 = arith.constant 0 : i32
        %swap3A_540 = arith.constant 0 : i32
        %swap3A_541 = tpu.memref_slice %arg6[%scan3A_468, %swap3A_539, %swap3A_540] : memref<6x128x128xf32, #tpu.memory_space<vmem>> -> memref<1x128x128xf32, #tpu.memory_space<vmem>>
        %swap3A_542 = tpu.memref_squeeze %swap3A_541 : memref<1x128x128xf32, #tpu.memory_space<vmem>> -> memref<128x128xf32, #tpu.memory_space<vmem>>
        %swap3A_543 = arith.index_cast %scan3A_489 : i32 to index
        %swap3A_544 = arith.constant 32 : index
        %swap3A_545 = tpu.vector_load %swap3A_542[%swap3A_543, %swap3A_544] {strides = array<i32>} : memref<128x128xf32, #tpu.memory_space<vmem>>, vector<1x16xf32>,
        %swap3A_546 = vector.shape_cast %swap3A_545 : vector<1x16xf32> to vector<16xf32>
        %swap3A_547 = vector.shape_cast %mul3A_538 : vector<16xf32> to vector<1x16xf32>
        tpu.vector_store %swap3A_542[%swap3A_543, %swap3A_544], %swap3A_547 {strides = array<i32>} : memref<128x128xf32, #tpu.memory_space<vmem>>, vector<1x16xf32>,
        %get3A_548 = arith.constant 0 : i32
        %get3A_549 = arith.constant 0 : i32
        %get3A_550 = tpu.memref_slice %arg6[%scan3A_468, %get3A_548, %get3A_549] : memref<6x128x128xf32, #tpu.memory_space<vmem>> -> memref<1x128x128xf32, #tpu.memory_space<vmem>>
        %get3A_551 = tpu.memref_squeeze %get3A_550 : memref<1x128x128xf32, #tpu.memory_space<vmem>> -> memref<128x128xf32, #tpu.memory_space<vmem>>
        %get3A_552 = arith.index_cast %scan3A_489 : i32 to index
        %get3A_553 = arith.constant 48 : index
        %get3A_554 = tpu.vector_load %get3A_551[%get3A_552, %get3A_553] {strides = array<i32>} : memref<128x128xf32, #tpu.memory_space<vmem>>, vector<1x16xf32>,
        %get3A_555 = vector.shape_cast %get3A_554 : vector<1x16xf32> to vector<16xf32>
        %mul3A_556 = arith.constant 11.3137083 : f32
        %mul3A_557 = vector.broadcast %mul3A_556 : f32 to vector<16xf32>
        %mul3A_558 = arith.mulf %get3A_555, %mul3A_557 : vector<16xf32>
        %swap3A_559 = arith.constant 0 : i32
        %swap3A_560 = arith.constant 0 : i32
        %swap3A_561 = tpu.memref_slice %arg6[%scan3A_468, %swap3A_559, %swap3A_560] : memref<6x128x128xf32, #tpu.memory_space<vmem>> -> memref<1x128x128xf32, #tpu.memory_space<vmem>>
        %swap3A_562 = tpu.memref_squeeze %swap3A_561 : memref<1x128x128xf32, #tpu.memory_space<vmem>> -> memref<128x128xf32, #tpu.memory_space<vmem>>
        %swap3A_563 = arith.index_cast %scan3A_489 : i32 to index
        %swap3A_564 = arith.constant 48 : index
        %swap3A_565 = tpu.vector_load %swap3A_562[%swap3A_563, %swap3A_564] {strides = array<i32>} : memref<128x128xf32, #tpu.memory_space<vmem>>, vector<1x16xf32>,
        %swap3A_566 = vector.shape_cast %swap3A_565 : vector<1x16xf32> to vector<16xf32>
        %swap3A_567 = vector.shape_cast %mul3A_558 : vector<16xf32> to vector<1x16xf32>
        tpu.vector_store %swap3A_562[%swap3A_563, %swap3A_564], %swap3A_567 {strides = array<i32>} : memref<128x128xf32, #tpu.memory_space<vmem>>, vector<1x16xf32>,
        %get3A_568 = arith.constant 0 : i32
        %get3A_569 = arith.constant 0 : i32
        %get3A_570 = tpu.memref_slice %arg6[%scan3A_468, %get3A_568, %get3A_569] : memref<6x128x128xf32, #tpu.memory_space<vmem>> -> memref<1x128x128xf32, #tpu.memory_space<vmem>>
        %get3A_571 = tpu.memref_squeeze %get3A_570 : memref<1x128x128xf32, #tpu.memory_space<vmem>> -> memref<128x128xf32, #tpu.memory_space<vmem>>
        %get3A_572 = arith.index_cast %scan3A_489 : i32 to index
        %get3A_573 = arith.constant 64 : index
        %get3A_574 = tpu.vector_load %get3A_571[%get3A_572, %get3A_573] {strides = array<i32>} : memref<128x128xf32, #tpu.memory_space<vmem>>, vector<1x16xf32>,
        %get3A_575 = vector.shape_cast %get3A_574 : vector<1x16xf32> to vector<16xf32>
        %mul3A_576 = arith.constant 11.3137083 : f32
        %mul3A_577 = vector.broadcast %mul3A_576 : f32 to vector<16xf32>
        %mul3A_578 = arith.mulf %get3A_575, %mul3A_577 : vector<16xf32>
        %swap3A_579 = arith.constant 0 : i32
        %swap3A_580 = arith.constant 0 : i32
        %swap3A_581 = tpu.memref_slice %arg6[%scan3A_468, %swap3A_579, %swap3A_580] : memref<6x128x128xf32, #tpu.memory_space<vmem>> -> memref<1x128x128xf32, #tpu.memory_space<vmem>>
        %swap3A_582 = tpu.memref_squeeze %swap3A_581 : memref<1x128x128xf32, #tpu.memory_space<vmem>> -> memref<128x128xf32, #tpu.memory_space<vmem>>
        %swap3A_583 = arith.index_cast %scan3A_489 : i32 to index
        %swap3A_584 = arith.constant 64 : index
        %swap3A_585 = tpu.vector_load %swap3A_582[%swap3A_583, %swap3A_584] {strides = array<i32>} : memref<128x128xf32, #tpu.memory_space<vmem>>, vector<1x16xf32>,
        %swap3A_586 = vector.shape_cast %swap3A_585 : vector<1x16xf32> to vector<16xf32>
        %swap3A_587 = vector.shape_cast %mul3A_578 : vector<16xf32> to vector<1x16xf32>
        tpu.vector_store %swap3A_582[%swap3A_583, %swap3A_584], %swap3A_587 {strides = array<i32>} : memref<128x128xf32, #tpu.memory_space<vmem>>, vector<1x16xf32>,
        %get3A_588 = arith.constant 0 : i32
        %get3A_589 = arith.constant 0 : i32
        %get3A_590 = tpu.memref_slice %arg6[%scan3A_468, %get3A_588, %get3A_589] : memref<6x128x128xf32, #tpu.memory_space<vmem>> -> memref<1x128x128xf32, #tpu.memory_space<vmem>>
        %get3A_591 = tpu.memref_squeeze %get3A_590 : memref<1x128x128xf32, #tpu.memory_space<vmem>> -> memref<128x128xf32, #tpu.memory_space<vmem>>
        %get3A_592 = arith.index_cast %scan3A_489 : i32 to index
        %get3A_593 = arith.constant 80 : index
        %get3A_594 = tpu.vector_load %get3A_591[%get3A_592, %get3A_593] {strides = array<i32>} : memref<128x128xf32, #tpu.memory_space<vmem>>, vector<1x16xf32>,
        %get3A_595 = vector.shape_cast %get3A_594 : vector<1x16xf32> to vector<16xf32>
        %mul3A_596 = arith.constant 11.3137083 : f32
        %mul3A_597 = vector.broadcast %mul3A_596 : f32 to vector<16xf32>
        %mul3A_598 = arith.mulf %get3A_595, %mul3A_597 : vector<16xf32>
        %swap3A_599 = arith.constant 0 : i32
        %swap3A_600 = arith.constant 0 : i32
        %swap3A_601 = tpu.memref_slice %arg6[%scan3A_468, %swap3A_599, %swap3A_600] : memref<6x128x128xf32, #tpu.memory_space<vmem>> -> memref<1x128x128xf32, #tpu.memory_space<vmem>>
        %swap3A_602 = tpu.memref_squeeze %swap3A_601 : memref<1x128x128xf32, #tpu.memory_space<vmem>> -> memref<128x128xf32, #tpu.memory_space<vmem>>
        %swap3A_603 = arith.index_cast %scan3A_489 : i32 to index
        %swap3A_604 = arith.constant 80 : index
        %swap3A_605 = tpu.vector_load %swap3A_602[%swap3A_603, %swap3A_604] {strides = array<i32>} : memref<128x128xf32, #tpu.memory_space<vmem>>, vector<1x16xf32>,
        %swap3A_606 = vector.shape_cast %swap3A_605 : vector<1x16xf32> to vector<16xf32>
        %swap3A_607 = vector.shape_cast %mul3A_598 : vector<16xf32> to vector<1x16xf32>
        tpu.vector_store %swap3A_602[%swap3A_603, %swap3A_604], %swap3A_607 {strides = array<i32>} : memref<128x128xf32, #tpu.memory_space<vmem>>, vector<1x16xf32>,
        %get3A_608 = arith.constant 0 : i32
        %get3A_609 = arith.constant 0 : i32
        %get3A_610 = tpu.memref_slice %arg6[%scan3A_468, %get3A_608, %get3A_609] : memref<6x128x128xf32, #tpu.memory_space<vmem>> -> memref<1x128x128xf32, #tpu.memory_space<vmem>>
        %get3A_611 = tpu.memref_squeeze %get3A_610 : memref<1x128x128xf32, #tpu.memory_space<vmem>> -> memref<128x128xf32, #tpu.memory_space<vmem>>
        %get3A_612 = arith.index_cast %scan3A_489 : i32 to index
        %get3A_613 = arith.constant 96 : index
        %get3A_614 = tpu.vector_load %get3A_611[%get3A_612, %get3A_613] {strides = array<i32>} : memref<128x128xf32, #tpu.memory_space<vmem>>, vector<1x16xf32>,
        %get3A_615 = vector.shape_cast %get3A_614 : vector<1x16xf32> to vector<16xf32>
        %mul3A_616 = arith.constant 11.3137083 : f32
        %mul3A_617 = vector.broadcast %mul3A_616 : f32 to vector<16xf32>
        %mul3A_618 = arith.mulf %get3A_615, %mul3A_617 : vector<16xf32>
        %swap3A_619 = arith.constant 0 : i32
        %swap3A_620 = arith.constant 0 : i32
        %swap3A_621 = tpu.memref_slice %arg6[%scan3A_468, %swap3A_619, %swap3A_620] : memref<6x128x128xf32, #tpu.memory_space<vmem>> -> memref<1x128x128xf32, #tpu.memory_space<vmem>>
        %swap3A_622 = tpu.memref_squeeze %swap3A_621 : memref<1x128x128xf32, #tpu.memory_space<vmem>> -> memref<128x128xf32, #tpu.memory_space<vmem>>
        %swap3A_623 = arith.index_cast %scan3A_489 : i32 to index
        %swap3A_624 = arith.constant 96 : index
        %swap3A_625 = tpu.vector_load %swap3A_622[%swap3A_623, %swap3A_624] {strides = array<i32>} : memref<128x128xf32, #tpu.memory_space<vmem>>, vector<1x16xf32>,
        %swap3A_626 = vector.shape_cast %swap3A_625 : vector<1x16xf32> to vector<16xf32>
        %swap3A_627 = vector.shape_cast %mul3A_618 : vector<16xf32> to vector<1x16xf32>
        tpu.vector_store %swap3A_622[%swap3A_623, %swap3A_624], %swap3A_627 {strides = array<i32>} : memref<128x128xf32, #tpu.memory_space<vmem>>, vector<1x16xf32>,
        %get3A_628 = arith.constant 0 : i32
        %get3A_629 = arith.constant 0 : i32
        %get3A_630 = tpu.memref_slice %arg6[%scan3A_468, %get3A_628, %get3A_629] : memref<6x128x128xf32, #tpu.memory_space<vmem>> -> memref<1x128x128xf32, #tpu.memory_space<vmem>>
        %get3A_631 = tpu.memref_squeeze %get3A_630 : memref<1x128x128xf32, #tpu.memory_space<vmem>> -> memref<128x128xf32, #tpu.memory_space<vmem>>
        %get3A_632 = arith.index_cast %scan3A_489 : i32 to index
        %get3A_633 = arith.constant 112 : index
        %get3A_634 = tpu.vector_load %get3A_631[%get3A_632, %get3A_633] {strides = array<i32>} : memref<128x128xf32, #tpu.memory_space<vmem>>, vector<1x16xf32>,
        %get3A_635 = vector.shape_cast %get3A_634 : vector<1x16xf32> to vector<16xf32>
        %mul3A_636 = arith.constant 11.3137083 : f32
        %mul3A_637 = vector.broadcast %mul3A_636 : f32 to vector<16xf32>
        %mul3A_638 = arith.mulf %get3A_635, %mul3A_637 : vector<16xf32>
        %swap3A_639 = arith.constant 0 : i32
        %swap3A_640 = arith.constant 0 : i32
        %swap3A_641 = tpu.memref_slice %arg6[%scan3A_468, %swap3A_639, %swap3A_640] : memref<6x128x128xf32, #tpu.memory_space<vmem>> -> memref<1x128x128xf32, #tpu.memory_space<vmem>>
        %swap3A_642 = tpu.memref_squeeze %swap3A_641 : memref<1x128x128xf32, #tpu.memory_space<vmem>> -> memref<128x128xf32, #tpu.memory_space<vmem>>
        %swap3A_643 = arith.index_cast %scan3A_489 : i32 to index
        %swap3A_644 = arith.constant 112 : index
        %swap3A_645 = tpu.vector_load %swap3A_642[%swap3A_643, %swap3A_644] {strides = array<i32>} : memref<128x128xf32, #tpu.memory_space<vmem>>, vector<1x16xf32>,
        %swap3A_646 = vector.shape_cast %swap3A_645 : vector<1x16xf32> to vector<16xf32>
        %swap3A_647 = vector.shape_cast %mul3A_638 : vector<16xf32> to vector<1x16xf32>
        tpu.vector_store %swap3A_642[%swap3A_643, %swap3A_644], %swap3A_647 {strides = array<i32>} : memref<128x128xf32, #tpu.memory_space<vmem>>, vector<1x16xf32>,
      }
      %scan3A_473 = arith.constant 128 : i32
      %dma_start3A_474 = arith.constant 5 : i32
      %dma_start3A_475 = arith.constant 0 : i32
      %dma_start3A_476 = arith.constant 0 : i32
      %dma_start3A_477 = tpu.memref_slice %arg6[%dma_start3A_474, %dma_start3A_475, %dma_start3A_476] : memref<6x128x128xf32, #tpu.memory_space<vmem>> -> memref<1x128x128xf32, #tpu.memory_space<vmem>>
      %dma_start3A_478 = tpu.memref_squeeze %dma_start3A_477 : memref<1x128x128xf32, #tpu.memory_space<vmem>> -> memref<128x128xf32, #tpu.memory_space<vmem>>
      %dma_start3A_479 = arith.constant 0 : i32
      %dma_start3A_480 = tpu.memref_slice %arg4[%add3A_442, %mul3A_2, %dma_start3A_479] : memref<50x4096x128xf32, #tpu.memory_space<hbm>> -> memref<1x128x128xf32, #tpu.memory_space<hbm>>
      %dma_start3A_481 = tpu.memref_squeeze %dma_start3A_480 : memref<1x128x128xf32, #tpu.memory_space<hbm>> -> memref<128x128xf32, #tpu.memory_space<hbm>>
      %dma_start3A_482 = arith.constant 0 : i32
      %dma_start3A_483 = tpu.memref_slice %arg4[%add3A_442, %mul3A_2, %dma_start3A_482] : memref<50x4096x128xf32, #tpu.memory_space<hbm>> -> memref<1x128x128xf32, #tpu.memory_space<hbm>>
      %dma_start3A_484 = tpu.memref_squeeze %dma_start3A_483 : memref<1x128x128xf32, #tpu.memory_space<hbm>> -> memref<128x128xf32, #tpu.memory_space<hbm>>
      %dma_start3A_485 = arith.constant 0 : i32
      %dma_start3A_486 = arith.constant 0 : i32
      %dma_start3A_487 = tpu.memref_slice %arg6[%dma_start3A_474, %dma_start3A_485, %dma_start3A_486] : memref<6x128x128xf32, #tpu.memory_space<vmem>> -> memref<1x128x128xf32, #tpu.memory_space<vmem>>
      %dma_start3A_488 = tpu.memref_squeeze %dma_start3A_487 : memref<1x128x128xf32, #tpu.memory_space<vmem>> -> memref<128x128xf32, #tpu.memory_space<vmem>>
      tpu.enqueue_dma source(%dma_start3A_488 : memref<128x128xf32, #tpu.memory_space<vmem>>) target(%dma_start3A_484 : memref<128x128xf32, #tpu.memory_space<hbm>>) target_semaphore(%arg18 : memref<!tpu.dma_semaphore, #tpu.memory_space<semaphore_mem>>)
    }
    %scan3A_42 = arith.constant 8 : i32
    %dma_wait3A = arith.constant 3 : i32
    %dma_wait3A_43 = arith.constant 0 : i32
    %dma_wait3A_44 = arith.constant 0 : i32
    %dma_wait3A_45 = arith.constant 0 : i32
    %dma_wait3A_46 = tpu.memref_slice %arg6[%dma_wait3A, %dma_wait3A_44, %dma_wait3A_45] : memref<6x128x128xf32, #tpu.memory_space<vmem>> -> memref<1x128x128xf32, #tpu.memory_space<vmem>>
    %dma_wait3A_47 = tpu.memref_squeeze %dma_wait3A_46 : memref<1x128x128xf32, #tpu.memory_space<vmem>> -> memref<128x128xf32, #tpu.memory_space<vmem>>
    %dma_wait3A_48 = arith.constant 0 : i32
    %dma_wait3A_49 = tpu.memref_slice %arg4[%dma_wait3A_43, %mul3A_2, %dma_wait3A_48] : memref<50x4096x128xf32, #tpu.memory_space<hbm>> -> memref<1x128x128xf32, #tpu.memory_space<hbm>>
    %dma_wait3A_50 = tpu.memref_squeeze %dma_wait3A_49 : memref<1x128x128xf32, #tpu.memory_space<hbm>> -> memref<128x128xf32, #tpu.memory_space<hbm>>
    %dma_wait3A_51 = arith.constant 0 : i32
    %dma_wait3A_52 = tpu.memref_slice %arg4[%dma_wait3A_43, %mul3A_2, %dma_wait3A_51] : memref<50x4096x128xf32, #tpu.memory_space<hbm>> -> memref<1x128x128xf32, #tpu.memory_space<hbm>>
    %dma_wait3A_53 = tpu.memref_squeeze %dma_wait3A_52 : memref<1x128x128xf32, #tpu.memory_space<hbm>> -> memref<128x128xf32, #tpu.memory_space<hbm>>
    %dma_wait3A_54 = arith.constant 0 : i32
    %dma_wait3A_55 = arith.constant 0 : i32
    %dma_wait3A_56 = tpu.memref_slice %arg6[%dma_wait3A, %dma_wait3A_54, %dma_wait3A_55] : memref<6x128x128xf32, #tpu.memory_space<vmem>> -> memref<1x128x128xf32, #tpu.memory_space<vmem>>
    %dma_wait3A_57 = tpu.memref_squeeze %dma_wait3A_56 : memref<1x128x128xf32, #tpu.memory_space<vmem>> -> memref<128x128xf32, #tpu.memory_space<vmem>>
    tpu.wait_dma2 semaphore(%arg16 : memref<!tpu.dma_semaphore, #tpu.memory_space<semaphore_mem>>) src(%dma_wait3A_57 : memref<128x128xf32, #tpu.memory_space<vmem>>) dst(%dma_wait3A_53 : memref<128x128xf32, #tpu.memory_space<hbm>>)
    %dma_wait3A_58 = arith.constant 0 : i32
    %dma_wait3A_59 = arith.constant 0 : i32
    %dma_wait3A_60 = arith.constant 0 : i32
    %dma_wait3A_61 = arith.constant 0 : i32
    %dma_wait3A_62 = tpu.memref_slice %arg6[%dma_wait3A_59, %dma_wait3A_60, %dma_wait3A_61] : memref<6x128x128xf32, #tpu.memory_space<vmem>> -> memref<1x128x128xf32, #tpu.memory_space<vmem>>
    %dma_wait3A_63 = tpu.memref_squeeze %dma_wait3A_62 : memref<1x128x128xf32, #tpu.memory_space<vmem>> -> memref<128x128xf32, #tpu.memory_space<vmem>>
    %dma_wait3A_64 = arith.constant 0 : i32
    %dma_wait3A_65 = tpu.memref_slice %arg5[%dma_wait3A_58, %dma_wait3A_64] : memref<50x128xi32, #tpu.memory_space<vmem>> -> memref<1x128xi32, #tpu.memory_space<vmem>>
    %dma_wait3A_66 = tpu.memref_squeeze %dma_wait3A_65 : memref<1x128xi32, #tpu.memory_space<vmem>> -> memref<128xi32, #tpu.memory_space<vmem>>
    %dma_wait3A_67 = arith.constant 0 : i32
    %dma_wait3A_68 = arith.constant 0 : i32
    %dma_wait3A_69 = tpu.memref_slice %arg3[%dma_wait3A_67, %dma_wait3A_68] : memref<100000x128xf32, #tpu.memory_space<hbm>> -> memref<100000x128xf32, #tpu.memory_space<hbm>>
    tpu.wait_indirect_dma semaphore(%arg7 : memref<!tpu.dma_semaphore, #tpu.memory_space<semaphore_mem>>) src(%dma_wait3A_69 : memref<100000x128xf32, #tpu.memory_space<hbm>>) dst(%dma_wait3A_63 : memref<128x128xf32, #tpu.memory_space<vmem>>)
    %scan3A_70 = arith.constant 0 : i32
    %scan3A_71 = arith.constant 0 : i32
    %scan3A_72 = arith.constant 0 : i32
    %scan3A_73 = arith.constant 128 : i32
    %scan3A_74 = arith.addi %scan3A_72, %scan3A_73 : i32
    %scan3A_75 = arith.constant 1 : i32
    scf.for %scan3A_192 = %scan3A_72 to %scan3A_74 step %scan3A_75  : i32 {
      %get3A = arith.constant 0 : i32
      %get3A_193 = arith.constant 0 : i32
      %get3A_194 = tpu.memref_slice %arg6[%scan3A_71, %get3A, %get3A_193] : memref<6x128x128xf32, #tpu.memory_space<vmem>> -> memref<1x128x128xf32, #tpu.memory_space<vmem>>
      %get3A_195 = tpu.memref_squeeze %get3A_194 : memref<1x128x128xf32, #tpu.memory_space<vmem>> -> memref<128x128xf32, #tpu.memory_space<vmem>>
      %get3A_196 = arith.index_cast %scan3A_192 : i32 to index
      %get3A_197 = arith.constant 0 : index
      %get3A_198 = tpu.vector_load %get3A_195[%get3A_196, %get3A_197] {strides = array<i32>} : memref<128x128xf32, #tpu.memory_space<vmem>>, vector<1x16xf32>,
      %get3A_199 = vector.shape_cast %get3A_198 : vector<1x16xf32> to vector<16xf32>
      %mul3A_200 = arith.constant 11.3137083 : f32
      %mul3A_201 = vector.broadcast %mul3A_200 : f32 to vector<16xf32>
      %mul3A_202 = arith.mulf %get3A_199, %mul3A_201 : vector<16xf32>
      %swap3A = arith.constant 0 : i32
      %swap3A_203 = arith.constant 0 : i32
      %swap3A_204 = tpu.memref_slice %arg6[%scan3A_71, %swap3A, %swap3A_203] : memref<6x128x128xf32, #tpu.memory_space<vmem>> -> memref<1x128x128xf32, #tpu.memory_space<vmem>>
      %swap3A_205 = tpu.memref_squeeze %swap3A_204 : memref<1x128x128xf32, #tpu.memory_space<vmem>> -> memref<128x128xf32, #tpu.memory_space<vmem>>
      %swap3A_206 = arith.index_cast %scan3A_192 : i32 to index
      %swap3A_207 = arith.constant 0 : index
      %swap3A_208 = tpu.vector_load %swap3A_205[%swap3A_206, %swap3A_207] {strides = array<i32>} : memref<128x128xf32, #tpu.memory_space<vmem>>, vector<1x16xf32>,
      %swap3A_209 = vector.shape_cast %swap3A_208 : vector<1x16xf32> to vector<16xf32>
      %swap3A_210 = vector.shape_cast %mul3A_202 : vector<16xf32> to vector<1x16xf32>
      tpu.vector_store %swap3A_205[%swap3A_206, %swap3A_207], %swap3A_210 {strides = array<i32>} : memref<128x128xf32, #tpu.memory_space<vmem>>, vector<1x16xf32>,
      %get3A_211 = arith.constant 0 : i32
      %get3A_212 = arith.constant 0 : i32
      %get3A_213 = tpu.memref_slice %arg6[%scan3A_71, %get3A_211, %get3A_212] : memref<6x128x128xf32, #tpu.memory_space<vmem>> -> memref<1x128x128xf32, #tpu.memory_space<vmem>>
      %get3A_214 = tpu.memref_squeeze %get3A_213 : memref<1x128x128xf32, #tpu.memory_space<vmem>> -> memref<128x128xf32, #tpu.memory_space<vmem>>
      %get3A_215 = arith.index_cast %scan3A_192 : i32 to index
      %get3A_216 = arith.constant 16 : index
      %get3A_217 = tpu.vector_load %get3A_214[%get3A_215, %get3A_216] {strides = array<i32>} : memref<128x128xf32, #tpu.memory_space<vmem>>, vector<1x16xf32>,
      %get3A_218 = vector.shape_cast %get3A_217 : vector<1x16xf32> to vector<16xf32>
      %mul3A_219 = arith.constant 11.3137083 : f32
      %mul3A_220 = vector.broadcast %mul3A_219 : f32 to vector<16xf32>
      %mul3A_221 = arith.mulf %get3A_218, %mul3A_220 : vector<16xf32>
      %swap3A_222 = arith.constant 0 : i32
      %swap3A_223 = arith.constant 0 : i32
      %swap3A_224 = tpu.memref_slice %arg6[%scan3A_71, %swap3A_222, %swap3A_223] : memref<6x128x128xf32, #tpu.memory_space<vmem>> -> memref<1x128x128xf32, #tpu.memory_space<vmem>>
      %swap3A_225 = tpu.memref_squeeze %swap3A_224 : memref<1x128x128xf32, #tpu.memory_space<vmem>> -> memref<128x128xf32, #tpu.memory_space<vmem>>
      %swap3A_226 = arith.index_cast %scan3A_192 : i32 to index
      %swap3A_227 = arith.constant 16 : index
      %swap3A_228 = tpu.vector_load %swap3A_225[%swap3A_226, %swap3A_227] {strides = array<i32>} : memref<128x128xf32, #tpu.memory_space<vmem>>, vector<1x16xf32>,
      %swap3A_229 = vector.shape_cast %swap3A_228 : vector<1x16xf32> to vector<16xf32>
      %swap3A_230 = vector.shape_cast %mul3A_221 : vector<16xf32> to vector<1x16xf32>
      tpu.vector_store %swap3A_225[%swap3A_226, %swap3A_227], %swap3A_230 {strides = array<i32>} : memref<128x128xf32, #tpu.memory_space<vmem>>, vector<1x16xf32>,
      %get3A_231 = arith.constant 0 : i32
      %get3A_232 = arith.constant 0 : i32
      %get3A_233 = tpu.memref_slice %arg6[%scan3A_71, %get3A_231, %get3A_232] : memref<6x128x128xf32, #tpu.memory_space<vmem>> -> memref<1x128x128xf32, #tpu.memory_space<vmem>>
      %get3A_234 = tpu.memref_squeeze %get3A_233 : memref<1x128x128xf32, #tpu.memory_space<vmem>> -> memref<128x128xf32, #tpu.memory_space<vmem>>
      %get3A_235 = arith.index_cast %scan3A_192 : i32 to index
      %get3A_236 = arith.constant 32 : index
      %get3A_237 = tpu.vector_load %get3A_234[%get3A_235, %get3A_236] {strides = array<i32>} : memref<128x128xf32, #tpu.memory_space<vmem>>, vector<1x16xf32>,
      %get3A_238 = vector.shape_cast %get3A_237 : vector<1x16xf32> to vector<16xf32>
      %mul3A_239 = arith.constant 11.3137083 : f32
      %mul3A_240 = vector.broadcast %mul3A_239 : f32 to vector<16xf32>
      %mul3A_241 = arith.mulf %get3A_238, %mul3A_240 : vector<16xf32>
      %swap3A_242 = arith.constant 0 : i32
      %swap3A_243 = arith.constant 0 : i32
      %swap3A_244 = tpu.memref_slice %arg6[%scan3A_71, %swap3A_242, %swap3A_243] : memref<6x128x128xf32, #tpu.memory_space<vmem>> -> memref<1x128x128xf32, #tpu.memory_space<vmem>>
      %swap3A_245 = tpu.memref_squeeze %swap3A_244 : memref<1x128x128xf32, #tpu.memory_space<vmem>> -> memref<128x128xf32, #tpu.memory_space<vmem>>
      %swap3A_246 = arith.index_cast %scan3A_192 : i32 to index
      %swap3A_247 = arith.constant 32 : index
      %swap3A_248 = tpu.vector_load %swap3A_245[%swap3A_246, %swap3A_247] {strides = array<i32>} : memref<128x128xf32, #tpu.memory_space<vmem>>, vector<1x16xf32>,
      %swap3A_249 = vector.shape_cast %swap3A_248 : vector<1x16xf32> to vector<16xf32>
      %swap3A_250 = vector.shape_cast %mul3A_241 : vector<16xf32> to vector<1x16xf32>
      tpu.vector_store %swap3A_245[%swap3A_246, %swap3A_247], %swap3A_250 {strides = array<i32>} : memref<128x128xf32, #tpu.memory_space<vmem>>, vector<1x16xf32>,
      %get3A_251 = arith.constant 0 : i32
      %get3A_252 = arith.constant 0 : i32
      %get3A_253 = tpu.memref_slice %arg6[%scan3A_71, %get3A_251, %get3A_252] : memref<6x128x128xf32, #tpu.memory_space<vmem>> -> memref<1x128x128xf32, #tpu.memory_space<vmem>>
      %get3A_254 = tpu.memref_squeeze %get3A_253 : memref<1x128x128xf32, #tpu.memory_space<vmem>> -> memref<128x128xf32, #tpu.memory_space<vmem>>
      %get3A_255 = arith.index_cast %scan3A_192 : i32 to index
      %get3A_256 = arith.constant 48 : index
      %get3A_257 = tpu.vector_load %get3A_254[%get3A_255, %get3A_256] {strides = array<i32>} : memref<128x128xf32, #tpu.memory_space<vmem>>, vector<1x16xf32>,
      %get3A_258 = vector.shape_cast %get3A_257 : vector<1x16xf32> to vector<16xf32>
      %mul3A_259 = arith.constant 11.3137083 : f32
      %mul3A_260 = vector.broadcast %mul3A_259 : f32 to vector<16xf32>
      %mul3A_261 = arith.mulf %get3A_258, %mul3A_260 : vector<16xf32>
      %swap3A_262 = arith.constant 0 : i32
      %swap3A_263 = arith.constant 0 : i32
      %swap3A_264 = tpu.memref_slice %arg6[%scan3A_71, %swap3A_262, %swap3A_263] : memref<6x128x128xf32, #tpu.memory_space<vmem>> -> memref<1x128x128xf32, #tpu.memory_space<vmem>>
      %swap3A_265 = tpu.memref_squeeze %swap3A_264 : memref<1x128x128xf32, #tpu.memory_space<vmem>> -> memref<128x128xf32, #tpu.memory_space<vmem>>
      %swap3A_266 = arith.index_cast %scan3A_192 : i32 to index
      %swap3A_267 = arith.constant 48 : index
      %swap3A_268 = tpu.vector_load %swap3A_265[%swap3A_266, %swap3A_267] {strides = array<i32>} : memref<128x128xf32, #tpu.memory_space<vmem>>, vector<1x16xf32>,
      %swap3A_269 = vector.shape_cast %swap3A_268 : vector<1x16xf32> to vector<16xf32>
      %swap3A_270 = vector.shape_cast %mul3A_261 : vector<16xf32> to vector<1x16xf32>
      tpu.vector_store %swap3A_265[%swap3A_266, %swap3A_267], %swap3A_270 {strides = array<i32>} : memref<128x128xf32, #tpu.memory_space<vmem>>, vector<1x16xf32>,
      %get3A_271 = arith.constant 0 : i32
      %get3A_272 = arith.constant 0 : i32
      %get3A_273 = tpu.memref_slice %arg6[%scan3A_71, %get3A_271, %get3A_272] : memref<6x128x128xf32, #tpu.memory_space<vmem>> -> memref<1x128x128xf32, #tpu.memory_space<vmem>>
      %get3A_274 = tpu.memref_squeeze %get3A_273 : memref<1x128x128xf32, #tpu.memory_space<vmem>> -> memref<128x128xf32, #tpu.memory_space<vmem>>
      %get3A_275 = arith.index_cast %scan3A_192 : i32 to index
      %get3A_276 = arith.constant 64 : index
      %get3A_277 = tpu.vector_load %get3A_274[%get3A_275, %get3A_276] {strides = array<i32>} : memref<128x128xf32, #tpu.memory_space<vmem>>, vector<1x16xf32>,
      %get3A_278 = vector.shape_cast %get3A_277 : vector<1x16xf32> to vector<16xf32>
      %mul3A_279 = arith.constant 11.3137083 : f32
      %mul3A_280 = vector.broadcast %mul3A_279 : f32 to vector<16xf32>
      %mul3A_281 = arith.mulf %get3A_278, %mul3A_280 : vector<16xf32>
      %swap3A_282 = arith.constant 0 : i32
      %swap3A_283 = arith.constant 0 : i32
      %swap3A_284 = tpu.memref_slice %arg6[%scan3A_71, %swap3A_282, %swap3A_283] : memref<6x128x128xf32, #tpu.memory_space<vmem>> -> memref<1x128x128xf32, #tpu.memory_space<vmem>>
      %swap3A_285 = tpu.memref_squeeze %swap3A_284 : memref<1x128x128xf32, #tpu.memory_space<vmem>> -> memref<128x128xf32, #tpu.memory_space<vmem>>
      %swap3A_286 = arith.index_cast %scan3A_192 : i32 to index
      %swap3A_287 = arith.constant 64 : index
      %swap3A_288 = tpu.vector_load %swap3A_285[%swap3A_286, %swap3A_287] {strides = array<i32>} : memref<128x128xf32, #tpu.memory_space<vmem>>, vector<1x16xf32>,
      %swap3A_289 = vector.shape_cast %swap3A_288 : vector<1x16xf32> to vector<16xf32>
      %swap3A_290 = vector.shape_cast %mul3A_281 : vector<16xf32> to vector<1x16xf32>
      tpu.vector_store %swap3A_285[%swap3A_286, %swap3A_287], %swap3A_290 {strides = array<i32>} : memref<128x128xf32, #tpu.memory_space<vmem>>, vector<1x16xf32>,
      %get3A_291 = arith.constant 0 : i32
      %get3A_292 = arith.constant 0 : i32
      %get3A_293 = tpu.memref_slice %arg6[%scan3A_71, %get3A_291, %get3A_292] : memref<6x128x128xf32, #tpu.memory_space<vmem>> -> memref<1x128x128xf32, #tpu.memory_space<vmem>>
      %get3A_294 = tpu.memref_squeeze %get3A_293 : memref<1x128x128xf32, #tpu.memory_space<vmem>> -> memref<128x128xf32, #tpu.memory_space<vmem>>
      %get3A_295 = arith.index_cast %scan3A_192 : i32 to index
      %get3A_296 = arith.constant 80 : index
      %get3A_297 = tpu.vector_load %get3A_294[%get3A_295, %get3A_296] {strides = array<i32>} : memref<128x128xf32, #tpu.memory_space<vmem>>, vector<1x16xf32>,
      %get3A_298 = vector.shape_cast %get3A_297 : vector<1x16xf32> to vector<16xf32>
      %mul3A_299 = arith.constant 11.3137083 : f32
      %mul3A_300 = vector.broadcast %mul3A_299 : f32 to vector<16xf32>
      %mul3A_301 = arith.mulf %get3A_298, %mul3A_300 : vector<16xf32>
      %swap3A_302 = arith.constant 0 : i32
      %swap3A_303 = arith.constant 0 : i32
      %swap3A_304 = tpu.memref_slice %arg6[%scan3A_71, %swap3A_302, %swap3A_303] : memref<6x128x128xf32, #tpu.memory_space<vmem>> -> memref<1x128x128xf32, #tpu.memory_space<vmem>>
      %swap3A_305 = tpu.memref_squeeze %swap3A_304 : memref<1x128x128xf32, #tpu.memory_space<vmem>> -> memref<128x128xf32, #tpu.memory_space<vmem>>
      %swap3A_306 = arith.index_cast %scan3A_192 : i32 to index
      %swap3A_307 = arith.constant 80 : index
      %swap3A_308 = tpu.vector_load %swap3A_305[%swap3A_306, %swap3A_307] {strides = array<i32>} : memref<128x128xf32, #tpu.memory_space<vmem>>, vector<1x16xf32>,
      %swap3A_309 = vector.shape_cast %swap3A_308 : vector<1x16xf32> to vector<16xf32>
      %swap3A_310 = vector.shape_cast %mul3A_301 : vector<16xf32> to vector<1x16xf32>
      tpu.vector_store %swap3A_305[%swap3A_306, %swap3A_307], %swap3A_310 {strides = array<i32>} : memref<128x128xf32, #tpu.memory_space<vmem>>, vector<1x16xf32>,
      %get3A_311 = arith.constant 0 : i32
      %get3A_312 = arith.constant 0 : i32
      %get3A_313 = tpu.memref_slice %arg6[%scan3A_71, %get3A_311, %get3A_312] : memref<6x128x128xf32, #tpu.memory_space<vmem>> -> memref<1x128x128xf32, #tpu.memory_space<vmem>>
      %get3A_314 = tpu.memref_squeeze %get3A_313 : memref<1x128x128xf32, #tpu.memory_space<vmem>> -> memref<128x128xf32, #tpu.memory_space<vmem>>
      %get3A_315 = arith.index_cast %scan3A_192 : i32 to index
      %get3A_316 = arith.constant 96 : index
      %get3A_317 = tpu.vector_load %get3A_314[%get3A_315, %get3A_316] {strides = array<i32>} : memref<128x128xf32, #tpu.memory_space<vmem>>, vector<1x16xf32>,
      %get3A_318 = vector.shape_cast %get3A_317 : vector<1x16xf32> to vector<16xf32>
      %mul3A_319 = arith.constant 11.3137083 : f32
      %mul3A_320 = vector.broadcast %mul3A_319 : f32 to vector<16xf32>
      %mul3A_321 = arith.mulf %get3A_318, %mul3A_320 : vector<16xf32>
      %swap3A_322 = arith.constant 0 : i32
      %swap3A_323 = arith.constant 0 : i32
      %swap3A_324 = tpu.memref_slice %arg6[%scan3A_71, %swap3A_322, %swap3A_323] : memref<6x128x128xf32, #tpu.memory_space<vmem>> -> memref<1x128x128xf32, #tpu.memory_space<vmem>>
      %swap3A_325 = tpu.memref_squeeze %swap3A_324 : memref<1x128x128xf32, #tpu.memory_space<vmem>> -> memref<128x128xf32, #tpu.memory_space<vmem>>
      %swap3A_326 = arith.index_cast %scan3A_192 : i32 to index
      %swap3A_327 = arith.constant 96 : index
      %swap3A_328 = tpu.vector_load %swap3A_325[%swap3A_326, %swap3A_327] {strides = array<i32>} : memref<128x128xf32, #tpu.memory_space<vmem>>, vector<1x16xf32>,
      %swap3A_329 = vector.shape_cast %swap3A_328 : vector<1x16xf32> to vector<16xf32>
      %swap3A_330 = vector.shape_cast %mul3A_321 : vector<16xf32> to vector<1x16xf32>
      tpu.vector_store %swap3A_325[%swap3A_326, %swap3A_327], %swap3A_330 {strides = array<i32>} : memref<128x128xf32, #tpu.memory_space<vmem>>, vector<1x16xf32>,
      %get3A_331 = arith.constant 0 : i32
      %get3A_332 = arith.constant 0 : i32
      %get3A_333 = tpu.memref_slice %arg6[%scan3A_71, %get3A_331, %get3A_332] : memref<6x128x128xf32, #tpu.memory_space<vmem>> -> memref<1x128x128xf32, #tpu.memory_space<vmem>>
      %get3A_334 = tpu.memref_squeeze %get3A_333 : memref<1x128x128xf32, #tpu.memory_space<vmem>> -> memref<128x128xf32, #tpu.memory_space<vmem>>
      %get3A_335 = arith.index_cast %scan3A_192 : i32 to index
      %get3A_336 = arith.constant 112 : index
      %get3A_337 = tpu.vector_load %get3A_334[%get3A_335, %get3A_336] {strides = array<i32>} : memref<128x128xf32, #tpu.memory_space<vmem>>, vector<1x16xf32>,
      %get3A_338 = vector.shape_cast %get3A_337 : vector<1x16xf32> to vector<16xf32>
      %mul3A_339 = arith.constant 11.3137083 : f32
      %mul3A_340 = vector.broadcast %mul3A_339 : f32 to vector<16xf32>
      %mul3A_341 = arith.mulf %get3A_338, %mul3A_340 : vector<16xf32>
      %swap3A_342 = arith.constant 0 : i32
      %swap3A_343 = arith.constant 0 : i32
      %swap3A_344 = tpu.memref_slice %arg6[%scan3A_71, %swap3A_342, %swap3A_343] : memref<6x128x128xf32, #tpu.memory_space<vmem>> -> memref<1x128x128xf32, #tpu.memory_space<vmem>>
      %swap3A_345 = tpu.memref_squeeze %swap3A_344 : memref<1x128x128xf32, #tpu.memory_space<vmem>> -> memref<128x128xf32, #tpu.memory_space<vmem>>
      %swap3A_346 = arith.index_cast %scan3A_192 : i32 to index
      %swap3A_347 = arith.constant 112 : index
      %swap3A_348 = tpu.vector_load %swap3A_345[%swap3A_346, %swap3A_347] {strides = array<i32>} : memref<128x128xf32, #tpu.memory_space<vmem>>, vector<1x16xf32>,
      %swap3A_349 = vector.shape_cast %swap3A_348 : vector<1x16xf32> to vector<16xf32>
      %swap3A_350 = vector.shape_cast %mul3A_341 : vector<16xf32> to vector<1x16xf32>
      tpu.vector_store %swap3A_345[%swap3A_346, %swap3A_347], %swap3A_350 {strides = array<i32>} : memref<128x128xf32, #tpu.memory_space<vmem>>, vector<1x16xf32>,
    }
    %scan3A_76 = arith.constant 128 : i32
    %dma_start3A_77 = arith.constant 0 : i32
    %dma_start3A_78 = arith.constant 48 : i32
    %dma_start3A_79 = arith.constant 0 : i32
    %dma_start3A_80 = arith.constant 0 : i32
    %dma_start3A_81 = tpu.memref_slice %arg6[%dma_start3A_77, %dma_start3A_79, %dma_start3A_80] : memref<6x128x128xf32, #tpu.memory_space<vmem>> -> memref<1x128x128xf32, #tpu.memory_space<vmem>>
    %dma_start3A_82 = tpu.memref_squeeze %dma_start3A_81 : memref<1x128x128xf32, #tpu.memory_space<vmem>> -> memref<128x128xf32, #tpu.memory_space<vmem>>
    %dma_start3A_83 = arith.constant 0 : i32
    %dma_start3A_84 = tpu.memref_slice %arg4[%dma_start3A_78, %mul3A_2, %dma_start3A_83] : memref<50x4096x128xf32, #tpu.memory_space<hbm>> -> memref<1x128x128xf32, #tpu.memory_space<hbm>>
    %dma_start3A_85 = tpu.memref_squeeze %dma_start3A_84 : memref<1x128x128xf32, #tpu.memory_space<hbm>> -> memref<128x128xf32, #tpu.memory_space<hbm>>
    %dma_start3A_86 = arith.constant 0 : i32
    %dma_start3A_87 = tpu.memref_slice %arg4[%dma_start3A_78, %mul3A_2, %dma_start3A_86] : memref<50x4096x128xf32, #tpu.memory_space<hbm>> -> memref<1x128x128xf32, #tpu.memory_space<hbm>>
    %dma_start3A_88 = tpu.memref_squeeze %dma_start3A_87 : memref<1x128x128xf32, #tpu.memory_space<hbm>> -> memref<128x128xf32, #tpu.memory_space<hbm>>
    %dma_start3A_89 = arith.constant 0 : i32
    %dma_start3A_90 = arith.constant 0 : i32
    %dma_start3A_91 = tpu.memref_slice %arg6[%dma_start3A_77, %dma_start3A_89, %dma_start3A_90] : memref<6x128x128xf32, #tpu.memory_space<vmem>> -> memref<1x128x128xf32, #tpu.memory_space<vmem>>
    %dma_start3A_92 = tpu.memref_squeeze %dma_start3A_91 : memref<1x128x128xf32, #tpu.memory_space<vmem>> -> memref<128x128xf32, #tpu.memory_space<vmem>>
    tpu.enqueue_dma source(%dma_start3A_92 : memref<128x128xf32, #tpu.memory_space<vmem>>) target(%dma_start3A_88 : memref<128x128xf32, #tpu.memory_space<hbm>>) target_semaphore(%arg13 : memref<!tpu.dma_semaphore, #tpu.memory_space<semaphore_mem>>)
    %dma_wait3A_93 = arith.constant 4 : i32
    %dma_wait3A_94 = arith.constant 0 : i32
    %dma_wait3A_95 = arith.constant 0 : i32
    %dma_wait3A_96 = arith.constant 0 : i32
    %dma_wait3A_97 = tpu.memref_slice %arg6[%dma_wait3A_93, %dma_wait3A_95, %dma_wait3A_96] : memref<6x128x128xf32, #tpu.memory_space<vmem>> -> memref<1x128x128xf32, #tpu.memory_space<vmem>>
    %dma_wait3A_98 = tpu.memref_squeeze %dma_wait3A_97 : memref<1x128x128xf32, #tpu.memory_space<vmem>> -> memref<128x128xf32, #tpu.memory_space<vmem>>
    %dma_wait3A_99 = arith.constant 0 : i32
    %dma_wait3A_100 = tpu.memref_slice %arg4[%dma_wait3A_94, %mul3A_2, %dma_wait3A_99] : memref<50x4096x128xf32, #tpu.memory_space<hbm>> -> memref<1x128x128xf32, #tpu.memory_space<hbm>>
    %dma_wait3A_101 = tpu.memref_squeeze %dma_wait3A_100 : memref<1x128x128xf32, #tpu.memory_space<hbm>> -> memref<128x128xf32, #tpu.memory_space<hbm>>
    %dma_wait3A_102 = arith.constant 0 : i32
    %dma_wait3A_103 = tpu.memref_slice %arg4[%dma_wait3A_94, %mul3A_2, %dma_wait3A_102] : memref<50x4096x128xf32, #tpu.memory_space<hbm>> -> memref<1x128x128xf32, #tpu.memory_space<hbm>>
    %dma_wait3A_104 = tpu.memref_squeeze %dma_wait3A_103 : memref<1x128x128xf32, #tpu.memory_space<hbm>> -> memref<128x128xf32, #tpu.memory_space<hbm>>
    %dma_wait3A_105 = arith.constant 0 : i32
    %dma_wait3A_106 = arith.constant 0 : i32
    %dma_wait3A_107 = tpu.memref_slice %arg6[%dma_wait3A_93, %dma_wait3A_105, %dma_wait3A_106] : memref<6x128x128xf32, #tpu.memory_space<vmem>> -> memref<1x128x128xf32, #tpu.memory_space<vmem>>
    %dma_wait3A_108 = tpu.memref_squeeze %dma_wait3A_107 : memref<1x128x128xf32, #tpu.memory_space<vmem>> -> memref<128x128xf32, #tpu.memory_space<vmem>>
    tpu.wait_dma2 semaphore(%arg17 : memref<!tpu.dma_semaphore, #tpu.memory_space<semaphore_mem>>) src(%dma_wait3A_108 : memref<128x128xf32, #tpu.memory_space<vmem>>) dst(%dma_wait3A_104 : memref<128x128xf32, #tpu.memory_space<hbm>>)
    %dma_wait3A_109 = arith.constant 0 : i32
    %dma_wait3A_110 = arith.constant 1 : i32
    %dma_wait3A_111 = arith.constant 0 : i32
    %dma_wait3A_112 = arith.constant 0 : i32
    %dma_wait3A_113 = tpu.memref_slice %arg6[%dma_wait3A_110, %dma_wait3A_111, %dma_wait3A_112] : memref<6x128x128xf32, #tpu.memory_space<vmem>> -> memref<1x128x128xf32, #tpu.memory_space<vmem>>
    %dma_wait3A_114 = tpu.memref_squeeze %dma_wait3A_113 : memref<1x128x128xf32, #tpu.memory_space<vmem>> -> memref<128x128xf32, #tpu.memory_space<vmem>>
    %dma_wait3A_115 = arith.constant 0 : i32
    %dma_wait3A_116 = tpu.memref_slice %arg5[%dma_wait3A_109, %dma_wait3A_115] : memref<50x128xi32, #tpu.memory_space<vmem>> -> memref<1x128xi32, #tpu.memory_space<vmem>>
    %dma_wait3A_117 = tpu.memref_squeeze %dma_wait3A_116 : memref<1x128xi32, #tpu.memory_space<vmem>> -> memref<128xi32, #tpu.memory_space<vmem>>
    %dma_wait3A_118 = arith.constant 0 : i32
    %dma_wait3A_119 = arith.constant 0 : i32
    %dma_wait3A_120 = tpu.memref_slice %arg3[%dma_wait3A_118, %dma_wait3A_119] : memref<100000x128xf32, #tpu.memory_space<hbm>> -> memref<100000x128xf32, #tpu.memory_space<hbm>>
    tpu.wait_indirect_dma semaphore(%arg8 : memref<!tpu.dma_semaphore, #tpu.memory_space<semaphore_mem>>) src(%dma_wait3A_120 : memref<100000x128xf32, #tpu.memory_space<hbm>>) dst(%dma_wait3A_114 : memref<128x128xf32, #tpu.memory_space<vmem>>)
    %scan3A_121 = arith.constant 0 : i32
    %scan3A_122 = arith.constant 1 : i32
    %scan3A_123 = arith.constant 0 : i32
    %scan3A_124 = arith.constant 128 : i32
    %scan3A_125 = arith.addi %scan3A_123, %scan3A_124 : i32
    %scan3A_126 = arith.constant 1 : i32
    scf.for %scan3A_192 = %scan3A_123 to %scan3A_125 step %scan3A_126  : i32 {
      %get3A = arith.constant 0 : i32
      %get3A_193 = arith.constant 0 : i32
      %get3A_194 = tpu.memref_slice %arg6[%scan3A_122, %get3A, %get3A_193] : memref<6x128x128xf32, #tpu.memory_space<vmem>> -> memref<1x128x128xf32, #tpu.memory_space<vmem>>
      %get3A_195 = tpu.memref_squeeze %get3A_194 : memref<1x128x128xf32, #tpu.memory_space<vmem>> -> memref<128x128xf32, #tpu.memory_space<vmem>>
      %get3A_196 = arith.index_cast %scan3A_192 : i32 to index
      %get3A_197 = arith.constant 0 : index
      %get3A_198 = tpu.vector_load %get3A_195[%get3A_196, %get3A_197] {strides = array<i32>} : memref<128x128xf32, #tpu.memory_space<vmem>>, vector<1x16xf32>,
      %get3A_199 = vector.shape_cast %get3A_198 : vector<1x16xf32> to vector<16xf32>
      %mul3A_200 = arith.constant 11.3137083 : f32
      %mul3A_201 = vector.broadcast %mul3A_200 : f32 to vector<16xf32>
      %mul3A_202 = arith.mulf %get3A_199, %mul3A_201 : vector<16xf32>
      %swap3A = arith.constant 0 : i32
      %swap3A_203 = arith.constant 0 : i32
      %swap3A_204 = tpu.memref_slice %arg6[%scan3A_122, %swap3A, %swap3A_203] : memref<6x128x128xf32, #tpu.memory_space<vmem>> -> memref<1x128x128xf32, #tpu.memory_space<vmem>>
      %swap3A_205 = tpu.memref_squeeze %swap3A_204 : memref<1x128x128xf32, #tpu.memory_space<vmem>> -> memref<128x128xf32, #tpu.memory_space<vmem>>
      %swap3A_206 = arith.index_cast %scan3A_192 : i32 to index
      %swap3A_207 = arith.constant 0 : index
      %swap3A_208 = tpu.vector_load %swap3A_205[%swap3A_206, %swap3A_207] {strides = array<i32>} : memref<128x128xf32, #tpu.memory_space<vmem>>, vector<1x16xf32>,
      %swap3A_209 = vector.shape_cast %swap3A_208 : vector<1x16xf32> to vector<16xf32>
      %swap3A_210 = vector.shape_cast %mul3A_202 : vector<16xf32> to vector<1x16xf32>
      tpu.vector_store %swap3A_205[%swap3A_206, %swap3A_207], %swap3A_210 {strides = array<i32>} : memref<128x128xf32, #tpu.memory_space<vmem>>, vector<1x16xf32>,
      %get3A_211 = arith.constant 0 : i32
      %get3A_212 = arith.constant 0 : i32
      %get3A_213 = tpu.memref_slice %arg6[%scan3A_122, %get3A_211, %get3A_212] : memref<6x128x128xf32, #tpu.memory_space<vmem>> -> memref<1x128x128xf32, #tpu.memory_space<vmem>>
      %get3A_214 = tpu.memref_squeeze %get3A_213 : memref<1x128x128xf32, #tpu.memory_space<vmem>> -> memref<128x128xf32, #tpu.memory_space<vmem>>
      %get3A_215 = arith.index_cast %scan3A_192 : i32 to index
      %get3A_216 = arith.constant 16 : index
      %get3A_217 = tpu.vector_load %get3A_214[%get3A_215, %get3A_216] {strides = array<i32>} : memref<128x128xf32, #tpu.memory_space<vmem>>, vector<1x16xf32>,
      %get3A_218 = vector.shape_cast %get3A_217 : vector<1x16xf32> to vector<16xf32>
      %mul3A_219 = arith.constant 11.3137083 : f32
      %mul3A_220 = vector.broadcast %mul3A_219 : f32 to vector<16xf32>
      %mul3A_221 = arith.mulf %get3A_218, %mul3A_220 : vector<16xf32>
      %swap3A_222 = arith.constant 0 : i32
      %swap3A_223 = arith.constant 0 : i32
      %swap3A_224 = tpu.memref_slice %arg6[%scan3A_122, %swap3A_222, %swap3A_223] : memref<6x128x128xf32, #tpu.memory_space<vmem>> -> memref<1x128x128xf32, #tpu.memory_space<vmem>>
      %swap3A_225 = tpu.memref_squeeze %swap3A_224 : memref<1x128x128xf32, #tpu.memory_space<vmem>> -> memref<128x128xf32, #tpu.memory_space<vmem>>
      %swap3A_226 = arith.index_cast %scan3A_192 : i32 to index
      %swap3A_227 = arith.constant 16 : index
      %swap3A_228 = tpu.vector_load %swap3A_225[%swap3A_226, %swap3A_227] {strides = array<i32>} : memref<128x128xf32, #tpu.memory_space<vmem>>, vector<1x16xf32>,
      %swap3A_229 = vector.shape_cast %swap3A_228 : vector<1x16xf32> to vector<16xf32>
      %swap3A_230 = vector.shape_cast %mul3A_221 : vector<16xf32> to vector<1x16xf32>
      tpu.vector_store %swap3A_225[%swap3A_226, %swap3A_227], %swap3A_230 {strides = array<i32>} : memref<128x128xf32, #tpu.memory_space<vmem>>, vector<1x16xf32>,
      %get3A_231 = arith.constant 0 : i32
      %get3A_232 = arith.constant 0 : i32
      %get3A_233 = tpu.memref_slice %arg6[%scan3A_122, %get3A_231, %get3A_232] : memref<6x128x128xf32, #tpu.memory_space<vmem>> -> memref<1x128x128xf32, #tpu.memory_space<vmem>>
      %get3A_234 = tpu.memref_squeeze %get3A_233 : memref<1x128x128xf32, #tpu.memory_space<vmem>> -> memref<128x128xf32, #tpu.memory_space<vmem>>
      %get3A_235 = arith.index_cast %scan3A_192 : i32 to index
      %get3A_236 = arith.constant 32 : index
      %get3A_237 = tpu.vector_load %get3A_234[%get3A_235, %get3A_236] {strides = array<i32>} : memref<128x128xf32, #tpu.memory_space<vmem>>, vector<1x16xf32>,
      %get3A_238 = vector.shape_cast %get3A_237 : vector<1x16xf32> to vector<16xf32>
      %mul3A_239 = arith.constant 11.3137083 : f32
      %mul3A_240 = vector.broadcast %mul3A_239 : f32 to vector<16xf32>
      %mul3A_241 = arith.mulf %get3A_238, %mul3A_240 : vector<16xf32>
      %swap3A_242 = arith.constant 0 : i32
      %swap3A_243 = arith.constant 0 : i32
      %swap3A_244 = tpu.memref_slice %arg6[%scan3A_122, %swap3A_242, %swap3A_243] : memref<6x128x128xf32, #tpu.memory_space<vmem>> -> memref<1x128x128xf32, #tpu.memory_space<vmem>>
      %swap3A_245 = tpu.memref_squeeze %swap3A_244 : memref<1x128x128xf32, #tpu.memory_space<vmem>> -> memref<128x128xf32, #tpu.memory_space<vmem>>
      %swap3A_246 = arith.index_cast %scan3A_192 : i32 to index
      %swap3A_247 = arith.constant 32 : index
      %swap3A_248 = tpu.vector_load %swap3A_245[%swap3A_246, %swap3A_247] {strides = array<i32>} : memref<128x128xf32, #tpu.memory_space<vmem>>, vector<1x16xf32>,
      %swap3A_249 = vector.shape_cast %swap3A_248 : vector<1x16xf32> to vector<16xf32>
      %swap3A_250 = vector.shape_cast %mul3A_241 : vector<16xf32> to vector<1x16xf32>
      tpu.vector_store %swap3A_245[%swap3A_246, %swap3A_247], %swap3A_250 {strides = array<i32>} : memref<128x128xf32, #tpu.memory_space<vmem>>, vector<1x16xf32>,
      %get3A_251 = arith.constant 0 : i32
      %get3A_252 = arith.constant 0 : i32
      %get3A_253 = tpu.memref_slice %arg6[%scan3A_122, %get3A_251, %get3A_252] : memref<6x128x128xf32, #tpu.memory_space<vmem>> -> memref<1x128x128xf32, #tpu.memory_space<vmem>>
      %get3A_254 = tpu.memref_squeeze %get3A_253 : memref<1x128x128xf32, #tpu.memory_space<vmem>> -> memref<128x128xf32, #tpu.memory_space<vmem>>
      %get3A_255 = arith.index_cast %scan3A_192 : i32 to index
      %get3A_256 = arith.constant 48 : index
      %get3A_257 = tpu.vector_load %get3A_254[%get3A_255, %get3A_256] {strides = array<i32>} : memref<128x128xf32, #tpu.memory_space<vmem>>, vector<1x16xf32>,
      %get3A_258 = vector.shape_cast %get3A_257 : vector<1x16xf32> to vector<16xf32>
      %mul3A_259 = arith.constant 11.3137083 : f32
      %mul3A_260 = vector.broadcast %mul3A_259 : f32 to vector<16xf32>
      %mul3A_261 = arith.mulf %get3A_258, %mul3A_260 : vector<16xf32>
      %swap3A_262 = arith.constant 0 : i32
      %swap3A_263 = arith.constant 0 : i32
      %swap3A_264 = tpu.memref_slice %arg6[%scan3A_122, %swap3A_262, %swap3A_263] : memref<6x128x128xf32, #tpu.memory_space<vmem>> -> memref<1x128x128xf32, #tpu.memory_space<vmem>>
      %swap3A_265 = tpu.memref_squeeze %swap3A_264 : memref<1x128x128xf32, #tpu.memory_space<vmem>> -> memref<128x128xf32, #tpu.memory_space<vmem>>
      %swap3A_266 = arith.index_cast %scan3A_192 : i32 to index
      %swap3A_267 = arith.constant 48 : index
      %swap3A_268 = tpu.vector_load %swap3A_265[%swap3A_266, %swap3A_267] {strides = array<i32>} : memref<128x128xf32, #tpu.memory_space<vmem>>, vector<1x16xf32>,
      %swap3A_269 = vector.shape_cast %swap3A_268 : vector<1x16xf32> to vector<16xf32>
      %swap3A_270 = vector.shape_cast %mul3A_261 : vector<16xf32> to vector<1x16xf32>
      tpu.vector_store %swap3A_265[%swap3A_266, %swap3A_267], %swap3A_270 {strides = array<i32>} : memref<128x128xf32, #tpu.memory_space<vmem>>, vector<1x16xf32>,
      %get3A_271 = arith.constant 0 : i32
      %get3A_272 = arith.constant 0 : i32
      %get3A_273 = tpu.memref_slice %arg6[%scan3A_122, %get3A_271, %get3A_272] : memref<6x128x128xf32, #tpu.memory_space<vmem>> -> memref<1x128x128xf32, #tpu.memory_space<vmem>>
      %get3A_274 = tpu.memref_squeeze %get3A_273 : memref<1x128x128xf32, #tpu.memory_space<vmem>> -> memref<128x128xf32, #tpu.memory_space<vmem>>
      %get3A_275 = arith.index_cast %scan3A_192 : i32 to index
      %get3A_276 = arith.constant 64 : index
      %get3A_277 = tpu.vector_load %get3A_274[%get3A_275, %get3A_276] {strides = array<i32>} : memref<128x128xf32, #tpu.memory_space<vmem>>, vector<1x16xf32>,
      %get3A_278 = vector.shape_cast %get3A_277 : vector<1x16xf32> to vector<16xf32>
      %mul3A_279 = arith.constant 11.3137083 : f32
      %mul3A_280 = vector.broadcast %mul3A_279 : f32 to vector<16xf32>
      %mul3A_281 = arith.mulf %get3A_278, %mul3A_280 : vector<16xf32>
      %swap3A_282 = arith.constant 0 : i32
      %swap3A_283 = arith.constant 0 : i32
      %swap3A_284 = tpu.memref_slice %arg6[%scan3A_122, %swap3A_282, %swap3A_283] : memref<6x128x128xf32, #tpu.memory_space<vmem>> -> memref<1x128x128xf32, #tpu.memory_space<vmem>>
      %swap3A_285 = tpu.memref_squeeze %swap3A_284 : memref<1x128x128xf32, #tpu.memory_space<vmem>> -> memref<128x128xf32, #tpu.memory_space<vmem>>
      %swap3A_286 = arith.index_cast %scan3A_192 : i32 to index
      %swap3A_287 = arith.constant 64 : index
      %swap3A_288 = tpu.vector_load %swap3A_285[%swap3A_286, %swap3A_287] {strides = array<i32>} : memref<128x128xf32, #tpu.memory_space<vmem>>, vector<1x16xf32>,
      %swap3A_289 = vector.shape_cast %swap3A_288 : vector<1x16xf32> to vector<16xf32>
      %swap3A_290 = vector.shape_cast %mul3A_281 : vector<16xf32> to vector<1x16xf32>
      tpu.vector_store %swap3A_285[%swap3A_286, %swap3A_287], %swap3A_290 {strides = array<i32>} : memref<128x128xf32, #tpu.memory_space<vmem>>, vector<1x16xf32>,
      %get3A_291 = arith.constant 0 : i32
      %get3A_292 = arith.constant 0 : i32
      %get3A_293 = tpu.memref_slice %arg6[%scan3A_122, %get3A_291, %get3A_292] : memref<6x128x128xf32, #tpu.memory_space<vmem>> -> memref<1x128x128xf32, #tpu.memory_space<vmem>>
      %get3A_294 = tpu.memref_squeeze %get3A_293 : memref<1x128x128xf32, #tpu.memory_space<vmem>> -> memref<128x128xf32, #tpu.memory_space<vmem>>
      %get3A_295 = arith.index_cast %scan3A_192 : i32 to index
      %get3A_296 = arith.constant 80 : index
      %get3A_297 = tpu.vector_load %get3A_294[%get3A_295, %get3A_296] {strides = array<i32>} : memref<128x128xf32, #tpu.memory_space<vmem>>, vector<1x16xf32>,
      %get3A_298 = vector.shape_cast %get3A_297 : vector<1x16xf32> to vector<16xf32>
      %mul3A_299 = arith.constant 11.3137083 : f32
      %mul3A_300 = vector.broadcast %mul3A_299 : f32 to vector<16xf32>
      %mul3A_301 = arith.mulf %get3A_298, %mul3A_300 : vector<16xf32>
      %swap3A_302 = arith.constant 0 : i32
      %swap3A_303 = arith.constant 0 : i32
      %swap3A_304 = tpu.memref_slice %arg6[%scan3A_122, %swap3A_302, %swap3A_303] : memref<6x128x128xf32, #tpu.memory_space<vmem>> -> memref<1x128x128xf32, #tpu.memory_space<vmem>>
      %swap3A_305 = tpu.memref_squeeze %swap3A_304 : memref<1x128x128xf32, #tpu.memory_space<vmem>> -> memref<128x128xf32, #tpu.memory_space<vmem>>
      %swap3A_306 = arith.index_cast %scan3A_192 : i32 to index
      %swap3A_307 = arith.constant 80 : index
      %swap3A_308 = tpu.vector_load %swap3A_305[%swap3A_306, %swap3A_307] {strides = array<i32>} : memref<128x128xf32, #tpu.memory_space<vmem>>, vector<1x16xf32>,
      %swap3A_309 = vector.shape_cast %swap3A_308 : vector<1x16xf32> to vector<16xf32>
      %swap3A_310 = vector.shape_cast %mul3A_301 : vector<16xf32> to vector<1x16xf32>
      tpu.vector_store %swap3A_305[%swap3A_306, %swap3A_307], %swap3A_310 {strides = array<i32>} : memref<128x128xf32, #tpu.memory_space<vmem>>, vector<1x16xf32>,
      %get3A_311 = arith.constant 0 : i32
      %get3A_312 = arith.constant 0 : i32
      %get3A_313 = tpu.memref_slice %arg6[%scan3A_122, %get3A_311, %get3A_312] : memref<6x128x128xf32, #tpu.memory_space<vmem>> -> memref<1x128x128xf32, #tpu.memory_space<vmem>>
      %get3A_314 = tpu.memref_squeeze %get3A_313 : memref<1x128x128xf32, #tpu.memory_space<vmem>> -> memref<128x128xf32, #tpu.memory_space<vmem>>
      %get3A_315 = arith.index_cast %scan3A_192 : i32 to index
      %get3A_316 = arith.constant 96 : index
      %get3A_317 = tpu.vector_load %get3A_314[%get3A_315, %get3A_316] {strides = array<i32>} : memref<128x128xf32, #tpu.memory_space<vmem>>, vector<1x16xf32>,
      %get3A_318 = vector.shape_cast %get3A_317 : vector<1x16xf32> to vector<16xf32>
      %mul3A_319 = arith.constant 11.3137083 : f32
      %mul3A_320 = vector.broadcast %mul3A_319 : f32 to vector<16xf32>
      %mul3A_321 = arith.mulf %get3A_318, %mul3A_320 : vector<16xf32>
      %swap3A_322 = arith.constant 0 : i32
      %swap3A_323 = arith.constant 0 : i32
      %swap3A_324 = tpu.memref_slice %arg6[%scan3A_122, %swap3A_322, %swap3A_323] : memref<6x128x128xf32, #tpu.memory_space<vmem>> -> memref<1x128x128xf32, #tpu.memory_space<vmem>>
      %swap3A_325 = tpu.memref_squeeze %swap3A_324 : memref<1x128x128xf32, #tpu.memory_space<vmem>> -> memref<128x128xf32, #tpu.memory_space<vmem>>
      %swap3A_326 = arith.index_cast %scan3A_192 : i32 to index
      %swap3A_327 = arith.constant 96 : index
      %swap3A_328 = tpu.vector_load %swap3A_325[%swap3A_326, %swap3A_327] {strides = array<i32>} : memref<128x128xf32, #tpu.memory_space<vmem>>, vector<1x16xf32>,
      %swap3A_329 = vector.shape_cast %swap3A_328 : vector<1x16xf32> to vector<16xf32>
      %swap3A_330 = vector.shape_cast %mul3A_321 : vector<16xf32> to vector<1x16xf32>
      tpu.vector_store %swap3A_325[%swap3A_326, %swap3A_327], %swap3A_330 {strides = array<i32>} : memref<128x128xf32, #tpu.memory_space<vmem>>, vector<1x16xf32>,
      %get3A_331 = arith.constant 0 : i32
      %get3A_332 = arith.constant 0 : i32
      %get3A_333 = tpu.memref_slice %arg6[%scan3A_122, %get3A_331, %get3A_332] : memref<6x128x128xf32, #tpu.memory_space<vmem>> -> memref<1x128x128xf32, #tpu.memory_space<vmem>>
      %get3A_334 = tpu.memref_squeeze %get3A_333 : memref<1x128x128xf32, #tpu.memory_space<vmem>> -> memref<128x128xf32, #tpu.memory_space<vmem>>
      %get3A_335 = arith.index_cast %scan3A_192 : i32 to index
      %get3A_336 = arith.constant 112 : index
      %get3A_337 = tpu.vector_load %get3A_334[%get3A_335, %get3A_336] {strides = array<i32>} : memref<128x128xf32, #tpu.memory_space<vmem>>, vector<1x16xf32>,
      %get3A_338 = vector.shape_cast %get3A_337 : vector<1x16xf32> to vector<16xf32>
      %mul3A_339 = arith.constant 11.3137083 : f32
      %mul3A_340 = vector.broadcast %mul3A_339 : f32 to vector<16xf32>
      %mul3A_341 = arith.mulf %get3A_338, %mul3A_340 : vector<16xf32>
      %swap3A_342 = arith.constant 0 : i32
      %swap3A_343 = arith.constant 0 : i32
      %swap3A_344 = tpu.memref_slice %arg6[%scan3A_122, %swap3A_342, %swap3A_343] : memref<6x128x128xf32, #tpu.memory_space<vmem>> -> memref<1x128x128xf32, #tpu.memory_space<vmem>>
      %swap3A_345 = tpu.memref_squeeze %swap3A_344 : memref<1x128x128xf32, #tpu.memory_space<vmem>> -> memref<128x128xf32, #tpu.memory_space<vmem>>
      %swap3A_346 = arith.index_cast %scan3A_192 : i32 to index
      %swap3A_347 = arith.constant 112 : index
      %swap3A_348 = tpu.vector_load %swap3A_345[%swap3A_346, %swap3A_347] {strides = array<i32>} : memref<128x128xf32, #tpu.memory_space<vmem>>, vector<1x16xf32>,
      %swap3A_349 = vector.shape_cast %swap3A_348 : vector<1x16xf32> to vector<16xf32>
      %swap3A_350 = vector.shape_cast %mul3A_341 : vector<16xf32> to vector<1x16xf32>
      tpu.vector_store %swap3A_345[%swap3A_346, %swap3A_347], %swap3A_350 {strides = array<i32>} : memref<128x128xf32, #tpu.memory_space<vmem>>, vector<1x16xf32>,
    }
    %scan3A_127 = arith.constant 128 : i32
    %dma_start3A_128 = arith.constant 1 : i32
    %dma_start3A_129 = arith.constant 49 : i32
    %dma_start3A_130 = arith.constant 0 : i32
    %dma_start3A_131 = arith.constant 0 : i32
    %dma_start3A_132 = tpu.memref_slice %arg6[%dma_start3A_128, %dma_start3A_130, %dma_start3A_131] : memref<6x128x128xf32, #tpu.memory_space<vmem>> -> memref<1x128x128xf32, #tpu.memory_space<vmem>>
    %dma_start3A_133 = tpu.memref_squeeze %dma_start3A_132 : memref<1x128x128xf32, #tpu.memory_space<vmem>> -> memref<128x128xf32, #tpu.memory_space<vmem>>
    %dma_start3A_134 = arith.constant 0 : i32
    %dma_start3A_135 = tpu.memref_slice %arg4[%dma_start3A_129, %mul3A_2, %dma_start3A_134] : memref<50x4096x128xf32, #tpu.memory_space<hbm>> -> memref<1x128x128xf32, #tpu.memory_space<hbm>>
    %dma_start3A_136 = tpu.memref_squeeze %dma_start3A_135 : memref<1x128x128xf32, #tpu.memory_space<hbm>> -> memref<128x128xf32, #tpu.memory_space<hbm>>
    %dma_start3A_137 = arith.constant 0 : i32
    %dma_start3A_138 = tpu.memref_slice %arg4[%dma_start3A_129, %mul3A_2, %dma_start3A_137] : memref<50x4096x128xf32, #tpu.memory_space<hbm>> -> memref<1x128x128xf32, #tpu.memory_space<hbm>>
    %dma_start3A_139 = tpu.memref_squeeze %dma_start3A_138 : memref<1x128x128xf32, #tpu.memory_space<hbm>> -> memref<128x128xf32, #tpu.memory_space<hbm>>
    %dma_start3A_140 = arith.constant 0 : i32
    %dma_start3A_141 = arith.constant 0 : i32
    %dma_start3A_142 = tpu.memref_slice %arg6[%dma_start3A_128, %dma_start3A_140, %dma_start3A_141] : memref<6x128x128xf32, #tpu.memory_space<vmem>> -> memref<1x128x128xf32, #tpu.memory_space<vmem>>
    %dma_start3A_143 = tpu.memref_squeeze %dma_start3A_142 : memref<1x128x128xf32, #tpu.memory_space<vmem>> -> memref<128x128xf32, #tpu.memory_space<vmem>>
    tpu.enqueue_dma source(%dma_start3A_143 : memref<128x128xf32, #tpu.memory_space<vmem>>) target(%dma_start3A_139 : memref<128x128xf32, #tpu.memory_space<hbm>>) target_semaphore(%arg14 : memref<!tpu.dma_semaphore, #tpu.memory_space<semaphore_mem>>)
    %dma_wait3A_144 = arith.constant 5 : i32
    %dma_wait3A_145 = arith.constant 0 : i32
    %dma_wait3A_146 = arith.constant 0 : i32
    %dma_wait3A_147 = arith.constant 0 : i32
    %dma_wait3A_148 = tpu.memref_slice %arg6[%dma_wait3A_144, %dma_wait3A_146, %dma_wait3A_147] : memref<6x128x128xf32, #tpu.memory_space<vmem>> -> memref<1x128x128xf32, #tpu.memory_space<vmem>>
    %dma_wait3A_149 = tpu.memref_squeeze %dma_wait3A_148 : memref<1x128x128xf32, #tpu.memory_space<vmem>> -> memref<128x128xf32, #tpu.memory_space<vmem>>
    %dma_wait3A_150 = arith.constant 0 : i32
    %dma_wait3A_151 = tpu.memref_slice %arg4[%dma_wait3A_145, %mul3A_2, %dma_wait3A_150] : memref<50x4096x128xf32, #tpu.memory_space<hbm>> -> memref<1x128x128xf32, #tpu.memory_space<hbm>>
    %dma_wait3A_152 = tpu.memref_squeeze %dma_wait3A_151 : memref<1x128x128xf32, #tpu.memory_space<hbm>> -> memref<128x128xf32, #tpu.memory_space<hbm>>
    %dma_wait3A_153 = arith.constant 0 : i32
    %dma_wait3A_154 = tpu.memref_slice %arg4[%dma_wait3A_145, %mul3A_2, %dma_wait3A_153] : memref<50x4096x128xf32, #tpu.memory_space<hbm>> -> memref<1x128x128xf32, #tpu.memory_space<hbm>>
    %dma_wait3A_155 = tpu.memref_squeeze %dma_wait3A_154 : memref<1x128x128xf32, #tpu.memory_space<hbm>> -> memref<128x128xf32, #tpu.memory_space<hbm>>
    %dma_wait3A_156 = arith.constant 0 : i32
    %dma_wait3A_157 = arith.constant 0 : i32
    %dma_wait3A_158 = tpu.memref_slice %arg6[%dma_wait3A_144, %dma_wait3A_156, %dma_wait3A_157] : memref<6x128x128xf32, #tpu.memory_space<vmem>> -> memref<1x128x128xf32, #tpu.memory_space<vmem>>
    %dma_wait3A_159 = tpu.memref_squeeze %dma_wait3A_158 : memref<1x128x128xf32, #tpu.memory_space<vmem>> -> memref<128x128xf32, #tpu.memory_space<vmem>>
    tpu.wait_dma2 semaphore(%arg18 : memref<!tpu.dma_semaphore, #tpu.memory_space<semaphore_mem>>) src(%dma_wait3A_159 : memref<128x128xf32, #tpu.memory_space<vmem>>) dst(%dma_wait3A_155 : memref<128x128xf32, #tpu.memory_space<hbm>>)
    %dma_wait3A_160 = arith.constant 0 : i32
    %dma_wait3A_161 = arith.constant 0 : i32
    %dma_wait3A_162 = arith.constant 0 : i32
    %dma_wait3A_163 = arith.constant 0 : i32
    %dma_wait3A_164 = tpu.memref_slice %arg6[%dma_wait3A_160, %dma_wait3A_162, %dma_wait3A_163] : memref<6x128x128xf32, #tpu.memory_space<vmem>> -> memref<1x128x128xf32, #tpu.memory_space<vmem>>
    %dma_wait3A_165 = tpu.memref_squeeze %dma_wait3A_164 : memref<1x128x128xf32, #tpu.memory_space<vmem>> -> memref<128x128xf32, #tpu.memory_space<vmem>>
    %dma_wait3A_166 = arith.constant 0 : i32
    %dma_wait3A_167 = tpu.memref_slice %arg4[%dma_wait3A_161, %mul3A_2, %dma_wait3A_166] : memref<50x4096x128xf32, #tpu.memory_space<hbm>> -> memref<1x128x128xf32, #tpu.memory_space<hbm>>
    %dma_wait3A_168 = tpu.memref_squeeze %dma_wait3A_167 : memref<1x128x128xf32, #tpu.memory_space<hbm>> -> memref<128x128xf32, #tpu.memory_space<hbm>>
    %dma_wait3A_169 = arith.constant 0 : i32
    %dma_wait3A_170 = tpu.memref_slice %arg4[%dma_wait3A_161, %mul3A_2, %dma_wait3A_169] : memref<50x4096x128xf32, #tpu.memory_space<hbm>> -> memref<1x128x128xf32, #tpu.memory_space<hbm>>
    %dma_wait3A_171 = tpu.memref_squeeze %dma_wait3A_170 : memref<1x128x128xf32, #tpu.memory_space<hbm>> -> memref<128x128xf32, #tpu.memory_space<hbm>>
    %dma_wait3A_172 = arith.constant 0 : i32
    %dma_wait3A_173 = arith.constant 0 : i32
    %dma_wait3A_174 = tpu.memref_slice %arg6[%dma_wait3A_160, %dma_wait3A_172, %dma_wait3A_173] : memref<6x128x128xf32, #tpu.memory_space<vmem>> -> memref<1x128x128xf32, #tpu.memory_space<vmem>>
    %dma_wait3A_175 = tpu.memref_squeeze %dma_wait3A_174 : memref<1x128x128xf32, #tpu.memory_space<vmem>> -> memref<128x128xf32, #tpu.memory_space<vmem>>
    tpu.wait_dma2 semaphore(%arg13 : memref<!tpu.dma_semaphore, #tpu.memory_space<semaphore_mem>>) src(%dma_wait3A_175 : memref<128x128xf32, #tpu.memory_space<vmem>>) dst(%dma_wait3A_171 : memref<128x128xf32, #tpu.memory_space<hbm>>)
    %dma_wait3A_176 = arith.constant 1 : i32
    %dma_wait3A_177 = arith.constant 0 : i32
    %dma_wait3A_178 = arith.constant 0 : i32
    %dma_wait3A_179 = arith.constant 0 : i32
    %dma_wait3A_180 = tpu.memref_slice %arg6[%dma_wait3A_176, %dma_wait3A_178, %dma_wait3A_179] : memref<6x128x128xf32, #tpu.memory_space<vmem>> -> memref<1x128x128xf32, #tpu.memory_space<vmem>>
    %dma_wait3A_181 = tpu.memref_squeeze %dma_wait3A_180 : memref<1x128x128xf32, #tpu.memory_space<vmem>> -> memref<128x128xf32, #tpu.memory_space<vmem>>
    %dma_wait3A_182 = arith.constant 0 : i32
    %dma_wait3A_183 = tpu.memref_slice %arg4[%dma_wait3A_177, %mul3A_2, %dma_wait3A_182] : memref<50x4096x128xf32, #tpu.memory_space<hbm>> -> memref<1x128x128xf32, #tpu.memory_space<hbm>>
    %dma_wait3A_184 = tpu.memref_squeeze %dma_wait3A_183 : memref<1x128x128xf32, #tpu.memory_space<hbm>> -> memref<128x128xf32, #tpu.memory_space<hbm>>
    %dma_wait3A_185 = arith.constant 0 : i32
    %dma_wait3A_186 = tpu.memref_slice %arg4[%dma_wait3A_177, %mul3A_2, %dma_wait3A_185] : memref<50x4096x128xf32, #tpu.memory_space<hbm>> -> memref<1x128x128xf32, #tpu.memory_space<hbm>>
    %dma_wait3A_187 = tpu.memref_squeeze %dma_wait3A_186 : memref<1x128x128xf32, #tpu.memory_space<hbm>> -> memref<128x128xf32, #tpu.memory_space<hbm>>
    %dma_wait3A_188 = arith.constant 0 : i32
    %dma_wait3A_189 = arith.constant 0 : i32
    %dma_wait3A_190 = tpu.memref_slice %arg6[%dma_wait3A_176, %dma_wait3A_188, %dma_wait3A_189] : memref<6x128x128xf32, #tpu.memory_space<vmem>> -> memref<1x128x128xf32, #tpu.memory_space<vmem>>
    %dma_wait3A_191 = tpu.memref_squeeze %dma_wait3A_190 : memref<1x128x128xf32, #tpu.memory_space<vmem>> -> memref<128x128xf32, #tpu.memory_space<vmem>>
    tpu.wait_dma2 semaphore(%arg14 : memref<!tpu.dma_semaphore, #tpu.memory_space<semaphore_mem>>) src(%dma_wait3A_191 : memref<128x128xf32, #tpu.memory_space<vmem>>) dst(%dma_wait3A_187 : memref<128x128xf32, #tpu.memory_space<hbm>>)
    return
  }
}

</mosaic_0001>

<sc_bundles>
// kernel: _embed.3.cloned.1.call-start
scs
__scs_entry_jumppad:
0x0: {  	(pc) =	sbr.rel $0x88, $3  }
0x1: {  	(tag) =	ssettag $0x0;
	lr =	simm.s32 $0x1  }
0x2: {  	[smem:$0x3F9F] =	sst lr;
	_ =	strace $0xD0000000  }
0x3: {  	_ = 	snop  }
0x4: {  	_ = 	snop  }
0x5: {  	_ = 	snop  }
0x6: {  	_ = 	snop  }
0x7: {  	_ = 	snop  }
__scs_overlays_trampoline_lowered:
0x8: {  	[smem:$0x3FAE] =	sst s0  }
0x9: {  	[smem:$0x3FAF] =	sst s1  }
0xa: {  	[smem:$0x3FB0] =	sst s2  }
0xb: {  	[smem:$0x3FB1] =	sst s3  }
0xc: {  	[smem:$0x3FB2] =	sst s4  }
0xd: {  	[smem:$0x3FB3] =	sst s5  }
0xe: {  	[smem:$0x3FB4] =	sst s6  }
0xf: {  	[smem:$0x3FB5] =	sst s7  }
0x10: {  	[smem:$0x3FB6] =	sst s8  }
0x11: {  	[smem:$0x3FB7] =	sst s9;
	s0 =	simm.s32 @!p0 $0x0  }
0x12: {  	s1 =	sld [smem:$0x3F9D];
	s0 =	simm.s32 @p0 $0x1  }
0x13: {  	[smem:$0x3FB8] =	sst s0;
	s0 =	simm.s32 @!p1 $0x0  }
0x14: {  	s2 =	sld [smem:$0x3F9C];
	s0 =	simm.s32 @p1 $0x1  }
0x15: {  	[smem:$0x3FB9] =	sst s0;
	s0 =	simm.s32 @!p2 $0x0  }
0x16: {  	s3 =	sld [smem:$0x3FDB];
	s0 =	simm.s32 @p2 $0x1  }
0x17: {  	s4 =	simm.s32 $0x1BF5;
	[smem:$0x3FBB] =	sst s0  }
0x18: {  	s0 =	sld [smem:$0x3F9E];
	_ =	swait.ge [sflag:s4], $0x0  }
0x19: {  	s7 =	sld [smem:$0x3F9F]  }
0x1a: {  	s8 =	sadd.s32 $0xFFFFE003, lr  }
0x1b: {  	s9 =	sadd.s32 $0xFFFFFEF7, lr;
	s5 =	simm.s32 $0xFFFFFFFF;
	p2 =	slt.u32 s8, $0xFFFFF086  }
0x1c: {  	p1 =	slt.u32 s9, $0xF7A;
	s5 =	simm.s32 @!p2 $0x0  }
0x1d: {  	s5 =	simm.s32 @p1 $0x1;
	p0 =	seq.s32 s7, s2  }
0x1e: {  	s7 =	smul.u32 @!p0 $0xF7A, s2;
	p2 =	seq.s32 @!p0 s5, $0x0  }
0x1f: {  	s9 =	smul.u32 $0xF7A, s1;
	s8 =	simm.s32 @!p0 $0x1BF5;
	p2 =	por !p2, p0  }
0x20: {  	[sflag:s8] =	ssyncset.s32 @!p0 $0xFFFFF086;
	s6 =	sadd.s32 @!p0 s3, s7;
	s7 =	simm.s32 @!p0 $0x108  }
0x21: {  	s3 =	sadd.s32 s3, s9;
	s6 =	sadd.s32 @!p0 $0x88, s6;
	s7 =	simm.s32 @p2 $0x1082  }
0x22: {  	[simem:s7], [sflag:s8] =	dma.local @!p0 [hbm:s6], $0xF7A  }
0x23: {  	s9 =	sor.u32 $0xD0000000, s2;
	s6 =	simm.s32 $0x108;
	_ =	swait.ge @!p0 [sflag:s8], $0x0  }
0x24: {  	s3 =	sadd.s32 $0x88, s3;
	s6 =	simm.s32 @!p1 $0x1082;
	[sflag:s4] =	ssyncset.s32 $0xFFFFF086  }
0x25: {  	[simem:s6], [sflag:s4] =	dma.local [hbm:s3], $0xF7A  }
0x26: {  	[smem:$0x3F9F] =	sst s1;
	(tag) =	ssettag s2;
	_ =	strace s9  }
0x27: {  	s1 =	sld [smem:$0x3FAF]  }
0x28: {  	s2 =	sld [smem:$0x3FB0]  }
0x29: {  	s4 =	sld [smem:$0x3FB2]  }
0x2a: {  	p0 =	seq.s32 s5, $0x0;
	s5 =	sld [smem:$0x3FB3]  }
0x2b: {  	s6 =	sld [smem:$0x3FB4]  }
0x2c: {  	s7 =	sld [smem:$0x3FB5]  }
0x2d: {  	s3 =	simm.s32 $0x108;
	s8 =	sld [smem:$0x3FB6]  }
0x2e: {  	s3 =	simm.s32 @!p0 $0x1082;
	s9 =	sld [smem:$0x3FB7]  }
0x2f: {  	lr =	sadd.s32 s0, s3;
	s0 =	sld [smem:$0x3FAE]  }
0x30: {  	s3 =	sld [smem:$0x3FB1]  }
0x31: {  	[smem:$0x3FBA] =	sst s10  }
0x32: {  	s10 =	sld [smem:$0x3FB8];
	_ =	sdelay $0x3  }
0x33: {  	p0 =	seq.s32 s10, $0x1;
	s10 =	sld [smem:$0x3FBA];
	_ =	sdelay $0x3  }
0x34: {  	[smem:$0x3FBA] =	sst s10  }
0x35: {  	s10 =	sld [smem:$0x3FB9];
	_ =	sdelay $0x3  }
0x36: {  	p1 =	seq.s32 s10, $0x1;
	s10 =	sld [smem:$0x3FBA];
	_ =	sdelay $0x3  }
0x37: {  	[smem:$0x3FBA] =	sst s10  }
0x38: {  	s10 =	sld [smem:$0x3FBB]  }
0x39: {  	_ = 	snop;
	(pc) =	sbr.ind lr, $3  }
0x3a: {  	_ = 	snop  }
0x3b: {  	_ = 	snop  }
0x3c: {  	p2 =	seq.s32 s10, $0x1;
	s10 =	sld [smem:$0x3FBA]  }
0x3d: {  	_ =	shalt  }
0x3e: {  	_ =	shalt  }
0x3f: {  	_ =	shalt  }
0x40: {  	_ =	shalt  }
0x41: {  	_ =	shalt  }
0x42: {  	_ =	shalt  }
0x43: {  	_ =	shalt  }
0x44: {  	_ =	shalt  }
0x45: {  	_ =	shalt  }
0x46: {  	_ =	shalt  }
0x47: {  	_ =	shalt  }
0x48: {  	_ =	shalt  }
0x49: {  	_ =	shalt  }
0x4a: {  	_ =	shalt  }
0x4b: {  	_ =	shalt  }
0x4c: {  	_ =	shalt  }
0x4d: {  	_ =	shalt  }
0x4e: {  	_ =	shalt  }
0x4f: {  	_ =	shalt  }
0x50: {  	_ =	shalt  }
0x51: {  	_ =	shalt  }
0x52: {  	_ =	shalt  }
0x53: {  	_ =	shalt  }
0x54: {  	_ =	shalt  }
0x55: {  	_ =	shalt  }
0x56: {  	_ =	shalt  }
0x57: {  	_ =	shalt  }
0x58: {  	_ =	shalt  }
0x59: {  	_ =	shalt  }
0x5a: {  	_ =	shalt  }
0x5b: {  	_ =	shalt  }
0x5c: {  	_ =	shalt  }
0x5d: {  	_ =	shalt  }
0x5e: {  	_ =	shalt  }
0x5f: {  	_ =	shalt  }
0x60: {  	_ =	shalt  }
0x61: {  	_ =	shalt  }
0x62: {  	_ =	shalt  }
0x63: {  	_ =	shalt  }
0x64: {  	_ =	shalt  }
0x65: {  	_ =	shalt  }
0x66: {  	_ =	shalt  }
0x67: {  	_ =	shalt  }
0x68: {  	_ =	shalt  }
0x69: {  	_ =	shalt  }
0x6a: {  	_ =	shalt  }
0x6b: {  	_ =	shalt  }
0x6c: {  	_ =	shalt  }
0x6d: {  	_ =	shalt  }
0x6e: {  	_ =	shalt  }
0x6f: {  	_ =	shalt  }
0x70: {  	_ =	shalt  }
0x71: {  	_ =	shalt  }
0x72: {  	_ =	shalt  }
0x73: {  	_ =	shalt  }
0x74: {  	_ =	shalt  }
0x75: {  	_ =	shalt  }
0x76: {  	_ =	shalt  }
0x77: {  	_ =	shalt  }
0x78: {  	_ =	shalt  }
0x79: {  	_ =	shalt  }
0x7a: {  	_ =	shalt  }
0x7b: {  	_ =	shalt  }
0x7c: {  	_ =	shalt  }
0x7d: {  	_ =	shalt  }
0x7e: {  	_ =	shalt  }
0x7f: {  	_ =	shalt  }
0x80: {  	_ =	shalt  }
0x81: {  	_ =	shalt  }
0x82: {  	_ =	shalt  }
0x83: {  	_ =	shalt  }
0x84: {  	_ =	shalt  }
0x85: {  	_ =	shalt  }
0x86: {  	_ =	shalt  }
0x87: {  	_ =	shalt  }
.Lfunc_end0:
.L_simem_size_0:
called_computation_lowered:
.L_overlay_start_0:
0x88: {  	s2 =	sld [smem:$0x3FD9]  }
0x89: {  	s3 =	sld [smem:$0x3FFE];
	_ =	sdelay $0x1  }
0x8a: {  	s1 =	srdreg.scid  }
0x8b: {  	s0 =	sand.u32 $0x1, s1  }
0x8c: {  	s18 =	sshll.u32 s0, $0xA;
	s2 =	sadd.s32 s3, s2  }
0x8d: {  	s2 =	sadd.s32 s2, s18  }
0x8e: {  	[smem:$0x3FC6] =	sst s2  }
0x8f: {  	_ = 	snop  }
0x90: {  	s2 =	sld [smem:$0x3FC9]  }
0x91: {  	s19 =	sld [smem:$0x3FC8]  }
0x92: {  	s4 =	sld [smem:$0x3FD0];
	(tm) =	ssettm $0x1  }
0x93: {  	s5 =	sld [smem:$0x3FFB];
	_ =	sdelay $0x3  }
0x94: {  	_ =	strace s5  }
0x95: {  	s5 =	sld [smem:$0x3FFC];
	_ =	sdelay $0x3  }
0x96: {  	_ =	strace s5  }
0x97: {  	s5 =	sld [smem:$0x3FFD];
	_ =	sdelay $0x3  }
0x98: {  	_ =	strace s5  }
0x99: {  	_ =	strace $0x8FFFFFFF  }
0x9a: {  	s20 =	sld [smem:$0x3FDB];
	_ =	sdelay $0x1  }
0x9b: {  	s6 =	simm.s32 $_scs_section_size  }
0x9c: {  	s7 =	simm.s32 $_size__tile_overlayer_lowered;
	s8 =	simm.s32 $_tile_overlayer_lowered  }
0x9d: {  	s23 =	simm.s32 $0x1BFF;
	s22 =	sshll.u32 s8, $0x1;
	s5 =	sadd.s32 s6, s20  }
0x9e: {  	s9 =	simm.s32 $0x0;
	s21 =	sshll.u32 s7, $0x1;
	s7 =	sadd.s32 s22, s5  }
0x9f: {  	[timem:s9], [sflag:s23] =	dma.local [hbm:s7], s21  }
0xa0: {  	_ =	swait.ge [sflag:s23], s21  }
0xa1: {  	s6 =	ssub.s32 $0x0, s21;
	[sflag:s23] =	ssyncset.done $0x0  }
0xa2: {  	[sflag:s23] =	ssyncadd.s32 s6;
	_ =	sdelay $0x1  }
0xa3: {  	s24 =	simm.s32 $0x1B8B  }
0xa4: {  	_ =	swait.ge [sflag:s24], $0x1  }
0xa5: {  	[sflag:s24] =	ssyncset.done $0x0  }
0xa6: {  	s25 =	simm.s32 $0x1B8E;
	[sflag:s24] =	ssyncadd.s32 $0xFFFFFFFF  }
0xa7: {  	s26 =	simm.s32 $execute0_lowered;
	[smem:$0x3FD2] =	sst s25  }
0xa8: {  	s6 =	sshll.u32 s26, $0x1;
	_ =	strace $0x80000046;
	[dreg:$0x1] =	wrdreg $0xFFFFFFFF  }
0xa9: {  	s28 =	simm.s32 $_size_execute0_lowered;
	s5 =	sadd.s32 s5, s6;
	[dreg:$0x0] =	wrdreg $0x0  }
0xaa: {  	s6 =	sshll.u32 s28, $0x1;
	[dreg:$0x2] =	wrdreg s5  }
0xab: {  	[dreg:$0x3] =	wrdreg s6  }
0xac: {  	[dreg:$0x4] =	wrdreg $0xC0  }
0xad: {  	_ =	task [dreg:s9], $0x5FFFF  }
0xae: {  	[dreg:$0x1] =	wrdreg $0xFFFFFFFF  }
0xaf: {  	[dreg:$0x0] =	wrdreg $0x60  }
0xb0: {  	[dreg:$0x2] =	wrdreg s2  }
0xb1: {  	[dreg:$0x3] =	wrdreg s19  }
0xb2: {  	[dreg:$0x4] =	wrdreg s4  }
0xb3: {  	[dreg:$0x5] =	wrdreg $0x9  }
0xb4: {  	_ =	task.clear_ibuf [dreg:s9], $0x6FFFF;
	_ =	strace $0x90000046  }
0xb5: {  	s29 =	simm.s32 $0x9;
	_ =	strace $0x80000048  }
0xb6: {  	_ =	swait.ge [sflag:s29], $0x1  }
0xb7: {  	[sflag:s29] =	ssyncadd.s32 $0xFFFFFFFF  }
0xb8: {  	_ =	strace $0x90000048  }
0xb9: {  	_ =	sfence  }
0xba: {  	s30 =	sld [smem:$0x0];
	_ =	sdelay $0x2  }
0xbb: {  	s31 =	sshll.u32 s1, $0xD;
	s1 =	sshrl.u32 s1, $0x2  }
0xbc: {  	s3 =	sand.u32 $0x4000, s31;
	s1 =	sadd.s32 s1, s30  }
0xbd: {  	s0 =	sor.u32 s3, s0;
	s1 =	sshll.u32 s1, $0x11  }
0xbe: {  	s0 =	sor.u32 s1, s0  }
0xbf: {  	s0 =	sadd.s32 $0x8F2B, s0  }
0xc0: {  	[sflag:s0] =	ssyncadd.remote.s32 $0x1  }
0xc1: {  	_ =	sfence.sel $0xFFFF  }
0xc2: {  	[dreg:$0x0] =	wrdreg $0xFFFFFFFF;
	(pc) =	sbr.abs _section_cstart, $3  }
0xc3: {  	[dreg:$0x1] =	wrdreg $0xFFFFFFFF  }
0xc4: {  	_ =	task.clear_ibuf [dreg:s9], $0x2FFFF;
	_ =	strace $0x9FFFFFFF  }
0xc5: {  	(tm) =	ssettm $0x7FFFFFFF  }
tec
execute0_lowered:
.L_overlay_start_1:
0x0: {  	(tag) =	ssettag $0x1  }
0x1: {  	s0 =	rddreg [dreg:$0x0]  }
0x2: {  	s1 =	rddreg [dreg:$0x1]  }
0x3: {  	s2 =	rddreg [dreg:$0x2];
	s4 =	simm.s32 $0x0;
	s3 =	srdreg.scid  }
0x4: {  	s6 =	stileid.u32;
	s17 =	simm.s32 $0x80;
	s18 =	simm.s32 $0x1C00  }
0x5: {  	s19 =	simm.s32 $0x5C00;
	s21 =	simm.s32 $0x9C00;
	s22 =	simm.s32 $0xDC00  }
0x6: {  	s23 =	simm.s32 $0x1;
	s28 =	simm.s32 $0x3;
	s29 =	simm.s32 $0x7  }
0x7: {  	s30 =	simm.s32 $0x4;
	s31 =	simm.s32 $0x8;
	s13 =	simm.s32 $0x6  }
0x8: {  	[smem:$0x7FF] =	sst s4;
	s3 =	sand.u32 $0x1, s3;
	s6 =	sshll.u32 s6, $0x8  }
0x9: {  	s8 =	sadd.s32 $0x10000, s2;
	s5 =	ssub.s32 $0x2, s3;
	s3 =	sshll.u32 s3, $0x7  }
0xa: {  	_ =	strace $0x80000047;
	s7 =	sshrl.u32 s5, $0x1;
	s3 =	sor.u32 s3, s6  }
0xb: {  	s5 =	ssub.s32 s5, s7;
	s6 =	sadd.s32 s0, s3;
	s24 =	sshll.u32 s3, $0x4  }
0xc: {  	s7 =	sshll.u32 s3, $0x7;
	s3 =	simm.s32 $0x9;
	[dreg:$0x4] =	wrdreg s6  }
0xd: {  	s6 =	sadd.s32 $0x6000, s6;
	s0 =	sadd.s32 s24, s2;
	s9 =	sor.u32 $0x100000, s7  }
0xe: {  	s26 =	smax.u32 s5, $0x1;
	s24 =	simm.s32 $0x11C00;
	[dreg:$0x5] =	wrdreg s6  }
0xf: {  	s25 =	sadd.s32 $0x300000, s0;
	s0 =	sadd.s32 $0x310000, s0;
	[dreg:$0x8] =	wrdreg s26  }
0x10: {  	s26 =	simm.s32 $0x15C00;
	s6 =	simm.s32 $0x0;
	[dreg:$0x6] =	wrdreg s25  }
0x11: {  	[dreg:$0x7] =	wrdreg s0;
	s25 =	simm.s32 $0x2;
	s0 =	simm.s32 $0x5  }
.LBB2_1:
0x12: {  	[dreg:$0x9] =	wrdreg s6  }
0x13: {  	s5 =	rddreg [dreg:$0x4];
	s12 =	simm.s32 $0x400;
	s10 =	simm.s32 $0x8000  }
0x14: {  	[tilespmem:s4], [sflag:$0xD] =	stream.strided.gather [hbm4b:s5+s12], $0x1800, s10, s12, $0x38;
	[tilespmem:$0x19C00] =	vst v63  }
0x15: {  	s14 =	rddreg [dreg:$0x5];
	s15 =	simm.s32 $0x1800;
	s16 =	simm.s32 $0xD  }
0x16: {  	[tilespmem:s15], [sflag:$0xD] =	stream.linear.gather [hbm4b:s14+s4], $0x100, $0x38;
	[tilespmem:$0x19C00] =	vst v63  }
0x17: {  	_ =	swait.ge [sflag:s16], $0x1900  }
0x18: {  	[sflag:s16] =	ssyncset.done $0x0  }
0x19: {  	[sflag:s16] =	ssyncadd.s32 $0xFFFFE700  }
0x1a: {  	[tilespmem:s18], [sflag:$0x1] =	stream.indirect.gather [hbm4b:s1+s17], $0x80, s4, s17, $0xb8;
	[tilespmem:$0x19C00] =	vst v63  }
0x1b: {  	_ = 	snop  }
0x1c: {  	[tilespmem:s19], [sflag:$0x2] =	stream.indirect.gather [hbm4b:s1+s17], $0x80, s17, s17, $0xb8;
	[tilespmem:$0x19C00] =	vst v63  }
0x1d: {  	s20 =	simm.s32 $0x100;
	s10 =	simm.s32 $0x0  }
0x1e: {  	[tilespmem:s21], [sflag:$0x3] =	stream.indirect.gather [hbm4b:s1+s17], $0x80, s20, s17, $0xb8;
	[tilespmem:$0x19C00] =	vst v63  }
.LBB2_2:
0x1f: {  	s11 =	smul.u32 $0x6, s10;
	p0 =	seq.s32 s10, $0x0  }
0x20: {  	s5 =	simm.s32 @!p0 $0xA  }
0x21: {  	_ =	swait.ge @!p0 [sflag:s5], $0x4000;
	s12 =	sadd.s32 $0x3, s11  }
0x22: {  	[sflag:s5] =	ssyncset.done @!p0 $0x0;
	s14 =	sshll.u32 s12, $0x7  }
0x23: {  	[sflag:s5] =	ssyncadd.s32 @!p0 $0xFFFFC000;
	s20 =	sand.u32 $0x3FFFFF80, s14  }
0x24: {  	[tilespmem:s22], [sflag:$0x4] =	stream.indirect.gather [hbm4b:s1+s17], $0x80, s20, s17, $0xb8;
	[tilespmem:$0x19C00] =	vst v63  }
0x25: {  	_ =	swait.ge [sflag:s23], $0x4000  }
0x26: {  	[sflag:s23] =	ssyncset.done $0x0  }
0x27: {  	s5 =	simm.s32 $0x0;
	[sflag:s23] =	ssyncadd.s32 $0xFFFFC000  }
0x28: {  	v2 =	vld [tilespmem:s5+$0x1C00]  }
0x29: {  	v5 =	vld [tilespmem:s5+$0x1C10]  }
0x2a: {  	v4 =	vld [tilespmem:s5+$0x1C20]  }
0x2b: {  	v3 =	vld [tilespmem:s5+$0x1C30]  }
0x2c: {  	v0 =	vld [tilespmem:s5+$0x1C40]  }
0x2d: {  	v1 =	vld [tilespmem:s5+$0x1C50];
	v6 =	vmul.f32 $1.131370830e+01, v2  }
0x2e: {  	s14 =	simm.s32 $0x200;
	v5 =	vmul.f32 $1.131370830e+01, v5;
	v2 =	vld [tilespmem:s5+$0x1C60]  }
.LBB2_3:
0x2f: {  	s15 =	sshra.s32 s14, $0x2;
	p1 =	sne.s32 s14, $0xFE00;
	[tilespmem:s5+$0x1C00] =	vst v6;
	v4 =	vmul.f32 $1.131370830e+01, v4;
	v6 =	vld [tilespmem:s5+$0x1C70]  }
0x30: {  	v7 =	vld [tilespmem:s15+$0x1C00];
	[tilespmem:s5+$0x1C10] =	vst v5;
	v3 =	vmul.f32 $1.131370830e+01, v3  }
0x31: {  	v5 =	vld [tilespmem:s15+$0x1C10];
	[tilespmem:s5+$0x1C20] =	vst v4;
	v0 =	vmul.f32 $1.131370830e+01, v0  }
.Ltmp0:
0x32: {  	v4 =	vld [tilespmem:s15+$0x1C20];
	[tilespmem:s5+$0x1C30] =	vst v3;
	v1 =	vmul.f32 $1.131370830e+01, v1;
	(pc) =	sbr.rel @p1 .LBB2_3-.Ltmp0, $4  }
0x33: {  	v3 =	vld [tilespmem:s15+$0x1C30];
	[tilespmem:s5+$0x1C40] =	vst v0;
	v2 =	vmul.f32 $1.131370830e+01, v2  }
0x34: {  	v0 =	vld [tilespmem:s15+$0x1C40];
	[tilespmem:s5+$0x1C50] =	vst v1;
	v8 =	vmul.f32 $1.131370830e+01, v6  }
0x35: {  	v6 =	vmul.f32 $1.131370830e+01, v7;
	v1 =	vld [tilespmem:s15+$0x1C50];
	[tilespmem:s5+$0x1C60] =	vst v2  }
0x36: {  	s14 =	sadd.s32 $0x200, s14;
	v5 =	vmul.f32 $1.131370830e+01, v5;
	v2 =	vld [tilespmem:s15+$0x1C60];
	[tilespmem:s5+$0x1C70] =	vst v8;
	s5 =	smov.u32 s15  }
0x37: {  	[tilespmem:s5+$0x1C00] =	vst v6;
	v4 =	vmul.f32 $1.131370830e+01, v4;
	v6 =	vld [tilespmem:s5+$0x1C70]  }
0x38: {  	[tilespmem:s5+$0x1C10] =	vst v5;
	v3 =	vmul.f32 $1.131370830e+01, v3  }
0x39: {  	[tilespmem:s5+$0x1C20] =	vst v4;
	v0 =	vmul.f32 $1.131370830e+01, v0  }
0x3a: {  	s16 =	smul.u32 $0x300000, s10;
	[tilespmem:s5+$0x1C30] =	vst v3;
	v1 =	vmul.f32 $1.131370830e+01, v1  }
0x3b: {  	[tilespmem:s5+$0x1C40] =	vst v0;
	v0 =	vmul.f32 $1.131370830e+01, v2  }
0x3c: {  	s14 =	sor.u32 s7, s16;
	[tilespmem:s5+$0x1C50] =	vst v1;
	v1 =	vmul.f32 $1.131370830e+01, v6  }
0x3d: {  	s14 =	sshrl.u32 s14, $0x3;
	[tilespmem:s5+$0x1C60] =	vst v0  }
0x3e: {  	s15 =	sadd.s32 s2, s14;
	[tilespmem:s5+$0x1C70] =	vst v1  }
0x3f: {  	[hbm4b:s15+s4] =	stream.linear.scatter [tilespmem:s18], [sflag:$0x7], $0x4000, $0x38;
	[tilespmem:$0x19C00] =	vst v63  }
0x40: {  	s15 =	simm.s32 @!p0 $0xB  }
0x41: {  	s5 =	sadd.s32 $0x4, s11;
	_ =	swait.ge @!p0 [sflag:s15], $0x4000  }
0x42: {  	s20 =	sshll.u32 s5, $0x7;
	[sflag:s15] =	ssyncset.done @!p0 $0x0  }
0x43: {  	s20 =	sand.u32 $0x3FFFFF80, s20;
	[sflag:s15] =	ssyncadd.s32 @!p0 $0xFFFFC000  }
0x44: {  	[tilespmem:s24], [sflag:$0x5] =	stream.indirect.gather [hbm4b:s1+s17], $0x80, s20, s17, $0xb8;
	[tilespmem:$0x19C00] =	vst v63  }
0x45: {  	_ =	swait.ge [sflag:s25], $0x4000  }
0x46: {  	[sflag:s25] =	ssyncset.done $0x0  }
0x47: {  	s15 =	simm.s32 $0x0;
	[sflag:s25] =	ssyncadd.s32 $0xFFFFC000  }
0x48: {  	v3 =	vld [tilespmem:s15+$0x5C00]  }
0x49: {  	v5 =	vld [tilespmem:s15+$0x5C10]  }
0x4a: {  	v4 =	vld [tilespmem:s15+$0x5C20]  }
0x4b: {  	v2 =	vld [tilespmem:s15+$0x5C30]  }
0x4c: {  	v0 =	vld [tilespmem:s15+$0x5C40]  }
0x4d: {  	v1 =	vld [tilespmem:s15+$0x5C50];
	v6 =	vmul.f32 $1.131370830e+01, v3  }
0x4e: {  	s20 =	simm.s32 $0x200;
	v5 =	vmul.f32 $1.131370830e+01, v5;
	v3 =	vld [tilespmem:s15+$0x5C60]  }
.LBB2_5:
0x4f: {  	s6 =	sshra.s32 s20, $0x2;
	p1 =	sne.s32 s20, $0xFE00;
	[tilespmem:s15+$0x5C00] =	vst v6;
	v4 =	vmul.f32 $1.131370830e+01, v4;
	v6 =	vld [tilespmem:s15+$0x5C70]  }
0x50: {  	v7 =	vld [tilespmem:s6+$0x5C00];
	[tilespmem:s15+$0x5C10] =	vst v5;
	v2 =	vmul.f32 $1.131370830e+01, v2  }
0x51: {  	v5 =	vld [tilespmem:s6+$0x5C10];
	[tilespmem:s15+$0x5C20] =	vst v4;
	v0 =	vmul.f32 $1.131370830e+01, v0  }
.Ltmp1:
0x52: {  	v4 =	vld [tilespmem:s6+$0x5C20];
	[tilespmem:s15+$0x5C30] =	vst v2;
	v1 =	vmul.f32 $1.131370830e+01, v1;
	(pc) =	sbr.rel @p1 .LBB2_5-.Ltmp1, $4  }
0x53: {  	v2 =	vld [tilespmem:s6+$0x5C30];
	[tilespmem:s15+$0x5C40] =	vst v0;
	v3 =	vmul.f32 $1.131370830e+01, v3  }
0x54: {  	v0 =	vld [tilespmem:s6+$0x5C40];
	[tilespmem:s15+$0x5C50] =	vst v1;
	v8 =	vmul.f32 $1.131370830e+01, v6  }
0x55: {  	v6 =	vmul.f32 $1.131370830e+01, v7;
	v1 =	vld [tilespmem:s6+$0x5C50];
	[tilespmem:s15+$0x5C60] =	vst v3  }
0x56: {  	s20 =	sadd.s32 $0x200, s20;
	v5 =	vmul.f32 $1.131370830e+01, v5;
	v3 =	vld [tilespmem:s6+$0x5C60];
	[tilespmem:s15+$0x5C70] =	vst v8;
	s15 =	smov.u32 s6  }
0x57: {  	[tilespmem:s15+$0x5C00] =	vst v6;
	v4 =	vmul.f32 $1.131370830e+01, v4;
	v6 =	vld [tilespmem:s15+$0x5C70]  }
0x58: {  	[tilespmem:s15+$0x5C10] =	vst v5;
	v2 =	vmul.f32 $1.131370830e+01, v2  }
0x59: {  	[tilespmem:s15+$0x5C20] =	vst v4;
	v0 =	vmul.f32 $1.131370830e+01, v0  }
0x5a: {  	[tilespmem:s15+$0x5C30] =	vst v2;
	v1 =	vmul.f32 $1.131370830e+01, v1  }
0x5b: {  	[tilespmem:s15+$0x5C40] =	vst v0;
	v0 =	vmul.f32 $1.131370830e+01, v3  }
0x5c: {  	[tilespmem:s15+$0x5C50] =	vst v1;
	v1 =	vmul.f32 $1.131370830e+01, v6  }
0x5d: {  	[tilespmem:s15+$0x5C60] =	vst v0  }
0x5e: {  	s6 =	sadd.s32 s14, s8;
	[tilespmem:s15+$0x5C70] =	vst v1  }
0x5f: {  	[hbm4b:s6+s4] =	stream.linear.scatter [tilespmem:s19], [sflag:$0x8], $0x4000, $0x38;
	[tilespmem:$0x19C00] =	vst v63  }
0x60: {  	s6 =	simm.s32 @!p0 $0xC  }
0x61: {  	s11 =	sadd.s32 $0x5, s11;
	_ =	swait.ge @!p0 [sflag:s6], $0x4000  }
0x62: {  	s15 =	sshll.u32 s11, $0x7;
	[sflag:s6] =	ssyncset.done @!p0 $0x0  }
0x63: {  	s20 =	sand.u32 $0x3FFFFF80, s15;
	[sflag:s6] =	ssyncadd.s32 @!p0 $0xFFFFC000  }
0x64: {  	[tilespmem:s26], [sflag:$0x6] =	stream.indirect.gather [hbm4b:s1+s17], $0x80, s20, s17, $0xb8;
	[tilespmem:$0x19C00] =	vst v63  }
0x65: {  	_ =	swait.ge [sflag:s28], $0x4000  }
0x66: {  	[sflag:s28] =	ssyncset.done $0x0  }
0x67: {  	s14 =	simm.s32 $0x0;
	[sflag:s28] =	ssyncadd.s32 $0xFFFFC000  }
0x68: {  	v3 =	vld [tilespmem:s14+$0x9C00]  }
0x69: {  	v5 =	vld [tilespmem:s14+$0x9C10]  }
0x6a: {  	v4 =	vld [tilespmem:s14+$0x9C20]  }
0x6b: {  	v2 =	vld [tilespmem:s14+$0x9C30]  }
0x6c: {  	v0 =	vld [tilespmem:s14+$0x9C40]  }
0x6d: {  	v1 =	vld [tilespmem:s14+$0x9C50];
	v6 =	vmul.f32 $1.131370830e+01, v3  }
0x6e: {  	s15 =	simm.s32 $0x200;
	v5 =	vmul.f32 $1.131370830e+01, v5;
	v3 =	vld [tilespmem:s14+$0x9C60]  }
.LBB2_7:
0x6f: {  	s6 =	sshra.s32 s15, $0x2;
	p0 =	sne.s32 s15, $0xFE00;
	[tilespmem:s14+$0x9C00] =	vst v6;
	v4 =	vmul.f32 $1.131370830e+01, v4;
	v6 =	vld [tilespmem:s14+$0x9C70]  }
0x70: {  	v7 =	vld [tilespmem:s6+$0x9C00];
	[tilespmem:s14+$0x9C10] =	vst v5;
	v2 =	vmul.f32 $1.131370830e+01, v2  }
0x71: {  	v5 =	vld [tilespmem:s6+$0x9C10];
	[tilespmem:s14+$0x9C20] =	vst v4;
	v0 =	vmul.f32 $1.131370830e+01, v0  }
.Ltmp2:
0x72: {  	v4 =	vld [tilespmem:s6+$0x9C20];
	[tilespmem:s14+$0x9C30] =	vst v2;
	v1 =	vmul.f32 $1.131370830e+01, v1;
	(pc) =	sbr.rel @p0 .LBB2_7-.Ltmp2, $4  }
0x73: {  	v2 =	vld [tilespmem:s6+$0x9C30];
	[tilespmem:s14+$0x9C40] =	vst v0;
	v3 =	vmul.f32 $1.131370830e+01, v3  }
0x74: {  	v0 =	vld [tilespmem:s6+$0x9C40];
	[tilespmem:s14+$0x9C50] =	vst v1;
	v8 =	vmul.f32 $1.131370830e+01, v6  }
0x75: {  	v6 =	vmul.f32 $1.131370830e+01, v7;
	v1 =	vld [tilespmem:s6+$0x9C50];
	[tilespmem:s14+$0x9C60] =	vst v3  }
0x76: {  	s15 =	sadd.s32 $0x200, s15;
	v5 =	vmul.f32 $1.131370830e+01, v5;
	v3 =	vld [tilespmem:s6+$0x9C60];
	[tilespmem:s14+$0x9C70] =	vst v8;
	s14 =	smov.u32 s6  }
0x77: {  	[tilespmem:s14+$0x9C00] =	vst v6;
	v4 =	vmul.f32 $1.131370830e+01, v4;
	v6 =	vld [tilespmem:s14+$0x9C70]  }
0x78: {  	[tilespmem:s14+$0x9C10] =	vst v5;
	v2 =	vmul.f32 $1.131370830e+01, v2  }
0x79: {  	[tilespmem:s14+$0x9C20] =	vst v4;
	v0 =	vmul.f32 $1.131370830e+01, v0  }
0x7a: {  	[tilespmem:s14+$0x9C30] =	vst v2;
	v1 =	vmul.f32 $1.131370830e+01, v1  }
0x7b: {  	[tilespmem:s14+$0x9C40] =	vst v0;
	v0 =	vmul.f32 $1.131370830e+01, v3  }
0x7c: {  	s6 =	sadd.s32 s9, s16;
	[tilespmem:s14+$0x9C50] =	vst v1;
	v1 =	vmul.f32 $1.131370830e+01, v6  }
0x7d: {  	s6 =	sshrl.u32 s6, $0x3;
	[tilespmem:s14+$0x9C60] =	vst v0  }
0x7e: {  	s16 =	simm.s32 $0x0;
	s20 =	smul.u32 $0xC00, s10;
	s6 =	sadd.s32 s2, s6;
	[tilespmem:s14+$0x9C70] =	vst v1  }
0x7f: {  	[hbm4b:s6+s16] =	stream.linear.scatter [tilespmem:s21], [sflag:$0x9], $0x4000, $0x38;
	[tilespmem:$0x19C00] =	vst v63  }
0x80: {  	_ =	swait.ge [sflag:s29], $0x4000  }
0x81: {  	s16 =	sshra.s32 s20, $0x2;
	[sflag:s29] =	ssyncset.done $0x0  }
0x82: {  	s6 =	sadd.s32 $0x300, s16;
	[sflag:s29] =	ssyncadd.s32 $0xFFFFC000  }
0x83: {  	[tilespmem:s18], [sflag:$0x1] =	stream.indirect.gather [hbm4b:s1+s17], $0x80, s6, s17, $0xb8;
	[tilespmem:$0x19C00] =	vst v63  }
0x84: {  	_ =	swait.ge [sflag:s30], $0x4000  }
0x85: {  	[sflag:s30] =	ssyncset.done $0x0  }
0x86: {  	s14 =	simm.s32 $0x0;
	[sflag:s30] =	ssyncadd.s32 $0xFFFFC000  }
0x87: {  	v3 =	vld [tilespmem:s14+$0xDC00]  }
0x88: {  	v5 =	vld [tilespmem:s14+$0xDC10]  }
0x89: {  	v4 =	vld [tilespmem:s14+$0xDC20]  }
0x8a: {  	v2 =	vld [tilespmem:s14+$0xDC30]  }
0x8b: {  	v0 =	vld [tilespmem:s14+$0xDC40]  }
0x8c: {  	v1 =	vld [tilespmem:s14+$0xDC50];
	v6 =	vmul.f32 $1.131370830e+01, v3  }
0x8d: {  	s15 =	simm.s32 $0x200;
	v5 =	vmul.f32 $1.131370830e+01, v5;
	v3 =	vld [tilespmem:s14+$0xDC60]  }
.LBB2_9:
0x8e: {  	s6 =	sshra.s32 s15, $0x2;
	p0 =	sne.s32 s15, $0xFE00;
	[tilespmem:s14+$0xDC00] =	vst v6;
	v4 =	vmul.f32 $1.131370830e+01, v4;
	v6 =	vld [tilespmem:s14+$0xDC70]  }
0x8f: {  	v7 =	vld [tilespmem:s6+$0xDC00];
	[tilespmem:s14+$0xDC10] =	vst v5;
	v2 =	vmul.f32 $1.131370830e+01, v2  }
0x90: {  	v5 =	vld [tilespmem:s6+$0xDC10];
	[tilespmem:s14+$0xDC20] =	vst v4;
	v0 =	vmul.f32 $1.131370830e+01, v0  }
.Ltmp3:
0x91: {  	v4 =	vld [tilespmem:s6+$0xDC20];
	[tilespmem:s14+$0xDC30] =	vst v2;
	v1 =	vmul.f32 $1.131370830e+01, v1;
	(pc) =	sbr.rel @p0 .LBB2_9-.Ltmp3, $4  }
0x92: {  	v2 =	vld [tilespmem:s6+$0xDC30];
	[tilespmem:s14+$0xDC40] =	vst v0;
	v3 =	vmul.f32 $1.131370830e+01, v3  }
0x93: {  	v0 =	vld [tilespmem:s6+$0xDC40];
	[tilespmem:s14+$0xDC50] =	vst v1;
	v8 =	vmul.f32 $1.131370830e+01, v6  }
0x94: {  	v6 =	vmul.f32 $1.131370830e+01, v7;
	v1 =	vld [tilespmem:s6+$0xDC50];
	[tilespmem:s14+$0xDC60] =	vst v3  }
0x95: {  	s15 =	sadd.s32 $0x200, s15;
	v5 =	vmul.f32 $1.131370830e+01, v5;
	v3 =	vld [tilespmem:s6+$0xDC60];
	[tilespmem:s14+$0xDC70] =	vst v8;
	s14 =	smov.u32 s6  }
0x96: {  	[tilespmem:s14+$0xDC00] =	vst v6;
	v4 =	vmul.f32 $1.131370830e+01, v4;
	v6 =	vld [tilespmem:s14+$0xDC70]  }
0x97: {  	[tilespmem:s14+$0xDC10] =	vst v5;
	v2 =	vmul.f32 $1.131370830e+01, v2  }
0x98: {  	[tilespmem:s14+$0xDC20] =	vst v4;
	v0 =	vmul.f32 $1.131370830e+01, v0  }
0x99: {  	[tilespmem:s14+$0xDC30] =	vst v2;
	v1 =	vmul.f32 $1.131370830e+01, v1  }
0x9a: {  	s6 =	sshll.u32 s12, $0x13;
	[tilespmem:s14+$0xDC40] =	vst v0;
	v0 =	vmul.f32 $1.131370830e+01, v3  }
0x9b: {  	s6 =	sor.u32 s7, s6;
	[tilespmem:s14+$0xDC50] =	vst v1;
	v1 =	vmul.f32 $1.131370830e+01, v6  }
0x9c: {  	s6 =	sshrl.u32 s6, $0x3;
	[tilespmem:s14+$0xDC60] =	vst v0  }
0x9d: {  	s15 =	simm.s32 $0x0;
	s6 =	sadd.s32 s2, s6;
	[tilespmem:s14+$0xDC70] =	vst v1  }
0x9e: {  	[hbm4b:s6+s15] =	stream.linear.scatter [tilespmem:s22], [sflag:$0xA], $0x4000, $0x38;
	[tilespmem:$0x19C00] =	vst v63  }
0x9f: {  	_ =	swait.ge [sflag:s31], $0x4000  }
0xa0: {  	[sflag:s31] =	ssyncset.done $0x0  }
0xa1: {  	s20 =	sadd.s32 $0x380, s16;
	[sflag:s31] =	ssyncadd.s32 $0xFFFFC000  }
0xa2: {  	[tilespmem:s19], [sflag:$0x2] =	stream.indirect.gather [hbm4b:s1+s17], $0x80, s20, s17, $0xb8;
	[tilespmem:$0x19C00] =	vst v63  }
0xa3: {  	_ =	swait.ge [sflag:s0], $0x4000  }
0xa4: {  	[sflag:s0] =	ssyncset.done $0x0  }
0xa5: {  	s12 =	simm.s32 $0x0;
	[sflag:s0] =	ssyncadd.s32 $0xFFFFC000  }
0xa6: {  	v3 =	vld [tilespmem:s12+$0x11C00]  }
0xa7: {  	v5 =	vld [tilespmem:s12+$0x11C10]  }
0xa8: {  	v4 =	vld [tilespmem:s12+$0x11C20]  }
0xa9: {  	v2 =	vld [tilespmem:s12+$0x11C30]  }
0xaa: {  	v0 =	vld [tilespmem:s12+$0x11C40]  }
0xab: {  	v1 =	vld [tilespmem:s12+$0x11C50];
	v6 =	vmul.f32 $1.131370830e+01, v3  }
0xac: {  	s14 =	simm.s32 $0x200;
	v5 =	vmul.f32 $1.131370830e+01, v5;
	v3 =	vld [tilespmem:s12+$0x11C60]  }
.LBB2_11:
0xad: {  	s6 =	sshra.s32 s14, $0x2;
	p0 =	sne.s32 s14, $0xFE00;
	[tilespmem:s12+$0x11C00] =	vst v6;
	v4 =	vmul.f32 $1.131370830e+01, v4;
	v6 =	vld [tilespmem:s12+$0x11C70]  }
0xae: {  	v7 =	vld [tilespmem:s6+$0x11C00];
	[tilespmem:s12+$0x11C10] =	vst v5;
	v2 =	vmul.f32 $1.131370830e+01, v2  }
0xaf: {  	v5 =	vld [tilespmem:s6+$0x11C10];
	[tilespmem:s12+$0x11C20] =	vst v4;
	v0 =	vmul.f32 $1.131370830e+01, v0  }
.Ltmp4:
0xb0: {  	v4 =	vld [tilespmem:s6+$0x11C20];
	[tilespmem:s12+$0x11C30] =	vst v2;
	v1 =	vmul.f32 $1.131370830e+01, v1;
	(pc) =	sbr.rel @p0 .LBB2_11-.Ltmp4, $4  }
0xb1: {  	v2 =	vld [tilespmem:s6+$0x11C30];
	[tilespmem:s12+$0x11C40] =	vst v0;
	v3 =	vmul.f32 $1.131370830e+01, v3  }
0xb2: {  	v0 =	vld [tilespmem:s6+$0x11C40];
	[tilespmem:s12+$0x11C50] =	vst v1;
	v8 =	vmul.f32 $1.131370830e+01, v6  }
0xb3: {  	v6 =	vmul.f32 $1.131370830e+01, v7;
	v1 =	vld [tilespmem:s6+$0x11C50];
	[tilespmem:s12+$0x11C60] =	vst v3  }
0xb4: {  	s14 =	sadd.s32 $0x200, s14;
	v5 =	vmul.f32 $1.131370830e+01, v5;
	v3 =	vld [tilespmem:s6+$0x11C60];
	[tilespmem:s12+$0x11C70] =	vst v8;
	s12 =	smov.u32 s6  }
0xb5: {  	[tilespmem:s12+$0x11C00] =	vst v6;
	v4 =	vmul.f32 $1.131370830e+01, v4;
	v6 =	vld [tilespmem:s12+$0x11C70]  }
0xb6: {  	[tilespmem:s12+$0x11C10] =	vst v5;
	v2 =	vmul.f32 $1.131370830e+01, v2  }
0xb7: {  	[tilespmem:s12+$0x11C20] =	vst v4;
	v0 =	vmul.f32 $1.131370830e+01, v0  }
0xb8: {  	[tilespmem:s12+$0x11C30] =	vst v2;
	v1 =	vmul.f32 $1.131370830e+01, v1  }
0xb9: {  	s5 =	sshll.u32 s5, $0x13;
	[tilespmem:s12+$0x11C40] =	vst v0;
	v0 =	vmul.f32 $1.131370830e+01, v3  }
0xba: {  	s5 =	sor.u32 s7, s5;
	[tilespmem:s12+$0x11C50] =	vst v1;
	v1 =	vmul.f32 $1.131370830e+01, v6  }
0xbb: {  	s5 =	sshrl.u32 s5, $0x3;
	[tilespmem:s12+$0x11C60] =	vst v0  }
0xbc: {  	s5 =	sadd.s32 s2, s5;
	[tilespmem:s12+$0x11C70] =	vst v1  }
0xbd: {  	[hbm4b:s5+s4] =	stream.linear.scatter [tilespmem:s24], [sflag:$0xB], $0x4000, $0x38;
	[tilespmem:$0x19C00] =	vst v63  }
0xbe: {  	p0 =	seq.s32 s10, $0x7;
	_ =	swait.ge [sflag:s3], $0x4000  }
0xbf: {  	s6 =	simm.s32 @!p0 $0x80;
	[sflag:s3] =	ssyncset.done $0x0  }
0xc0: {  	s12 =	simm.s32 @!p0 $0x9C00;
	s5 =	sadd.s32 @!p0 $0x400, s16;
	[sflag:s3] =	ssyncadd.s32 $0xFFFFC000  }
0xc1: {  	[tilespmem:s12], [sflag:$0x3] =	stream.indirect.gather @!p0 [hbm4b:s1+s6], $0x80, s5, s6, $0xb8;
	[tilespmem:$0x19C00] =	vst v63  }
0xc2: {  	_ =	swait.ge [sflag:s13], $0x4000  }
0xc3: {  	[sflag:s13] =	ssyncset.done $0x0  }
0xc4: {  	s5 =	simm.s32 $0x0;
	[sflag:s13] =	ssyncadd.s32 $0xFFFFC000  }
0xc5: {  	v3 =	vld [tilespmem:s5+$0x15C00]  }
0xc6: {  	v5 =	vld [tilespmem:s5+$0x15C10]  }
0xc7: {  	v4 =	vld [tilespmem:s5+$0x15C20]  }
0xc8: {  	v2 =	vld [tilespmem:s5+$0x15C30]  }
0xc9: {  	v0 =	vld [tilespmem:s5+$0x15C40]  }
0xca: {  	v1 =	vld [tilespmem:s5+$0x15C50];
	v6 =	vmul.f32 $1.131370830e+01, v3  }
0xcb: {  	s12 =	simm.s32 $0x200;
	v5 =	vmul.f32 $1.131370830e+01, v5;
	v3 =	vld [tilespmem:s5+$0x15C60]  }
.LBB2_13:
0xcc: {  	s6 =	sshra.s32 s12, $0x2;
	p0 =	sne.s32 s12, $0xFE00;
	[tilespmem:s5+$0x15C00] =	vst v6;
	v4 =	vmul.f32 $1.131370830e+01, v4;
	v6 =	vld [tilespmem:s5+$0x15C70]  }
0xcd: {  	v7 =	vld [tilespmem:s6+$0x15C00];
	[tilespmem:s5+$0x15C10] =	vst v5;
	v2 =	vmul.f32 $1.131370830e+01, v2  }
0xce: {  	v5 =	vld [tilespmem:s6+$0x15C10];
	[tilespmem:s5+$0x15C20] =	vst v4;
	v0 =	vmul.f32 $1.131370830e+01, v0  }
.Ltmp5:
0xcf: {  	v4 =	vld [tilespmem:s6+$0x15C20];
	[tilespmem:s5+$0x15C30] =	vst v2;
	v1 =	vmul.f32 $1.131370830e+01, v1;
	(pc) =	sbr.rel @p0 .LBB2_13-.Ltmp5, $4  }
0xd0: {  	v2 =	vld [tilespmem:s6+$0x15C30];
	[tilespmem:s5+$0x15C40] =	vst v0;
	v3 =	vmul.f32 $1.131370830e+01, v3  }
0xd1: {  	v0 =	vld [tilespmem:s6+$0x15C40];
	[tilespmem:s5+$0x15C50] =	vst v1;
	v8 =	vmul.f32 $1.131370830e+01, v6  }
0xd2: {  	v6 =	vmul.f32 $1.131370830e+01, v7;
	v1 =	vld [tilespmem:s6+$0x15C50];
	[tilespmem:s5+$0x15C60] =	vst v3  }
0xd3: {  	s12 =	sadd.s32 $0x200, s12;
	v5 =	vmul.f32 $1.131370830e+01, v5;
	v3 =	vld [tilespmem:s6+$0x15C60];
	[tilespmem:s5+$0x15C70] =	vst v8;
	s5 =	smov.u32 s6  }
0xd4: {  	[tilespmem:s5+$0x15C00] =	vst v6;
	v4 =	vmul.f32 $1.131370830e+01, v4;
	v61 =	vld [tilespmem:s5+$0x15C70]  }
0xd5: {  	[tilespmem:s5+$0x15C10] =	vst v5;
	v2 =	vmul.f32 $1.131370830e+01, v2  }
0xd6: {  	s10 =	sadd.s32 $0x1, s10;
	[tilespmem:s5+$0x15C20] =	vst v4;
	v0 =	vmul.f32 $1.131370830e+01, v0  }
0xd7: {  	p0 =	sne.s32 s10, $0x8;
	[tilespmem:s5+$0x15C30] =	vst v2;
	v1 =	vmul.f32 $1.131370830e+01, v1  }
.Ltmp6:
0xd8: {  	s6 =	sshll.u32 s11, $0x13;
	[tilespmem:s5+$0x15C40] =	vst v0;
	v62 =	vmul.f32 $1.131370830e+01, v3;
	(pc) =	sbr.rel @p0 .LBB2_2-.Ltmp6, $4  }
0xd9: {  	s6 =	sor.u32 s7, s6;
	[tilespmem:s5+$0x15C50] =	vst v1;
	v63 =	vmul.f32 $1.131370830e+01, v61  }
0xda: {  	s6 =	sshrl.u32 s6, $0x3;
	[tilespmem:s5+$0x15C60] =	vst v62  }
0xdb: {  	s20 =	sadd.s32 s2, s6;
	[tilespmem:s5+$0x15C70] =	vst v63  }
0xdc: {  	[hbm4b:s20+s4] =	stream.linear.scatter [tilespmem:s26], [sflag:$0xC], $0x4000, $0x38;
	[tilespmem:$0x19C00] =	vst v63  }
0xdd: {  	s5 =	simm.s32 $0xA  }
0xde: {  	_ =	swait.ge [sflag:s5], $0x4000  }
0xdf: {  	[sflag:s5] =	ssyncset.done $0x0  }
0xe0: {  	[sflag:s5] =	ssyncadd.s32 $0xFFFFC000  }
0xe1: {  	_ =	swait.ge [sflag:s23], $0x4000  }
0xe2: {  	[sflag:s23] =	ssyncset.done $0x0  }
0xe3: {  	s5 =	simm.s32 $0x0;
	[sflag:s23] =	ssyncadd.s32 $0xFFFFC000  }
0xe4: {  	v3 =	vld [tilespmem:s5+$0x1C00]  }
0xe5: {  	v5 =	vld [tilespmem:s5+$0x1C10]  }
0xe6: {  	v4 =	vld [tilespmem:s5+$0x1C20]  }
0xe7: {  	v2 =	vld [tilespmem:s5+$0x1C30]  }
0xe8: {  	v0 =	vld [tilespmem:s5+$0x1C40]  }
0xe9: {  	v1 =	vld [tilespmem:s5+$0x1C50];
	v6 =	vmul.f32 $1.131370830e+01, v3  }
0xea: {  	s10 =	simm.s32 $0x200;
	v5 =	vmul.f32 $1.131370830e+01, v5;
	v3 =	vld [tilespmem:s5+$0x1C60]  }
.LBB2_16:
0xeb: {  	s6 =	sshra.s32 s10, $0x2;
	p0 =	sne.s32 s10, $0xFE00;
	[tilespmem:s5+$0x1C00] =	vst v6;
	v4 =	vmul.f32 $1.131370830e+01, v4;
	v6 =	vld [tilespmem:s5+$0x1C70]  }
0xec: {  	v7 =	vld [tilespmem:s6+$0x1C00];
	[tilespmem:s5+$0x1C10] =	vst v5;
	v2 =	vmul.f32 $1.131370830e+01, v2  }
0xed: {  	v5 =	vld [tilespmem:s6+$0x1C10];
	[tilespmem:s5+$0x1C20] =	vst v4;
	v0 =	vmul.f32 $1.131370830e+01, v0  }
.Ltmp7:
0xee: {  	v4 =	vld [tilespmem:s6+$0x1C20];
	[tilespmem:s5+$0x1C30] =	vst v2;
	v1 =	vmul.f32 $1.131370830e+01, v1;
	(pc) =	sbr.rel @p0 .LBB2_16-.Ltmp7, $4  }
0xef: {  	v2 =	vld [tilespmem:s6+$0x1C30];
	[tilespmem:s5+$0x1C40] =	vst v0;
	v3 =	vmul.f32 $1.131370830e+01, v3  }
0xf0: {  	v0 =	vld [tilespmem:s6+$0x1C40];
	[tilespmem:s5+$0x1C50] =	vst v1;
	v8 =	vmul.f32 $1.131370830e+01, v6  }
0xf1: {  	v6 =	vmul.f32 $1.131370830e+01, v7;
	v1 =	vld [tilespmem:s6+$0x1C50];
	[tilespmem:s5+$0x1C60] =	vst v3  }
0xf2: {  	s10 =	sadd.s32 $0x200, s10;
	v5 =	vmul.f32 $1.131370830e+01, v5;
	v3 =	vld [tilespmem:s6+$0x1C60];
	[tilespmem:s5+$0x1C70] =	vst v8;
	s5 =	smov.u32 s6  }
0xf3: {  	[tilespmem:s5+$0x1C00] =	vst v6;
	v4 =	vmul.f32 $1.131370830e+01, v4;
	v6 =	vld [tilespmem:s5+$0x1C70]  }
0xf4: {  	[tilespmem:s5+$0x1C10] =	vst v5;
	v2 =	vmul.f32 $1.131370830e+01, v2  }
0xf5: {  	[tilespmem:s5+$0x1C20] =	vst v4;
	v0 =	vmul.f32 $1.131370830e+01, v0  }
0xf6: {  	[tilespmem:s5+$0x1C30] =	vst v2;
	v1 =	vmul.f32 $1.131370830e+01, v1  }
0xf7: {  	[tilespmem:s5+$0x1C40] =	vst v0;
	v0 =	vmul.f32 $1.131370830e+01, v3  }
0xf8: {  	[tilespmem:s5+$0x1C50] =	vst v1;
	v1 =	vmul.f32 $1.131370830e+01, v6  }
0xf9: {  	[tilespmem:s5+$0x1C60] =	vst v0  }
0xfa: {  	s16 =	simm.s32 $0x0;
	s6 =	rddreg [dreg:$0x6];
	s20 =	simm.s32 $0xB;
	[tilespmem:s5+$0x1C70] =	vst v1  }
0xfb: {  	[hbm4b:s6+s16] =	stream.linear.scatter [tilespmem:s18], [sflag:$0x7], $0x4000, $0x38;
	[tilespmem:$0x19C00] =	vst v63  }
0xfc: {  	_ =	swait.ge [sflag:s20], $0x4000  }
0xfd: {  	[sflag:s20] =	ssyncset.done $0x0  }
0xfe: {  	[sflag:s20] =	ssyncadd.s32 $0xFFFFC000  }
0xff: {  	_ =	swait.ge [sflag:s25], $0x4000  }
0x100: {  	[sflag:s25] =	ssyncset.done $0x0  }
0x101: {  	s5 =	simm.s32 $0x0;
	[sflag:s25] =	ssyncadd.s32 $0xFFFFC000  }
0x102: {  	v3 =	vld [tilespmem:s5+$0x5C00]  }
0x103: {  	v5 =	vld [tilespmem:s5+$0x5C10]  }
0x104: {  	v4 =	vld [tilespmem:s5+$0x5C20]  }
0x105: {  	v2 =	vld [tilespmem:s5+$0x5C30]  }
0x106: {  	v0 =	vld [tilespmem:s5+$0x5C40]  }
0x107: {  	v1 =	vld [tilespmem:s5+$0x5C50];
	v6 =	vmul.f32 $1.131370830e+01, v3  }
0x108: {  	s10 =	simm.s32 $0x200;
	v5 =	vmul.f32 $1.131370830e+01, v5;
	v3 =	vld [tilespmem:s5+$0x5C60]  }
.LBB2_18:
0x109: {  	s6 =	sshra.s32 s10, $0x2;
	p0 =	sne.s32 s10, $0xFE00;
	[tilespmem:s5+$0x5C00] =	vst v6;
	v4 =	vmul.f32 $1.131370830e+01, v4;
	v6 =	vld [tilespmem:s5+$0x5C70]  }
0x10a: {  	v7 =	vld [tilespmem:s6+$0x5C00];
	[tilespmem:s5+$0x5C10] =	vst v5;
	v2 =	vmul.f32 $1.131370830e+01, v2  }
0x10b: {  	v5 =	vld [tilespmem:s6+$0x5C10];
	[tilespmem:s5+$0x5C20] =	vst v4;
	v0 =	vmul.f32 $1.131370830e+01, v0  }
.Ltmp8:
0x10c: {  	v4 =	vld [tilespmem:s6+$0x5C20];
	[tilespmem:s5+$0x5C30] =	vst v2;
	v1 =	vmul.f32 $1.131370830e+01, v1;
	(pc) =	sbr.rel @p0 .LBB2_18-.Ltmp8, $4  }
0x10d: {  	v2 =	vld [tilespmem:s6+$0x5C30];
	[tilespmem:s5+$0x5C40] =	vst v0;
	v3 =	vmul.f32 $1.131370830e+01, v3  }
0x10e: {  	v0 =	vld [tilespmem:s6+$0x5C40];
	[tilespmem:s5+$0x5C50] =	vst v1;
	v8 =	vmul.f32 $1.131370830e+01, v6  }
0x10f: {  	v6 =	vmul.f32 $1.131370830e+01, v7;
	v1 =	vld [tilespmem:s6+$0x5C50];
	[tilespmem:s5+$0x5C60] =	vst v3  }
0x110: {  	s10 =	sadd.s32 $0x200, s10;
	v5 =	vmul.f32 $1.131370830e+01, v5;
	v3 =	vld [tilespmem:s6+$0x5C60];
	[tilespmem:s5+$0x5C70] =	vst v8;
	s5 =	smov.u32 s6  }
0x111: {  	[tilespmem:s5+$0x5C00] =	vst v6;
	v4 =	vmul.f32 $1.131370830e+01, v4;
	v61 =	vld [tilespmem:s5+$0x5C70]  }
0x112: {  	[tilespmem:s5+$0x5C10] =	vst v5;
	v2 =	vmul.f32 $1.131370830e+01, v2  }
0x113: {  	[tilespmem:s5+$0x5C20] =	vst v4;
	v0 =	vmul.f32 $1.131370830e+01, v0  }
0x114: {  	[tilespmem:s5+$0x5C30] =	vst v2;
	v1 =	vmul.f32 $1.131370830e+01, v1  }
0x115: {  	[tilespmem:s5+$0x5C40] =	vst v0;
	v62 =	vmul.f32 $1.131370830e+01, v3  }
0x116: {  	[tilespmem:s5+$0x5C50] =	vst v1;
	v63 =	vmul.f32 $1.131370830e+01, v61  }
0x117: {  	[tilespmem:s5+$0x5C60] =	vst v62  }
0x118: {  	s15 =	rddreg [dreg:$0x7];
	s16 =	simm.s32 $0xC;
	[tilespmem:s5+$0x5C70] =	vst v63  }
0x119: {  	[hbm4b:s15+s4] =	stream.linear.scatter [tilespmem:s19], [sflag:$0x8], $0x4000, $0x38;
	[tilespmem:$0x19C00] =	vst v63  }
0x11a: {  	_ =	swait.ge [sflag:s16], $0x4000  }
0x11b: {  	[sflag:s16] =	ssyncset.done $0x0  }
0x11c: {  	[sflag:s16] =	ssyncadd.s32 $0xFFFFC000  }
0x11d: {  	_ =	swait.ge [sflag:s29], $0x4000  }
0x11e: {  	[sflag:s29] =	ssyncset.done $0x0  }
0x11f: {  	[sflag:s29] =	ssyncadd.s32 $0xFFFFC000  }
0x120: {  	_ =	swait.ge [sflag:s31], $0x4000  }
0x121: {  	s6 =	rddreg [dreg:$0x9]  }
0x122: {  	s20 =	rddreg [dreg:$0x8];
	s6 =	sadd.s32 $0x1, s6  }
0x123: {  	p0 =	sne.s32 s6, s20  }
.Ltmp9:
0x124: {  	_ = 	snop;
	(pc) =	sbr.rel @p0 .LBB2_1-.Ltmp9, $3  }
0x125: {  	_ =	sdelay $0x1  }
0x126: {  	[sflag:s31] =	ssyncset.done $0x0  }
0x127: {  	[sflag:s31] =	ssyncadd.s32 $0xFFFFC000  }
0x128: {  	_ =	sfence.sel $0x180000  }
0x129: {  	[bflag:$0x0] =	sbarrier.arrive $0xFFFF  }
0x12a: {  	_ =	strace $0x90000047  }
0x12b: {  	s0 =	stileid.u32;
	[bflag:$0x2] =	sbarrier.arrive $0xFFFF  }
0x12c: {  	p0 =	sne.s32 s0, $0x0;
	s0 =	rddreg [dreg:$0x3]  }
0x12d: {  	s0 =	sadd.s32 @!p0 $0x100000, s0  }
0x12e: {  	[sflag:s0] =	ssyncadd.tile.s32 @!p0 $0x1;
	_ =	shalt  }
.Lfunc_end2:
_tile_overlayer_lowered:
.L_overlay_start_2:
0x12f: {  	(tag) =	ssettag $0x2  }
0x130: {  	s0 =	rddreg [dreg:$0x0];
	s2 =	stileid.u32  }
0x131: {  	s1 =	rddreg [dreg:$0x1];
	p0 =	sne.s32 s2, $0x0  }
0x132: {  	s3 =	rddreg [dreg:$0x2];
	[bflag:$0x3] =	sbarrier.arrive $0xFFFF;
	s2 =	simm.s32 @!p0 $0x1C0D  }
0x133: {  	[timem:s3], [sflag:s2] =	dma.local @!p0 [hbm:s0], s1  }
0x134: {  	s0 =	simm.s32 @!p0 $0xD  }
0x135: {  	_ =	swait.ge @!p0 [sflag:s0], s1  }
0x136: {  	s1 =	ssub.s32 @!p0 $0x0, s1;
	[sflag:s0] =	ssyncset.done @!p0 $0x0  }
0x137: {  	[sflag:s0] =	ssyncadd.s32 @!p0 s1  }
0x138: {  	[bflag:$0x3] =	sbarrier.arrive $0xFFFF  }
0x139: {  	_ =	shalt  }

</sc_bundles>
